<compile_context>
chip_gen: v7x
topology: tpu7x:2x2x1
jax: 0.10.2.dev20260603
libtpu: 0.0.44.dev20260713+nightly
codegen_flags: <defaults>
</compile_context>

<pallas_src>
import functools

import jax
import jax.numpy as jnp
from jax import lax
from jax.experimental import pallas as pl
from jax.experimental.pallas import tpu as pltpu
from jax.experimental.pallas import tpu_sc as plsc

_N = 10000
_D = 128
_E = 320000
_NC = 2
_NS = 16
_NW = _NC * _NS
_EPT = _E // _NW
_K = 80
_NCH = _EPT // _K
_RPT = _N // _NS

@functools.lru_cache(maxsize=None)
def _make_sc_agg():
    mesh = plsc.VectorSubcoreMesh(core_axis_name="c", subcore_axis_name="s",
                                  num_cores=_NC, num_subcores=_NS)
    return functools.partial(
        pl.kernel,
        out_type=jax.ShapeDtypeStruct((_NC, _N, _D), jnp.float32),
        mesh=mesh,
        scratch_types=[
        pltpu.VMEM_SHARED((_N, _D), jnp.float32),
        pltpu.VMEM((_EPT,), jnp.int32),
        pltpu.VMEM((_K,), jnp.int32),
        pltpu.VMEM((_K,), jnp.int32),
        pltpu.VMEM((_K, _D), jnp.float32),
        pltpu.VMEM((_K, _D), jnp.float32),
        pltpu.SemaphoreType.DMA,
        pltpu.SemaphoreType.DMA,
        pltpu.SemaphoreType.DMA,
        pltpu.SemaphoreType.DMA,
    ],
    )(_sc_agg_body)


def _sc_agg_body(x_hbm, src_hbm, dst_hbm, out_hbm,
                 agg_sh, sb, db0, db1, rb0, rb1, semd0, semd1, semg0, semg1):
    c = lax.axis_index("c")
    s = lax.axis_index("s")
    wid = s * _NC + c
    base = wid * _EPT

    pltpu.async_copy(src_hbm.at[pl.ds(base, _EPT)], sb, semd0)

    zero16 = jnp.zeros((16,), jnp.float32)

    def _zrow(i, _):
        for j in range(_D // 16):
            rb0[i, pl.ds(j * 16, 16)] = zero16
        return 0

    lax.fori_loop(0, _K, _zrow, 0)
    r0 = s * _RPT
    for q in range(_RPT // _K):
        pltpu.sync_copy(rb0, agg_sh.at[pl.ds(r0 + q * _K, _K)])
    rem = _RPT % _K
    if rem:
        pltpu.sync_copy(rb0.at[pl.ds(0, rem)],
                        agg_sh.at[pl.ds(r0 + (_RPT // _K) * _K, rem)])
    pltpu.make_async_copy(src_hbm.at[pl.ds(base, _EPT)], sb, semd0).wait()
    plsc.subcore_barrier()

    def _dst_start(cc, db, sem):
        pltpu.async_copy(dst_hbm.at[pl.ds(base + cc * _K, _K)], db, sem)

    def _dst_wait(cc, db, sem):
        pltpu.make_async_copy(dst_hbm.at[pl.ds(base + cc * _K, _K)], db,
                              sem).wait()

    def _gather_start(cc, rb, sem):
        pltpu.async_copy(x_hbm.at[sb.at[pl.ds(cc * _K, _K)]], rb, sem)

    def _gather_wait(cc, rb, sem):
        pltpu.make_async_copy(x_hbm.at[sb.at[pl.ds(cc * _K, _K)]], rb,
                              sem).wait()

    _dst_start(0, db0, semd0)
    _dst_start(1, db1, semd1)
    _gather_start(0, rb0, semg0)

    def _half(cc, db_cur, rb_cur, semd_cur, semg_cur, rb_nxt, semg_nxt):
        @pl.when(cc + 1 < _NCH)
        def _():
            _gather_start(cc + 1, rb_nxt, semg_nxt)

        _gather_wait(cc, rb_cur, semg_cur)
        _dst_wait(cc, db_cur, semd_cur)
        pltpu.sync_copy(rb_cur, agg_sh.at[db_cur], add=True)

        @pl.when(cc + 2 < _NCH)
        def _():
            _dst_start(cc + 2, db_cur, semd_cur)

    def _body(j, _):
        c0 = 2 * j
        _half(c0, db0, rb0, semd0, semg0, rb1, semg1)
        _half(c0 + 1, db1, rb1, semd1, semg1, rb0, semg0)
        return 0

    lax.fori_loop(0, (_NCH - 1) // 2, _body, 0)
    _gather_wait(_NCH - 1, rb0, semg0)
    _dst_wait(_NCH - 1, db0, semd0)
    pltpu.sync_copy(rb0, agg_sh.at[db0], add=True)

    plsc.subcore_barrier()
    rw = _N // _NS // 8 * 8
    r0w = s * rw
    pltpu.sync_copy(agg_sh.at[pl.ds(r0w, rw)], out_hbm.at[c, pl.ds(r0w, rw)])

    @pl.when(s == _NS - 1)
    def _():
        pltpu.sync_copy(agg_sh.at[pl.ds(_NS * rw, _N - _NS * rw)],
                        out_hbm.at[c, pl.ds(_NS * rw, _N - _NS * rw)])


_BLK = 1000
_GRID = _N // _BLK


def _mm_stats_body(x_ref, p_ref, wa_ref, ba_ref, wb_ref, bb_ref, eps_ref,
                   h2_ref, st_ref):
    i = pl.program_id(0)
    t = (1.0 + eps_ref[0, 0]) * x_ref[...] + p_ref[0] + p_ref[1]
    h1 = jnp.maximum(
        jnp.dot(t.astype(jnp.bfloat16), wa_ref[...].astype(jnp.bfloat16),
                preferred_element_type=jnp.float32)
        + ba_ref[...], 0.0)
    h2 = jnp.dot(h1.astype(jnp.bfloat16), wb_ref[...].astype(jnp.bfloat16),
                 preferred_element_type=jnp.float32) + bb_ref[...]
    h2_ref[...] = h2
    st = jnp.concatenate(
        [jnp.sum(h2, axis=0, keepdims=True),
         jnp.sum(h2 * h2, axis=0, keepdims=True)], axis=0)

    @pl.when(i == 0)
    def _():
        st_ref[...] = st

    @pl.when(i > 0)
    def _():
        st_ref[...] = st_ref[...] + st


def _mm_stats(x, parts, wa, ba, wb, bb, eps):
    return pl.pallas_call(
        _mm_stats_body,
        grid=(_GRID,),
        in_specs=[
            pl.BlockSpec((_BLK, _D), lambda i: (i, 0)),
            pl.BlockSpec((_NC, _BLK, _D), lambda i: (0, i, 0)),
            pl.BlockSpec((_D, _D), lambda i: (0, 0)),
            pl.BlockSpec((1, _D), lambda i: (0, 0)),
            pl.BlockSpec((_D, _D), lambda i: (0, 0)),
            pl.BlockSpec((1, _D), lambda i: (0, 0)),
            pl.BlockSpec((1, 1), lambda i: (0, 0)),
        ],
        out_specs=[
            pl.BlockSpec((_BLK, _D), lambda i: (i, 0)),
            pl.BlockSpec((2, _D), lambda i: (0, 0)),
        ],
        out_shape=[
            jax.ShapeDtypeStruct((_N, _D), jnp.float32),
            jax.ShapeDtypeStruct((2, _D), jnp.float32),
        ],
    )(x, parts, wa, ba.reshape(1, _D), wb, bb.reshape(1, _D),
      eps.reshape(1, 1))


def _norm_body(h2_ref, st_ref, g_ref, b_ref, out_ref):
    mu = st_ref[0:1, :] * (1.0 / _N)
    var = st_ref[1:2, :] * (1.0 / _N) - mu * mu
    scale = lax.rsqrt(var + 1e-5) * g_ref[...]
    out_ref[...] = jnp.maximum((h2_ref[...] - mu) * scale + b_ref[...], 0.0)


def _norm(h2, st, g, beta):
    return pl.pallas_call(
        _norm_body,
        grid=(_GRID,),
        in_specs=[
            pl.BlockSpec((_BLK, _D), lambda i: (i, 0)),
            pl.BlockSpec((2, _D), lambda i: (0, 0)),
            pl.BlockSpec((1, _D), lambda i: (0, 0)),
            pl.BlockSpec((1, _D), lambda i: (0, 0)),
        ],
        out_specs=pl.BlockSpec((_BLK, _D), lambda i: (i, 0)),
        out_shape=jax.ShapeDtypeStruct((_N, _D), jnp.float32),
    )(h2, st, g.reshape(1, _D), beta.reshape(1, _D))


def _norm_head_body(h2_ref, st_ref, g_ref, b_ref, wc1_ref, bc1_ref,
                    wc2_ref, bc2_ref, out_ref):
    mu = st_ref[0:1, :] * (1.0 / _N)
    var = st_ref[1:2, :] * (1.0 / _N) - mu * mu
    scale = lax.rsqrt(var + 1e-5) * g_ref[...]
    h = jnp.maximum((h2_ref[...] - mu) * scale + b_ref[...], 0.0)
    z = jnp.maximum(
        jnp.dot(h.astype(jnp.bfloat16), wc1_ref[...].astype(jnp.bfloat16),
                preferred_element_type=jnp.float32)
        + bc1_ref[...], 0.0)
    out_ref[...] = (
        jnp.dot(z.astype(jnp.bfloat16), wc2_ref[...].astype(jnp.bfloat16),
                preferred_element_type=jnp.float32)
        + bc2_ref[...])


def _norm_head(h2, st, g, beta, wc1, bc1, wc2, bc2):
    return pl.pallas_call(
        _norm_head_body,
        grid=(_GRID,),
        in_specs=[
            pl.BlockSpec((_BLK, _D), lambda i: (i, 0)),
            pl.BlockSpec((2, _D), lambda i: (0, 0)),
            pl.BlockSpec((1, _D), lambda i: (0, 0)),
            pl.BlockSpec((1, _D), lambda i: (0, 0)),
            pl.BlockSpec((_D, _D // 2), lambda i: (0, 0)),
            pl.BlockSpec((1, _D // 2), lambda i: (0, 0)),
            pl.BlockSpec((_D // 2, 2), lambda i: (0, 0)),
            pl.BlockSpec((1, 2), lambda i: (0, 0)),
        ],
        out_specs=pl.BlockSpec((_BLK, 2), lambda i: (i, 0)),
        out_shape=jax.ShapeDtypeStruct((_N, 2), jnp.float32),
    )(h2, st, g.reshape(1, _D), beta.reshape(1, _D), wc1,
      bc1.reshape(1, _D // 2), wc2, bc2.reshape(1, 2))


def kernel(x, edge_index, W1a, b1a, W1b, b1b, eps1, g1, beta1,
           W2a, b2a, W2b, b2b, eps2, g2, beta2,
           W3a, b3a, W3b, b3b, eps3, g3, beta3,
           Wc1, bc1, Wc2, bc2):
    src = edge_index[0]
    dst = edge_index[1]
    h = x
    layers = [
        (W1a, b1a, W1b, b1b, eps1, g1, beta1),
        (W2a, b2a, W2b, b2b, eps2, g2, beta2),
        (W3a, b3a, W3b, b3b, eps3, g3, beta3),
    ]
    for li, (wa, ba, wb, bb, eps, g, beta) in enumerate(layers):
        parts = _make_sc_agg()(h, src, dst)
        h2, st = _mm_stats(h, parts, wa, ba, wb, bb, eps)
        if li < 2:
            h = _norm(h2, st, g, beta)
        else:
            out = _norm_head(h2, st, g, beta, Wc1, bc1, Wc2, bc2)
    return out

# --- scband reference (transcript-rebuilt; emitter-appended) ---
"""Pipeline reference for scband-fraud-gin-73907797230233 (READ-ONLY COPY).

The authoritative reference and input builder live on the scoring server;
editing this copy changes nothing except your own understanding.
"""

import jax, jax.numpy as jnp
import numpy as np

N = 10000
E = 320000
D = 128
H = 128
OUT = 2


def setup_inputs(seed: int = 0):
    key = jax.random.key(seed)
    ks = jax.random.split(key, 16)
    inp = {}
    inp["x"] = jax.random.normal(ks[0], (N, D), dtype=jnp.float32)
    inp["edge_index"] = jax.random.randint(ks[1], (2, E), 0, N, dtype=jnp.int32)
    dims = [(D, H), (H, H), (H, H)]
    k = 2
    for i, (din, dh) in enumerate(dims, start=1):
        inp[f"W{i}a"] = jax.random.normal(ks[k], (din, dh), dtype=jnp.float32) * 0.05; k += 1
        inp[f"b{i}a"] = jnp.zeros((dh,), dtype=jnp.float32)
        inp[f"W{i}b"] = jax.random.normal(ks[k], (dh, dh), dtype=jnp.float32) * 0.05; k += 1
        inp[f"b{i}b"] = jnp.zeros((dh,), dtype=jnp.float32)
        inp[f"eps{i}"] = jnp.zeros((), dtype=jnp.float32)
        inp[f"g{i}"] = jnp.ones((dh,), dtype=jnp.float32)
        inp[f"beta{i}"] = jnp.zeros((dh,), dtype=jnp.float32)
    inp["Wc1"] = jax.random.normal(ks[k], (H, H // 2), dtype=jnp.float32) * 0.05; k += 1
    inp["bc1"] = jnp.zeros((H // 2,), dtype=jnp.float32)
    inp["Wc2"] = jax.random.normal(ks[k], (H // 2, OUT), dtype=jnp.float32) * 0.05
    inp["bc2"] = jnp.zeros((OUT,), dtype=jnp.float32)
    return inp


def _gin_layer(x, src, dst, Wa, ba, Wb, bb, eps, g, beta):
    # GINConv: h_i = MLP((1+eps)*x_i + sum_{j in N(i)} x_j)
    agg = jnp.zeros_like(x).at[dst].add(x[src])
    h = (1.0 + eps) * x + agg
    h = jnp.maximum(h @ Wa + ba, 0.0) @ Wb + bb
    # BatchNorm1d (batch statistics), then ReLU; dropout is a no-op in eval
    mu = jnp.mean(h, axis=0)
    var = jnp.var(h, axis=0)
    h = (h - mu) / jnp.sqrt(var + 1e-5) * g + beta
    return jnp.maximum(h, 0.0)


def reference(x, edge_index, W1a, b1a, W1b, b1b, eps1, g1, beta1,
              W2a, b2a, W2b, b2b, eps2, g2, beta2,
              W3a, b3a, W3b, b3b, eps3, g3, beta3,
              Wc1, bc1, Wc2, bc2):
    src, dst = edge_index[0], edge_index[1]
    h = _gin_layer(x, src, dst, W1a, b1a, W1b, b1b, eps1, g1, beta1)
    h = _gin_layer(h, src, dst, W2a, b2a, W2b, b2b, eps2, g2, beta2)
    h = _gin_layer(h, src, dst, W3a, b3a, W3b, b3b, eps3, g3, beta3)
    h = jnp.maximum(h @ Wc1 + bc1, 0.0)
    return h @ Wc2 + bc2

if __name__ == "__main__":
    import jax
    _d = setup_inputs()
    print(jax.jit(kernel)(*tuple(_d.values())))

</pallas_src>

<mosaic_0001>
#map = affine_map<(d0, d1) -> (0, 0)>
#map1 = affine_map<(d0, d1) -> (0)>
#map2 = affine_map<(d0, d1) -> (0, 0, 0)>
module attributes {stable_mosaic.version = 14 : i64} {
  func.func @_sc_agg_body(%arg0: i32, %arg1: i32, %arg2: memref<10000x128xf32, #tpu.memory_space<hbm>>, %arg3: memref<320000xi32, #tpu.memory_space<hbm>>, %arg4: memref<320000xi32, #tpu.memory_space<hbm>>, %arg5: memref<2x10000x128xf32, #tpu.memory_space<hbm>>, %arg6: memref<10000x128xf32, #tpu.memory_space<vmem_shared>>, %arg7: memref<10000xi32, #tpu.memory_space<vmem>>, %arg8: memref<80xi32, #tpu.memory_space<vmem>>, %arg9: memref<80xi32, #tpu.memory_space<vmem>>, %arg10: memref<80x128xf32, #tpu.memory_space<vmem>>, %arg11: memref<80x128xf32, #tpu.memory_space<vmem>>, %arg12: memref<!tpu.dma_semaphore, #tpu.memory_space<semaphore_mem>>, %arg13: memref<!tpu.dma_semaphore, #tpu.memory_space<semaphore_mem>>, %arg14: memref<!tpu.dma_semaphore, #tpu.memory_space<semaphore_mem>>, %arg15: memref<!tpu.dma_semaphore, #tpu.memory_space<semaphore_mem>>) attributes {dimension_semantics = [#tpu.dimension_semantics<core_parallel>, #tpu.dimension_semantics<subcore_parallel>], iteration_bounds = array<i64: 2, 16>, scalar_prefetch = 0 : i64, scratch_operands = 10 : i64, tpu.core_type = #tpu.core_type<sc_vector_subcore>, window_params = [{transform_indices = #map}, {transform_indices = #map1}, {transform_indices = #map1}, {transform_indices = #map2}]} {
    %mul3A = arith.constant 2 : i32
    %mul3A_0 = arith.muli %arg1, %mul3A : i32
    %add3A = arith.addi %mul3A_0, %arg0 : i32
    %mul3A_1 = arith.constant 10000 : i32
    %mul3A_2 = arith.muli %add3A, %mul3A_1 : i32
    %dma_start3A = tpu.memref_slice %arg3[%mul3A_2] : memref<320000xi32, #tpu.memory_space<hbm>> -> memref<10000xi32, #tpu.memory_space<hbm>>
    %dma_start3A_3 = tpu.memref_slice %arg3[%mul3A_2] : memref<320000xi32, #tpu.memory_space<hbm>> -> memref<10000xi32, #tpu.memory_space<hbm>>
    tpu.enqueue_dma source(%dma_start3A_3 : memref<10000xi32, #tpu.memory_space<hbm>>) target(%arg7 : memref<10000xi32, #tpu.memory_space<vmem>>) target_semaphore(%arg12 : memref<!tpu.dma_semaphore, #tpu.memory_space<semaphore_mem>>)
    %broadcast_in_dim3A = arith.constant 0.000000e+00 : f32
    %broadcast_in_dim3A_4 = vector.broadcast %broadcast_in_dim3A : f32 to vector<16xf32>
    %scan3A = arith.constant 0 : i32
    %scan3A_5 = arith.constant 0 : i32
    %scan3A_6 = arith.constant 80 : i32
    %scan3A_7 = arith.addi %scan3A_5, %scan3A_6 : i32
    %scan3A_8 = arith.constant 1 : i32
    %scan3A_9 = scf.for %scan3A_64 = %scan3A_5 to %scan3A_7 step %scan3A_8 iter_args(%scan3A_65 = %scan3A) -> (i32)  : i32 {
      %swap3A = arith.index_cast %scan3A_64 : i32 to index
      %swap3A_66 = arith.constant 0 : index
      %swap3A_67 = tpu.vector_load %arg10[%swap3A, %swap3A_66] {strides = array<i32>} : memref<80x128xf32, #tpu.memory_space<vmem>>, vector<1x16xf32>,
      %swap3A_68 = vector.shape_cast %swap3A_67 : vector<1x16xf32> to vector<16xf32>
      %swap3A_69 = vector.shape_cast %broadcast_in_dim3A_4 : vector<16xf32> to vector<1x16xf32>
      tpu.vector_store %arg10[%swap3A, %swap3A_66], %swap3A_69 {strides = array<i32>} : memref<80x128xf32, #tpu.memory_space<vmem>>, vector<1x16xf32>,
      %swap3A_70 = arith.index_cast %scan3A_64 : i32 to index
      %swap3A_71 = arith.constant 16 : index
      %swap3A_72 = tpu.vector_load %arg10[%swap3A_70, %swap3A_71] {strides = array<i32>} : memref<80x128xf32, #tpu.memory_space<vmem>>, vector<1x16xf32>,
      %swap3A_73 = vector.shape_cast %swap3A_72 : vector<1x16xf32> to vector<16xf32>
      %swap3A_74 = vector.shape_cast %broadcast_in_dim3A_4 : vector<16xf32> to vector<1x16xf32>
      tpu.vector_store %arg10[%swap3A_70, %swap3A_71], %swap3A_74 {strides = array<i32>} : memref<80x128xf32, #tpu.memory_space<vmem>>, vector<1x16xf32>,
      %swap3A_75 = arith.index_cast %scan3A_64 : i32 to index
      %swap3A_76 = arith.constant 32 : index
      %swap3A_77 = tpu.vector_load %arg10[%swap3A_75, %swap3A_76] {strides = array<i32>} : memref<80x128xf32, #tpu.memory_space<vmem>>, vector<1x16xf32>,
      %swap3A_78 = vector.shape_cast %swap3A_77 : vector<1x16xf32> to vector<16xf32>
      %swap3A_79 = vector.shape_cast %broadcast_in_dim3A_4 : vector<16xf32> to vector<1x16xf32>
      tpu.vector_store %arg10[%swap3A_75, %swap3A_76], %swap3A_79 {strides = array<i32>} : memref<80x128xf32, #tpu.memory_space<vmem>>, vector<1x16xf32>,
      %swap3A_80 = arith.index_cast %scan3A_64 : i32 to index
      %swap3A_81 = arith.constant 48 : index
      %swap3A_82 = tpu.vector_load %arg10[%swap3A_80, %swap3A_81] {strides = array<i32>} : memref<80x128xf32, #tpu.memory_space<vmem>>, vector<1x16xf32>,
      %swap3A_83 = vector.shape_cast %swap3A_82 : vector<1x16xf32> to vector<16xf32>
      %swap3A_84 = vector.shape_cast %broadcast_in_dim3A_4 : vector<16xf32> to vector<1x16xf32>
      tpu.vector_store %arg10[%swap3A_80, %swap3A_81], %swap3A_84 {strides = array<i32>} : memref<80x128xf32, #tpu.memory_space<vmem>>, vector<1x16xf32>,
      %swap3A_85 = arith.index_cast %scan3A_64 : i32 to index
      %swap3A_86 = arith.constant 64 : index
      %swap3A_87 = tpu.vector_load %arg10[%swap3A_85, %swap3A_86] {strides = array<i32>} : memref<80x128xf32, #tpu.memory_space<vmem>>, vector<1x16xf32>,
      %swap3A_88 = vector.shape_cast %swap3A_87 : vector<1x16xf32> to vector<16xf32>
      %swap3A_89 = vector.shape_cast %broadcast_in_dim3A_4 : vector<16xf32> to vector<1x16xf32>
      tpu.vector_store %arg10[%swap3A_85, %swap3A_86], %swap3A_89 {strides = array<i32>} : memref<80x128xf32, #tpu.memory_space<vmem>>, vector<1x16xf32>,
      %swap3A_90 = arith.index_cast %scan3A_64 : i32 to index
      %swap3A_91 = arith.constant 80 : index
      %swap3A_92 = tpu.vector_load %arg10[%swap3A_90, %swap3A_91] {strides = array<i32>} : memref<80x128xf32, #tpu.memory_space<vmem>>, vector<1x16xf32>,
      %swap3A_93 = vector.shape_cast %swap3A_92 : vector<1x16xf32> to vector<16xf32>
      %swap3A_94 = vector.shape_cast %broadcast_in_dim3A_4 : vector<16xf32> to vector<1x16xf32>
      tpu.vector_store %arg10[%swap3A_90, %swap3A_91], %swap3A_94 {strides = array<i32>} : memref<80x128xf32, #tpu.memory_space<vmem>>, vector<1x16xf32>,
      %swap3A_95 = arith.index_cast %scan3A_64 : i32 to index
      %swap3A_96 = arith.constant 96 : index
      %swap3A_97 = tpu.vector_load %arg10[%swap3A_95, %swap3A_96] {strides = array<i32>} : memref<80x128xf32, #tpu.memory_space<vmem>>, vector<1x16xf32>,
      %swap3A_98 = vector.shape_cast %swap3A_97 : vector<1x16xf32> to vector<16xf32>
      %swap3A_99 = vector.shape_cast %broadcast_in_dim3A_4 : vector<16xf32> to vector<1x16xf32>
      tpu.vector_store %arg10[%swap3A_95, %swap3A_96], %swap3A_99 {strides = array<i32>} : memref<80x128xf32, #tpu.memory_space<vmem>>, vector<1x16xf32>,
      %swap3A_100 = arith.index_cast %scan3A_64 : i32 to index
      %swap3A_101 = arith.constant 112 : index
      %swap3A_102 = tpu.vector_load %arg10[%swap3A_100, %swap3A_101] {strides = array<i32>} : memref<80x128xf32, #tpu.memory_space<vmem>>, vector<1x16xf32>,
      %swap3A_103 = vector.shape_cast %swap3A_102 : vector<1x16xf32> to vector<16xf32>
      %swap3A_104 = vector.shape_cast %broadcast_in_dim3A_4 : vector<16xf32> to vector<1x16xf32>
      tpu.vector_store %arg10[%swap3A_100, %swap3A_101], %swap3A_104 {strides = array<i32>} : memref<80x128xf32, #tpu.memory_space<vmem>>, vector<1x16xf32>,
      %scan3A_105 = arith.constant 0 : i32
      scf.yield %scan3A_105 : i32
    }
    %scan3A_10 = arith.constant 80 : i32
    %mul3A_11 = arith.constant 625 : i32
    %mul3A_12 = arith.muli %arg1, %mul3A_11 : i32
    %add3A_13 = arith.constant 0 : i32
    %add3A_14 = arith.addi %mul3A_12, %add3A_13 : i32
    "tpu.region"() ({
      %run_scoped3A = tpu.sem_alloc : memref<!tpu.dma_semaphore, #tpu.memory_space<semaphore_mem>>
      %dma_start3A_64 = arith.constant 0 : i32
      %dma_start3A_65 = tpu.memref_slice %arg6[%add3A_14, %dma_start3A_64] : memref<10000x128xf32, #tpu.memory_space<vmem_shared>> -> memref<80x128xf32, #tpu.memory_space<vmem_shared>>
      %dma_start3A_66 = arith.constant 0 : i32
      %dma_start3A_67 = tpu.memref_slice %arg6[%add3A_14, %dma_start3A_66] : memref<10000x128xf32, #tpu.memory_space<vmem_shared>> -> memref<80x128xf32, #tpu.memory_space<vmem_shared>>
      tpu.enqueue_dma source(%arg10 : memref<80x128xf32, #tpu.memory_space<vmem>>) target(%dma_start3A_67 : memref<80x128xf32, #tpu.memory_space<vmem_shared>>) target_semaphore(%run_scoped3A : memref<!tpu.dma_semaphore, #tpu.memory_space<semaphore_mem>>)
      %dma_wait3A_68 = arith.constant 0 : i32
      %dma_wait3A_69 = tpu.memref_slice %arg6[%add3A_14, %dma_wait3A_68] : memref<10000x128xf32, #tpu.memory_space<vmem_shared>> -> memref<80x128xf32, #tpu.memory_space<vmem_shared>>
      %dma_wait3A_70 = arith.constant 0 : i32
      %dma_wait3A_71 = tpu.memref_slice %arg6[%add3A_14, %dma_wait3A_70] : memref<10000x128xf32, #tpu.memory_space<vmem_shared>> -> memref<80x128xf32, #tpu.memory_space<vmem_shared>>
      tpu.wait_dma2 semaphore(%run_scoped3A : memref<!tpu.dma_semaphore, #tpu.memory_space<semaphore_mem>>) src(%arg10 : memref<80x128xf32, #tpu.memory_space<vmem>>) dst(%dma_wait3A_71 : memref<80x128xf32, #tpu.memory_space<vmem_shared>>)
      tpu.yield
    }) : () -> ()
    %add3A_15 = arith.constant 80 : i32
    %add3A_16 = arith.addi %mul3A_12, %add3A_15 : i32
    "tpu.region"() ({
      %run_scoped3A = tpu.sem_alloc : memref<!tpu.dma_semaphore, #tpu.memory_space<semaphore_mem>>
      %dma_start3A_64 = arith.constant 0 : i32
      %dma_start3A_65 = tpu.memref_slice %arg6[%add3A_16, %dma_start3A_64] : memref<10000x128xf32, #tpu.memory_space<vmem_shared>> -> memref<80x128xf32, #tpu.memory_space<vmem_shared>>
      %dma_start3A_66 = arith.constant 0 : i32
      %dma_start3A_67 = tpu.memref_slice %arg6[%add3A_16, %dma_start3A_66] : memref<10000x128xf32, #tpu.memory_space<vmem_shared>> -> memref<80x128xf32, #tpu.memory_space<vmem_shared>>
      tpu.enqueue_dma source(%arg10 : memref<80x128xf32, #tpu.memory_space<vmem>>) target(%dma_start3A_67 : memref<80x128xf32, #tpu.memory_space<vmem_shared>>) target_semaphore(%run_scoped3A : memref<!tpu.dma_semaphore, #tpu.memory_space<semaphore_mem>>)
      %dma_wait3A_68 = arith.constant 0 : i32
      %dma_wait3A_69 = tpu.memref_slice %arg6[%add3A_16, %dma_wait3A_68] : memref<10000x128xf32, #tpu.memory_space<vmem_shared>> -> memref<80x128xf32, #tpu.memory_space<vmem_shared>>
      %dma_wait3A_70 = arith.constant 0 : i32
      %dma_wait3A_71 = tpu.memref_slice %arg6[%add3A_16, %dma_wait3A_70] : memref<10000x128xf32, #tpu.memory_space<vmem_shared>> -> memref<80x128xf32, #tpu.memory_space<vmem_shared>>
      tpu.wait_dma2 semaphore(%run_scoped3A : memref<!tpu.dma_semaphore, #tpu.memory_space<semaphore_mem>>) src(%arg10 : memref<80x128xf32, #tpu.memory_space<vmem>>) dst(%dma_wait3A_71 : memref<80x128xf32, #tpu.memory_space<vmem_shared>>)
      tpu.yield
    }) : () -> ()
    %add3A_17 = arith.constant 160 : i32
    %add3A_18 = arith.addi %mul3A_12, %add3A_17 : i32
    "tpu.region"() ({
      %run_scoped3A = tpu.sem_alloc : memref<!tpu.dma_semaphore, #tpu.memory_space<semaphore_mem>>
      %dma_start3A_64 = arith.constant 0 : i32
      %dma_start3A_65 = tpu.memref_slice %arg6[%add3A_18, %dma_start3A_64] : memref<10000x128xf32, #tpu.memory_space<vmem_shared>> -> memref<80x128xf32, #tpu.memory_space<vmem_shared>>
      %dma_start3A_66 = arith.constant 0 : i32
      %dma_start3A_67 = tpu.memref_slice %arg6[%add3A_18, %dma_start3A_66] : memref<10000x128xf32, #tpu.memory_space<vmem_shared>> -> memref<80x128xf32, #tpu.memory_space<vmem_shared>>
      tpu.enqueue_dma source(%arg10 : memref<80x128xf32, #tpu.memory_space<vmem>>) target(%dma_start3A_67 : memref<80x128xf32, #tpu.memory_space<vmem_shared>>) target_semaphore(%run_scoped3A : memref<!tpu.dma_semaphore, #tpu.memory_space<semaphore_mem>>)
      %dma_wait3A_68 = arith.constant 0 : i32
      %dma_wait3A_69 = tpu.memref_slice %arg6[%add3A_18, %dma_wait3A_68] : memref<10000x128xf32, #tpu.memory_space<vmem_shared>> -> memref<80x128xf32, #tpu.memory_space<vmem_shared>>
      %dma_wait3A_70 = arith.constant 0 : i32
      %dma_wait3A_71 = tpu.memref_slice %arg6[%add3A_18, %dma_wait3A_70] : memref<10000x128xf32, #tpu.memory_space<vmem_shared>> -> memref<80x128xf32, #tpu.memory_space<vmem_shared>>
      tpu.wait_dma2 semaphore(%run_scoped3A : memref<!tpu.dma_semaphore, #tpu.memory_space<semaphore_mem>>) src(%arg10 : memref<80x128xf32, #tpu.memory_space<vmem>>) dst(%dma_wait3A_71 : memref<80x128xf32, #tpu.memory_space<vmem_shared>>)
      tpu.yield
    }) : () -> ()
    %add3A_19 = arith.constant 240 : i32
    %add3A_20 = arith.addi %mul3A_12, %add3A_19 : i32
    "tpu.region"() ({
      %run_scoped3A = tpu.sem_alloc : memref<!tpu.dma_semaphore, #tpu.memory_space<semaphore_mem>>
      %dma_start3A_64 = arith.constant 0 : i32
      %dma_start3A_65 = tpu.memref_slice %arg6[%add3A_20, %dma_start3A_64] : memref<10000x128xf32, #tpu.memory_space<vmem_shared>> -> memref<80x128xf32, #tpu.memory_space<vmem_shared>>
      %dma_start3A_66 = arith.constant 0 : i32
      %dma_start3A_67 = tpu.memref_slice %arg6[%add3A_20, %dma_start3A_66] : memref<10000x128xf32, #tpu.memory_space<vmem_shared>> -> memref<80x128xf32, #tpu.memory_space<vmem_shared>>
      tpu.enqueue_dma source(%arg10 : memref<80x128xf32, #tpu.memory_space<vmem>>) target(%dma_start3A_67 : memref<80x128xf32, #tpu.memory_space<vmem_shared>>) target_semaphore(%run_scoped3A : memref<!tpu.dma_semaphore, #tpu.memory_space<semaphore_mem>>)
      %dma_wait3A_68 = arith.constant 0 : i32
      %dma_wait3A_69 = tpu.memref_slice %arg6[%add3A_20, %dma_wait3A_68] : memref<10000x128xf32, #tpu.memory_space<vmem_shared>> -> memref<80x128xf32, #tpu.memory_space<vmem_shared>>
      %dma_wait3A_70 = arith.constant 0 : i32
      %dma_wait3A_71 = tpu.memref_slice %arg6[%add3A_20, %dma_wait3A_70] : memref<10000x128xf32, #tpu.memory_space<vmem_shared>> -> memref<80x128xf32, #tpu.memory_space<vmem_shared>>
      tpu.wait_dma2 semaphore(%run_scoped3A : memref<!tpu.dma_semaphore, #tpu.memory_space<semaphore_mem>>) src(%arg10 : memref<80x128xf32, #tpu.memory_space<vmem>>) dst(%dma_wait3A_71 : memref<80x128xf32, #tpu.memory_space<vmem_shared>>)
      tpu.yield
    }) : () -> ()
    %add3A_21 = arith.constant 320 : i32
    %add3A_22 = arith.addi %mul3A_12, %add3A_21 : i32
    "tpu.region"() ({
      %run_scoped3A = tpu.sem_alloc : memref<!tpu.dma_semaphore, #tpu.memory_space<semaphore_mem>>
      %dma_start3A_64 = arith.constant 0 : i32
      %dma_start3A_65 = tpu.memref_slice %arg6[%add3A_22, %dma_start3A_64] : memref<10000x128xf32, #tpu.memory_space<vmem_shared>> -> memref<80x128xf32, #tpu.memory_space<vmem_shared>>
      %dma_start3A_66 = arith.constant 0 : i32
      %dma_start3A_67 = tpu.memref_slice %arg6[%add3A_22, %dma_start3A_66] : memref<10000x128xf32, #tpu.memory_space<vmem_shared>> -> memref<80x128xf32, #tpu.memory_space<vmem_shared>>
      tpu.enqueue_dma source(%arg10 : memref<80x128xf32, #tpu.memory_space<vmem>>) target(%dma_start3A_67 : memref<80x128xf32, #tpu.memory_space<vmem_shared>>) target_semaphore(%run_scoped3A : memref<!tpu.dma_semaphore, #tpu.memory_space<semaphore_mem>>)
      %dma_wait3A_68 = arith.constant 0 : i32
      %dma_wait3A_69 = tpu.memref_slice %arg6[%add3A_22, %dma_wait3A_68] : memref<10000x128xf32, #tpu.memory_space<vmem_shared>> -> memref<80x128xf32, #tpu.memory_space<vmem_shared>>
      %dma_wait3A_70 = arith.constant 0 : i32
      %dma_wait3A_71 = tpu.memref_slice %arg6[%add3A_22, %dma_wait3A_70] : memref<10000x128xf32, #tpu.memory_space<vmem_shared>> -> memref<80x128xf32, #tpu.memory_space<vmem_shared>>
      tpu.wait_dma2 semaphore(%run_scoped3A : memref<!tpu.dma_semaphore, #tpu.memory_space<semaphore_mem>>) src(%arg10 : memref<80x128xf32, #tpu.memory_space<vmem>>) dst(%dma_wait3A_71 : memref<80x128xf32, #tpu.memory_space<vmem_shared>>)
      tpu.yield
    }) : () -> ()
    %add3A_23 = arith.constant 400 : i32
    %add3A_24 = arith.addi %mul3A_12, %add3A_23 : i32
    "tpu.region"() ({
      %run_scoped3A = tpu.sem_alloc : memref<!tpu.dma_semaphore, #tpu.memory_space<semaphore_mem>>
      %dma_start3A_64 = arith.constant 0 : i32
      %dma_start3A_65 = tpu.memref_slice %arg6[%add3A_24, %dma_start3A_64] : memref<10000x128xf32, #tpu.memory_space<vmem_shared>> -> memref<80x128xf32, #tpu.memory_space<vmem_shared>>
      %dma_start3A_66 = arith.constant 0 : i32
      %dma_start3A_67 = tpu.memref_slice %arg6[%add3A_24, %dma_start3A_66] : memref<10000x128xf32, #tpu.memory_space<vmem_shared>> -> memref<80x128xf32, #tpu.memory_space<vmem_shared>>
      tpu.enqueue_dma source(%arg10 : memref<80x128xf32, #tpu.memory_space<vmem>>) target(%dma_start3A_67 : memref<80x128xf32, #tpu.memory_space<vmem_shared>>) target_semaphore(%run_scoped3A : memref<!tpu.dma_semaphore, #tpu.memory_space<semaphore_mem>>)
      %dma_wait3A_68 = arith.constant 0 : i32
      %dma_wait3A_69 = tpu.memref_slice %arg6[%add3A_24, %dma_wait3A_68] : memref<10000x128xf32, #tpu.memory_space<vmem_shared>> -> memref<80x128xf32, #tpu.memory_space<vmem_shared>>
      %dma_wait3A_70 = arith.constant 0 : i32
      %dma_wait3A_71 = tpu.memref_slice %arg6[%add3A_24, %dma_wait3A_70] : memref<10000x128xf32, #tpu.memory_space<vmem_shared>> -> memref<80x128xf32, #tpu.memory_space<vmem_shared>>
      tpu.wait_dma2 semaphore(%run_scoped3A : memref<!tpu.dma_semaphore, #tpu.memory_space<semaphore_mem>>) src(%arg10 : memref<80x128xf32, #tpu.memory_space<vmem>>) dst(%dma_wait3A_71 : memref<80x128xf32, #tpu.memory_space<vmem_shared>>)
      tpu.yield
    }) : () -> ()
    %add3A_25 = arith.constant 480 : i32
    %add3A_26 = arith.addi %mul3A_12, %add3A_25 : i32
    "tpu.region"() ({
      %run_scoped3A = tpu.sem_alloc : memref<!tpu.dma_semaphore, #tpu.memory_space<semaphore_mem>>
      %dma_start3A_64 = arith.constant 0 : i32
      %dma_start3A_65 = tpu.memref_slice %arg6[%add3A_26, %dma_start3A_64] : memref<10000x128xf32, #tpu.memory_space<vmem_shared>> -> memref<80x128xf32, #tpu.memory_space<vmem_shared>>
      %dma_start3A_66 = arith.constant 0 : i32
      %dma_start3A_67 = tpu.memref_slice %arg6[%add3A_26, %dma_start3A_66] : memref<10000x128xf32, #tpu.memory_space<vmem_shared>> -> memref<80x128xf32, #tpu.memory_space<vmem_shared>>
      tpu.enqueue_dma source(%arg10 : memref<80x128xf32, #tpu.memory_space<vmem>>) target(%dma_start3A_67 : memref<80x128xf32, #tpu.memory_space<vmem_shared>>) target_semaphore(%run_scoped3A : memref<!tpu.dma_semaphore, #tpu.memory_space<semaphore_mem>>)
      %dma_wait3A_68 = arith.constant 0 : i32
      %dma_wait3A_69 = tpu.memref_slice %arg6[%add3A_26, %dma_wait3A_68] : memref<10000x128xf32, #tpu.memory_space<vmem_shared>> -> memref<80x128xf32, #tpu.memory_space<vmem_shared>>
      %dma_wait3A_70 = arith.constant 0 : i32
      %dma_wait3A_71 = tpu.memref_slice %arg6[%add3A_26, %dma_wait3A_70] : memref<10000x128xf32, #tpu.memory_space<vmem_shared>> -> memref<80x128xf32, #tpu.memory_space<vmem_shared>>
      tpu.wait_dma2 semaphore(%run_scoped3A : memref<!tpu.dma_semaphore, #tpu.memory_space<semaphore_mem>>) src(%arg10 : memref<80x128xf32, #tpu.memory_space<vmem>>) dst(%dma_wait3A_71 : memref<80x128xf32, #tpu.memory_space<vmem_shared>>)
      tpu.yield
    }) : () -> ()
    %add3A_27 = arith.constant 560 : i32
    %add3A_28 = arith.addi %mul3A_12, %add3A_27 : i32
    "tpu.region"() ({
      %run_scoped3A = tpu.sem_alloc : memref<!tpu.dma_semaphore, #tpu.memory_space<semaphore_mem>>
      %dma_start3A_64 = arith.constant 0 : i32
      %dma_start3A_65 = arith.constant 0 : i32
      %dma_start3A_66 = tpu.memref_slice %arg10[%dma_start3A_64, %dma_start3A_65] : memref<80x128xf32, #tpu.memory_space<vmem>> -> memref<65x128xf32, #tpu.memory_space<vmem>>
      %dma_start3A_67 = arith.constant 0 : i32
      %dma_start3A_68 = tpu.memref_slice %arg6[%add3A_28, %dma_start3A_67] : memref<10000x128xf32, #tpu.memory_space<vmem_shared>> -> memref<65x128xf32, #tpu.memory_space<vmem_shared>>
      %dma_start3A_69 = arith.constant 0 : i32
      %dma_start3A_70 = tpu.memref_slice %arg6[%add3A_28, %dma_start3A_69] : memref<10000x128xf32, #tpu.memory_space<vmem_shared>> -> memref<65x128xf32, #tpu.memory_space<vmem_shared>>
      %dma_start3A_71 = arith.constant 0 : i32
      %dma_start3A_72 = arith.constant 0 : i32
      %dma_start3A_73 = tpu.memref_slice %arg10[%dma_start3A_71, %dma_start3A_72] : memref<80x128xf32, #tpu.memory_space<vmem>> -> memref<65x128xf32, #tpu.memory_space<vmem>>
      tpu.enqueue_dma source(%dma_start3A_73 : memref<65x128xf32, #tpu.memory_space<vmem>>) target(%dma_start3A_70 : memref<65x128xf32, #tpu.memory_space<vmem_shared>>) target_semaphore(%run_scoped3A : memref<!tpu.dma_semaphore, #tpu.memory_space<semaphore_mem>>)
      %dma_wait3A_74 = arith.constant 0 : i32
      %dma_wait3A_75 = arith.constant 0 : i32
      %dma_wait3A_76 = tpu.memref_slice %arg10[%dma_wait3A_74, %dma_wait3A_75] : memref<80x128xf32, #tpu.memory_space<vmem>> -> memref<65x128xf32, #tpu.memory_space<vmem>>
      %dma_wait3A_77 = arith.constant 0 : i32
      %dma_wait3A_78 = tpu.memref_slice %arg6[%add3A_28, %dma_wait3A_77] : memref<10000x128xf32, #tpu.memory_space<vmem_shared>> -> memref<65x128xf32, #tpu.memory_space<vmem_shared>>
      %dma_wait3A_79 = arith.constant 0 : i32
      %dma_wait3A_80 = tpu.memref_slice %arg6[%add3A_28, %dma_wait3A_79] : memref<10000x128xf32, #tpu.memory_space<vmem_shared>> -> memref<65x128xf32, #tpu.memory_space<vmem_shared>>
      %dma_wait3A_81 = arith.constant 0 : i32
      %dma_wait3A_82 = arith.constant 0 : i32
      %dma_wait3A_83 = tpu.memref_slice %arg10[%dma_wait3A_81, %dma_wait3A_82] : memref<80x128xf32, #tpu.memory_space<vmem>> -> memref<65x128xf32, #tpu.memory_space<vmem>>
      tpu.wait_dma2 semaphore(%run_scoped3A : memref<!tpu.dma_semaphore, #tpu.memory_space<semaphore_mem>>) src(%dma_wait3A_83 : memref<65x128xf32, #tpu.memory_space<vmem>>) dst(%dma_wait3A_80 : memref<65x128xf32, #tpu.memory_space<vmem_shared>>)
      tpu.yield
    }) : () -> ()
    %dma_wait3A = tpu.memref_slice %arg3[%mul3A_2] : memref<320000xi32, #tpu.memory_space<hbm>> -> memref<10000xi32, #tpu.memory_space<hbm>>
    %dma_wait3A_29 = tpu.memref_slice %arg3[%mul3A_2] : memref<320000xi32, #tpu.memory_space<hbm>> -> memref<10000xi32, #tpu.memory_space<hbm>>
    tpu.wait_dma2 semaphore(%arg12 : memref<!tpu.dma_semaphore, #tpu.memory_space<semaphore_mem>>) src(%dma_wait3A_29 : memref<10000xi32, #tpu.memory_space<hbm>>) dst(%arg7 : memref<10000xi32, #tpu.memory_space<vmem>>)
    %barrier3A = arith.constant 0 : index
    tpu.barrier barrier_id(%barrier3A)
    %add3A_30 = arith.constant 0 : i32
    %add3A_31 = arith.addi %mul3A_2, %add3A_30 : i32
    %dma_start3A_32 = tpu.memref_slice %arg4[%add3A_31] : memref<320000xi32, #tpu.memory_space<hbm>> -> memref<80xi32, #tpu.memory_space<hbm>>
    %dma_start3A_33 = tpu.memref_slice %arg4[%add3A_31] : memref<320000xi32, #tpu.memory_space<hbm>> -> memref<80xi32, #tpu.memory_space<hbm>>
    tpu.enqueue_dma source(%dma_start3A_33 : memref<80xi32, #tpu.memory_space<hbm>>) target(%arg8 : memref<80xi32, #tpu.memory_space<vmem>>) target_semaphore(%arg12 : memref<!tpu.dma_semaphore, #tpu.memory_space<semaphore_mem>>)
    %add3A_34 = arith.constant 80 : i32
    %add3A_35 = arith.addi %mul3A_2, %add3A_34 : i32
    %dma_start3A_36 = tpu.memref_slice %arg4[%add3A_35] : memref<320000xi32, #tpu.memory_space<hbm>> -> memref<80xi32, #tpu.memory_space<hbm>>
    %dma_start3A_37 = tpu.memref_slice %arg4[%add3A_35] : memref<320000xi32, #tpu.memory_space<hbm>> -> memref<80xi32, #tpu.memory_space<hbm>>
    tpu.enqueue_dma source(%dma_start3A_37 : memref<80xi32, #tpu.memory_space<hbm>>) target(%arg9 : memref<80xi32, #tpu.memory_space<vmem>>) target_semaphore(%arg13 : memref<!tpu.dma_semaphore, #tpu.memory_space<semaphore_mem>>)
    %dma_start3A_38 = arith.constant 0 : i32
    %dma_start3A_39 = tpu.memref_slice %arg7[%dma_start3A_38] : memref<10000xi32, #tpu.memory_space<vmem>> -> memref<80xi32, #tpu.memory_space<vmem>>
    %dma_start3A_40 = arith.constant 0 : i32
    %dma_start3A_41 = arith.constant 0 : i32
    %dma_start3A_42 = tpu.memref_slice %arg2[%dma_start3A_40, %dma_start3A_41] : memref<10000x128xf32, #tpu.memory_space<hbm>> -> memref<10000x128xf32, #tpu.memory_space<hbm>>
    tpu.enqueue_indirect_dma source(%dma_start3A_42 : memref<10000x128xf32, #tpu.memory_space<hbm>>) target(%arg10 : memref<80x128xf32, #tpu.memory_space<vmem>>) offsets(%dma_start3A_39 : memref<80xi32, #tpu.memory_space<vmem>>) semaphore(%arg14 : memref<!tpu.dma_semaphore, #tpu.memory_space<semaphore_mem>>)
    %scan3A_43 = arith.constant 0 : i32
    %scan3A_44 = arith.constant 0 : i32
    %scan3A_45 = arith.constant 62 : i32
    %scan3A_46 = arith.addi %scan3A_44, %scan3A_45 : i32
    %scan3A_47 = arith.constant 1 : i32
    %scan3A_48 = scf.for %scan3A_64 = %scan3A_44 to %scan3A_46 step %scan3A_47 iter_args(%scan3A_65 = %scan3A_43) -> (i32)  : i32 {
      %mul3A_66 = arith.constant 2 : i32
      %mul3A_67 = arith.muli %mul3A_66, %scan3A_64 : i32
      %add3A_68 = arith.constant 1 : i32
      %add3A_69 = arith.addi %mul3A_67, %add3A_68 : i32
      %lt3A = arith.constant 125 : i32
      %lt3A_70 = arith.cmpi slt, %add3A_69, %lt3A : i32
      %convert_element_type3A_71 = arith.extui %lt3A_70 : i1 to i32
      %cond3A_72 = arith.constant 0 : i32
      %cond3A_73 = arith.cmpi ne, %convert_element_type3A_71, %cond3A_72 : i32
      scf.if %cond3A_73 {
        %add3A_120 = arith.constant 1 : i32
        %add3A_121 = arith.addi %mul3A_67, %add3A_120 : i32
        %mul3A_122 = arith.constant 80 : i32
        %mul3A_123 = arith.muli %add3A_121, %mul3A_122 : i32
        %dma_start3A_124 = tpu.memref_slice %arg7[%mul3A_123] : memref<10000xi32, #tpu.memory_space<vmem>> -> memref<80xi32, #tpu.memory_space<vmem>>
        %dma_start3A_125 = arith.constant 0 : i32
        %dma_start3A_126 = arith.constant 0 : i32
        %dma_start3A_127 = tpu.memref_slice %arg2[%dma_start3A_125, %dma_start3A_126] : memref<10000x128xf32, #tpu.memory_space<hbm>> -> memref<10000x128xf32, #tpu.memory_space<hbm>>
        tpu.enqueue_indirect_dma source(%dma_start3A_127 : memref<10000x128xf32, #tpu.memory_space<hbm>>) target(%arg11 : memref<80x128xf32, #tpu.memory_space<vmem>>) offsets(%dma_start3A_124 : memref<80xi32, #tpu.memory_space<vmem>>) semaphore(%arg15 : memref<!tpu.dma_semaphore, #tpu.memory_space<semaphore_mem>>)
      } else {
      }
      %mul3A_74 = arith.constant 80 : i32
      %mul3A_75 = arith.muli %mul3A_67, %mul3A_74 : i32
      %dma_wait3A_76 = tpu.memref_slice %arg7[%mul3A_75] : memref<10000xi32, #tpu.memory_space<vmem>> -> memref<80xi32, #tpu.memory_space<vmem>>
      %dma_wait3A_77 = arith.constant 0 : i32
      %dma_wait3A_78 = arith.constant 0 : i32
      %dma_wait3A_79 = tpu.memref_slice %arg2[%dma_wait3A_77, %dma_wait3A_78] : memref<10000x128xf32, #tpu.memory_space<hbm>> -> memref<10000x128xf32, #tpu.memory_space<hbm>>
      tpu.wait_indirect_dma semaphore(%arg14 : memref<!tpu.dma_semaphore, #tpu.memory_space<semaphore_mem>>) src(%dma_wait3A_79 : memref<10000x128xf32, #tpu.memory_space<hbm>>) dst(%arg10 : memref<80x128xf32, #tpu.memory_space<vmem>>)
      %mul3A_80 = arith.constant 80 : i32
      %mul3A_81 = arith.muli %mul3A_67, %mul3A_80 : i32
      %add3A_82 = arith.addi %mul3A_2, %mul3A_81 : i32
      %dma_wait3A_83 = tpu.memref_slice %arg4[%add3A_82] : memref<320000xi32, #tpu.memory_space<hbm>> -> memref<80xi32, #tpu.memory_space<hbm>>
      %dma_wait3A_84 = tpu.memref_slice %arg4[%add3A_82] : memref<320000xi32, #tpu.memory_space<hbm>> -> memref<80xi32, #tpu.memory_space<hbm>>
      tpu.wait_dma2 semaphore(%arg12 : memref<!tpu.dma_semaphore, #tpu.memory_space<semaphore_mem>>) src(%dma_wait3A_84 : memref<80xi32, #tpu.memory_space<hbm>>) dst(%arg8 : memref<80xi32, #tpu.memory_space<vmem>>)
      "tpu.region"() ({
        %run_scoped3A = tpu.sem_alloc : memref<!tpu.dma_semaphore, #tpu.memory_space<semaphore_mem>>
        %dma_start3A_120 = arith.constant 0 : i32
        %dma_start3A_121 = arith.constant 0 : i32
        %dma_start3A_122 = tpu.memref_slice %arg6[%dma_start3A_120, %dma_start3A_121] : memref<10000x128xf32, #tpu.memory_space<vmem_shared>> -> memref<10000x128xf32, #tpu.memory_space<vmem_shared>>
        tpu.enqueue_indirect_dma source(%arg10 : memref<80x128xf32, #tpu.memory_space<vmem>>) target(%dma_start3A_122 : memref<10000x128xf32, #tpu.memory_space<vmem_shared>>) offsets(%arg8 : memref<80xi32, #tpu.memory_space<vmem>>) semaphore(%run_scoped3A : memref<!tpu.dma_semaphore, #tpu.memory_space<semaphore_mem>>) {add = true}
        %dma_wait3A_123 = arith.constant 0 : i32
        %dma_wait3A_124 = arith.constant 0 : i32
        %dma_wait3A_125 = tpu.memref_slice %arg6[%dma_wait3A_123, %dma_wait3A_124] : memref<10000x128xf32, #tpu.memory_space<vmem_shared>> -> memref<10000x128xf32, #tpu.memory_space<vmem_shared>>
        tpu.wait_indirect_dma semaphore(%run_scoped3A : memref<!tpu.dma_semaphore, #tpu.memory_space<semaphore_mem>>) src(%arg10 : memref<80x128xf32, #tpu.memory_space<vmem>>) dst(%dma_wait3A_125 : memref<10000x128xf32, #tpu.memory_space<vmem_shared>>)
        tpu.yield
      }) : () -> ()
      %add3A_85 = arith.constant 2 : i32
      %add3A_86 = arith.addi %mul3A_67, %add3A_85 : i32
      %lt3A_87 = arith.constant 125 : i32
      %lt3A_88 = arith.cmpi slt, %add3A_86, %lt3A_87 : i32
      %convert_element_type3A_89 = arith.extui %lt3A_88 : i1 to i32
      %cond3A_90 = arith.constant 0 : i32
      %cond3A_91 = arith.cmpi ne, %convert_element_type3A_89, %cond3A_90 : i32
      scf.if %cond3A_91 {
        %add3A_120 = arith.constant 2 : i32
        %add3A_121 = arith.addi %mul3A_67, %add3A_120 : i32
        %mul3A_122 = arith.constant 80 : i32
        %mul3A_123 = arith.muli %add3A_121, %mul3A_122 : i32
        %add3A_124 = arith.addi %mul3A_2, %mul3A_123 : i32
        %dma_start3A_125 = tpu.memref_slice %arg4[%add3A_124] : memref<320000xi32, #tpu.memory_space<hbm>> -> memref<80xi32, #tpu.memory_space<hbm>>
        %dma_start3A_126 = tpu.memref_slice %arg4[%add3A_124] : memref<320000xi32, #tpu.memory_space<hbm>> -> memref<80xi32, #tpu.memory_space<hbm>>
        tpu.enqueue_dma source(%dma_start3A_126 : memref<80xi32, #tpu.memory_space<hbm>>) target(%arg8 : memref<80xi32, #tpu.memory_space<vmem>>) target_semaphore(%arg12 : memref<!tpu.dma_semaphore, #tpu.memory_space<semaphore_mem>>)
      } else {
      }
      %add3A_92 = arith.constant 1 : i32
      %add3A_93 = arith.addi %mul3A_67, %add3A_92 : i32
      %add3A_94 = arith.constant 1 : i32
      %add3A_95 = arith.addi %add3A_93, %add3A_94 : i32
      %lt3A_96 = arith.constant 125 : i32
      %lt3A_97 = arith.cmpi slt, %add3A_95, %lt3A_96 : i32
      %convert_element_type3A_98 = arith.extui %lt3A_97 : i1 to i32
      %cond3A_99 = arith.constant 0 : i32
      %cond3A_100 = arith.cmpi ne, %convert_element_type3A_98, %cond3A_99 : i32
      scf.if %cond3A_100 {
        %add3A_120 = arith.constant 1 : i32
        %add3A_121 = arith.addi %add3A_93, %add3A_120 : i32
        %mul3A_122 = arith.constant 80 : i32
        %mul3A_123 = arith.muli %add3A_121, %mul3A_122 : i32
        %dma_start3A_124 = tpu.memref_slice %arg7[%mul3A_123] : memref<10000xi32, #tpu.memory_space<vmem>> -> memref<80xi32, #tpu.memory_space<vmem>>
        %dma_start3A_125 = arith.constant 0 : i32
        %dma_start3A_126 = arith.constant 0 : i32
        %dma_start3A_127 = tpu.memref_slice %arg2[%dma_start3A_125, %dma_start3A_126] : memref<10000x128xf32, #tpu.memory_space<hbm>> -> memref<10000x128xf32, #tpu.memory_space<hbm>>
        tpu.enqueue_indirect_dma source(%dma_start3A_127 : memref<10000x128xf32, #tpu.memory_space<hbm>>) target(%arg10 : memref<80x128xf32, #tpu.memory_space<vmem>>) offsets(%dma_start3A_124 : memref<80xi32, #tpu.memory_space<vmem>>) semaphore(%arg14 : memref<!tpu.dma_semaphore, #tpu.memory_space<semaphore_mem>>)
      } else {
      }
      %mul3A_101 = arith.constant 80 : i32
      %mul3A_102 = arith.muli %add3A_93, %mul3A_101 : i32
      %dma_wait3A_103 = tpu.memref_slice %arg7[%mul3A_102] : memref<10000xi32, #tpu.memory_space<vmem>> -> memref<80xi32, #tpu.memory_space<vmem>>
      %dma_wait3A_104 = arith.constant 0 : i32
      %dma_wait3A_105 = arith.constant 0 : i32
      %dma_wait3A_106 = tpu.memref_slice %arg2[%dma_wait3A_104, %dma_wait3A_105] : memref<10000x128xf32, #tpu.memory_space<hbm>> -> memref<10000x128xf32, #tpu.memory_space<hbm>>
      tpu.wait_indirect_dma semaphore(%arg15 : memref<!tpu.dma_semaphore, #tpu.memory_space<semaphore_mem>>) src(%dma_wait3A_106 : memref<10000x128xf32, #tpu.memory_space<hbm>>) dst(%arg11 : memref<80x128xf32, #tpu.memory_space<vmem>>)
      %mul3A_107 = arith.constant 80 : i32
      %mul3A_108 = arith.muli %add3A_93, %mul3A_107 : i32
      %add3A_109 = arith.addi %mul3A_2, %mul3A_108 : i32
      %dma_wait3A_110 = tpu.memref_slice %arg4[%add3A_109] : memref<320000xi32, #tpu.memory_space<hbm>> -> memref<80xi32, #tpu.memory_space<hbm>>
      %dma_wait3A_111 = tpu.memref_slice %arg4[%add3A_109] : memref<320000xi32, #tpu.memory_space<hbm>> -> memref<80xi32, #tpu.memory_space<hbm>>
      tpu.wait_dma2 semaphore(%arg13 : memref<!tpu.dma_semaphore, #tpu.memory_space<semaphore_mem>>) src(%dma_wait3A_111 : memref<80xi32, #tpu.memory_space<hbm>>) dst(%arg9 : memref<80xi32, #tpu.memory_space<vmem>>)
      "tpu.region"() ({
        %run_scoped3A = tpu.sem_alloc : memref<!tpu.dma_semaphore, #tpu.memory_space<semaphore_mem>>
        %dma_start3A_120 = arith.constant 0 : i32
        %dma_start3A_121 = arith.constant 0 : i32
        %dma_start3A_122 = tpu.memref_slice %arg6[%dma_start3A_120, %dma_start3A_121] : memref<10000x128xf32, #tpu.memory_space<vmem_shared>> -> memref<10000x128xf32, #tpu.memory_space<vmem_shared>>
        tpu.enqueue_indirect_dma source(%arg11 : memref<80x128xf32, #tpu.memory_space<vmem>>) target(%dma_start3A_122 : memref<10000x128xf32, #tpu.memory_space<vmem_shared>>) offsets(%arg9 : memref<80xi32, #tpu.memory_space<vmem>>) semaphore(%run_scoped3A : memref<!tpu.dma_semaphore, #tpu.memory_space<semaphore_mem>>) {add = true}
        %dma_wait3A_123 = arith.constant 0 : i32
        %dma_wait3A_124 = arith.constant 0 : i32
        %dma_wait3A_125 = tpu.memref_slice %arg6[%dma_wait3A_123, %dma_wait3A_124] : memref<10000x128xf32, #tpu.memory_space<vmem_shared>> -> memref<10000x128xf32, #tpu.memory_space<vmem_shared>>
        tpu.wait_indirect_dma semaphore(%run_scoped3A : memref<!tpu.dma_semaphore, #tpu.memory_space<semaphore_mem>>) src(%arg11 : memref<80x128xf32, #tpu.memory_space<vmem>>) dst(%dma_wait3A_125 : memref<10000x128xf32, #tpu.memory_space<vmem_shared>>)
        tpu.yield
      }) : () -> ()
      %add3A_112 = arith.constant 2 : i32
      %add3A_113 = arith.addi %add3A_93, %add3A_112 : i32
      %lt3A_114 = arith.constant 125 : i32
      %lt3A_115 = arith.cmpi slt, %add3A_113, %lt3A_114 : i32
      %convert_element_type3A_116 = arith.extui %lt3A_115 : i1 to i32
      %cond3A_117 = arith.constant 0 : i32
      %cond3A_118 = arith.cmpi ne, %convert_element_type3A_116, %cond3A_117 : i32
      scf.if %cond3A_118 {
        %add3A_120 = arith.constant 2 : i32
        %add3A_121 = arith.addi %add3A_93, %add3A_120 : i32
        %mul3A_122 = arith.constant 80 : i32
        %mul3A_123 = arith.muli %add3A_121, %mul3A_122 : i32
        %add3A_124 = arith.addi %mul3A_2, %mul3A_123 : i32
        %dma_start3A_125 = tpu.memref_slice %arg4[%add3A_124] : memref<320000xi32, #tpu.memory_space<hbm>> -> memref<80xi32, #tpu.memory_space<hbm>>
        %dma_start3A_126 = tpu.memref_slice %arg4[%add3A_124] : memref<320000xi32, #tpu.memory_space<hbm>> -> memref<80xi32, #tpu.memory_space<hbm>>
        tpu.enqueue_dma source(%dma_start3A_126 : memref<80xi32, #tpu.memory_space<hbm>>) target(%arg9 : memref<80xi32, #tpu.memory_space<vmem>>) target_semaphore(%arg13 : memref<!tpu.dma_semaphore, #tpu.memory_space<semaphore_mem>>)
      } else {
      }
      %scan3A_119 = arith.constant 0 : i32
      scf.yield %scan3A_119 : i32
    }
    %scan3A_49 = arith.constant 62 : i32
    %dma_wait3A_50 = arith.constant 9920 : i32
    %dma_wait3A_51 = tpu.memref_slice %arg7[%dma_wait3A_50] : memref<10000xi32, #tpu.memory_space<vmem>> -> memref<80xi32, #tpu.memory_space<vmem>>
    %dma_wait3A_52 = arith.constant 0 : i32
    %dma_wait3A_53 = arith.constant 0 : i32
    %dma_wait3A_54 = tpu.memref_slice %arg2[%dma_wait3A_52, %dma_wait3A_53] : memref<10000x128xf32, #tpu.memory_space<hbm>> -> memref<10000x128xf32, #tpu.memory_space<hbm>>
    tpu.wait_indirect_dma semaphore(%arg14 : memref<!tpu.dma_semaphore, #tpu.memory_space<semaphore_mem>>) src(%dma_wait3A_54 : memref<10000x128xf32, #tpu.memory_space<hbm>>) dst(%arg10 : memref<80x128xf32, #tpu.memory_space<vmem>>)
    %add3A_55 = arith.constant 9920 : i32
    %add3A_56 = arith.addi %mul3A_2, %add3A_55 : i32
    %dma_wait3A_57 = tpu.memref_slice %arg4[%add3A_56] : memref<320000xi32, #tpu.memory_space<hbm>> -> memref<80xi32, #tpu.memory_space<hbm>>
    %dma_wait3A_58 = tpu.memref_slice %arg4[%add3A_56] : memref<320000xi32, #tpu.memory_space<hbm>> -> memref<80xi32, #tpu.memory_space<hbm>>
    tpu.wait_dma2 semaphore(%arg12 : memref<!tpu.dma_semaphore, #tpu.memory_space<semaphore_mem>>) src(%dma_wait3A_58 : memref<80xi32, #tpu.memory_space<hbm>>) dst(%arg8 : memref<80xi32, #tpu.memory_space<vmem>>)
    "tpu.region"() ({
      %run_scoped3A = tpu.sem_alloc : memref<!tpu.dma_semaphore, #tpu.memory_space<semaphore_mem>>
      %dma_start3A_64 = arith.constant 0 : i32
      %dma_start3A_65 = arith.constant 0 : i32
      %dma_start3A_66 = tpu.memref_slice %arg6[%dma_start3A_64, %dma_start3A_65] : memref<10000x128xf32, #tpu.memory_space<vmem_shared>> -> memref<10000x128xf32, #tpu.memory_space<vmem_shared>>
      tpu.enqueue_indirect_dma source(%arg10 : memref<80x128xf32, #tpu.memory_space<vmem>>) target(%dma_start3A_66 : memref<10000x128xf32, #tpu.memory_space<vmem_shared>>) offsets(%arg8 : memref<80xi32, #tpu.memory_space<vmem>>) semaphore(%run_scoped3A : memref<!tpu.dma_semaphore, #tpu.memory_space<semaphore_mem>>) {add = true}
      %dma_wait3A_67 = arith.constant 0 : i32
      %dma_wait3A_68 = arith.constant 0 : i32
      %dma_wait3A_69 = tpu.memref_slice %arg6[%dma_wait3A_67, %dma_wait3A_68] : memref<10000x128xf32, #tpu.memory_space<vmem_shared>> -> memref<10000x128xf32, #tpu.memory_space<vmem_shared>>
      tpu.wait_indirect_dma semaphore(%run_scoped3A : memref<!tpu.dma_semaphore, #tpu.memory_space<semaphore_mem>>) src(%arg10 : memref<80x128xf32, #tpu.memory_space<vmem>>) dst(%dma_wait3A_69 : memref<10000x128xf32, #tpu.memory_space<vmem_shared>>)
      tpu.yield
    }) : () -> ()
    %barrier3A_59 = arith.constant 0 : index
    tpu.barrier barrier_id(%barrier3A_59)
    %mul3A_60 = arith.constant 624 : i32
    %mul3A_61 = arith.muli %arg1, %mul3A_60 : i32
    "tpu.region"() ({
      %run_scoped3A = tpu.sem_alloc : memref<!tpu.dma_semaphore, #tpu.memory_space<semaphore_mem>>
      %dma_start3A_64 = arith.constant 0 : i32
      %dma_start3A_65 = tpu.memref_slice %arg5[%arg0, %mul3A_61, %dma_start3A_64] : memref<2x10000x128xf32, #tpu.memory_space<hbm>> -> memref<1x624x128xf32, #tpu.memory_space<hbm>>
      %dma_start3A_66 = tpu.memref_squeeze %dma_start3A_65 : memref<1x624x128xf32, #tpu.memory_space<hbm>> -> memref<624x128xf32, #tpu.memory_space<hbm>>
      %dma_start3A_67 = arith.constant 0 : i32
      %dma_start3A_68 = tpu.memref_slice %arg6[%mul3A_61, %dma_start3A_67] : memref<10000x128xf32, #tpu.memory_space<vmem_shared>> -> memref<624x128xf32, #tpu.memory_space<vmem_shared>>
      tpu.enqueue_dma source(%dma_start3A_68 : memref<624x128xf32, #tpu.memory_space<vmem_shared>>) target(%dma_start3A_66 : memref<624x128xf32, #tpu.memory_space<hbm>>) target_semaphore(%run_scoped3A : memref<!tpu.dma_semaphore, #tpu.memory_space<semaphore_mem>>)
      %dma_wait3A_69 = arith.constant 0 : i32
      %dma_wait3A_70 = tpu.memref_slice %arg5[%arg0, %mul3A_61, %dma_wait3A_69] : memref<2x10000x128xf32, #tpu.memory_space<hbm>> -> memref<1x624x128xf32, #tpu.memory_space<hbm>>
      %dma_wait3A_71 = tpu.memref_squeeze %dma_wait3A_70 : memref<1x624x128xf32, #tpu.memory_space<hbm>> -> memref<624x128xf32, #tpu.memory_space<hbm>>
      %dma_wait3A_72 = arith.constant 0 : i32
      %dma_wait3A_73 = tpu.memref_slice %arg6[%mul3A_61, %dma_wait3A_72] : memref<10000x128xf32, #tpu.memory_space<vmem_shared>> -> memref<624x128xf32, #tpu.memory_space<vmem_shared>>
      tpu.wait_dma2 semaphore(%run_scoped3A : memref<!tpu.dma_semaphore, #tpu.memory_space<semaphore_mem>>) src(%dma_wait3A_73 : memref<624x128xf32, #tpu.memory_space<vmem_shared>>) dst(%dma_wait3A_71 : memref<624x128xf32, #tpu.memory_space<hbm>>)
      tpu.yield
    }) : () -> ()
    %eq3A = arith.constant 15 : i32
    %eq3A_62 = arith.cmpi eq, %arg1, %eq3A : i32
    %convert_element_type3A = arith.extui %eq3A_62 : i1 to i32
    %cond3A = arith.constant 0 : i32
    %cond3A_63 = arith.cmpi ne, %convert_element_type3A, %cond3A : i32
    scf.if %cond3A_63 {
      "tpu.region"() ({
        %run_scoped3A = tpu.sem_alloc : memref<!tpu.dma_semaphore, #tpu.memory_space<semaphore_mem>>
        %dma_start3A_64 = arith.constant 9984 : i32
        %dma_start3A_65 = arith.constant 0 : i32
        %dma_start3A_66 = tpu.memref_slice %arg5[%arg0, %dma_start3A_64, %dma_start3A_65] : memref<2x10000x128xf32, #tpu.memory_space<hbm>> -> memref<1x16x128xf32, #tpu.memory_space<hbm>>
        %dma_start3A_67 = tpu.memref_squeeze %dma_start3A_66 : memref<1x16x128xf32, #tpu.memory_space<hbm>> -> memref<16x128xf32, #tpu.memory_space<hbm>>
        %dma_start3A_68 = arith.constant 9984 : i32
        %dma_start3A_69 = arith.constant 0 : i32
        %dma_start3A_70 = tpu.memref_slice %arg6[%dma_start3A_68, %dma_start3A_69] : memref<10000x128xf32, #tpu.memory_space<vmem_shared>> -> memref<16x128xf32, #tpu.memory_space<vmem_shared>>
        tpu.enqueue_dma source(%dma_start3A_70 : memref<16x128xf32, #tpu.memory_space<vmem_shared>>) target(%dma_start3A_67 : memref<16x128xf32, #tpu.memory_space<hbm>>) target_semaphore(%run_scoped3A : memref<!tpu.dma_semaphore, #tpu.memory_space<semaphore_mem>>)
        %dma_wait3A_71 = arith.constant 9984 : i32
        %dma_wait3A_72 = arith.constant 0 : i32
        %dma_wait3A_73 = tpu.memref_slice %arg5[%arg0, %dma_wait3A_71, %dma_wait3A_72] : memref<2x10000x128xf32, #tpu.memory_space<hbm>> -> memref<1x16x128xf32, #tpu.memory_space<hbm>>
        %dma_wait3A_74 = tpu.memref_squeeze %dma_wait3A_73 : memref<1x16x128xf32, #tpu.memory_space<hbm>> -> memref<16x128xf32, #tpu.memory_space<hbm>>
        %dma_wait3A_75 = arith.constant 9984 : i32
        %dma_wait3A_76 = arith.constant 0 : i32
        %dma_wait3A_77 = tpu.memref_slice %arg6[%dma_wait3A_75, %dma_wait3A_76] : memref<10000x128xf32, #tpu.memory_space<vmem_shared>> -> memref<16x128xf32, #tpu.memory_space<vmem_shared>>
        tpu.wait_dma2 semaphore(%run_scoped3A : memref<!tpu.dma_semaphore, #tpu.memory_space<semaphore_mem>>) src(%dma_wait3A_77 : memref<16x128xf32, #tpu.memory_space<vmem_shared>>) dst(%dma_wait3A_74 : memref<16x128xf32, #tpu.memory_space<hbm>>)
        tpu.yield
      }) : () -> ()
    } else {
    }
    return
  }
}

#map = affine_map<(d0, d1) -> (0, 0)>
#map1 = affine_map<(d0, d1) -> (0)>
#map2 = affine_map<(d0, d1) -> (0, 0, 0)>
module attributes {stable_mosaic.version = 14 : i64} {
  func.func @_sc_agg_body(%arg0: i32, %arg1: i32, %arg2: memref<10000x128xf32, #tpu.memory_space<hbm>>, %arg3: memref<320000xi32, #tpu.memory_space<hbm>>, %arg4: memref<320000xi32, #tpu.memory_space<hbm>>, %arg5: memref<2x10000x128xf32, #tpu.memory_space<hbm>>, %arg6: memref<10000x128xf32, #tpu.memory_space<vmem_shared>>, %arg7: memref<10000xi32, #tpu.memory_space<vmem>>, %arg8: memref<80xi32, #tpu.memory_space<vmem>>, %arg9: memref<80xi32, #tpu.memory_space<vmem>>, %arg10: memref<80x128xf32, #tpu.memory_space<vmem>>, %arg11: memref<80x128xf32, #tpu.memory_space<vmem>>, %arg12: memref<!tpu.dma_semaphore, #tpu.memory_space<semaphore_mem>>, %arg13: memref<!tpu.dma_semaphore, #tpu.memory_space<semaphore_mem>>, %arg14: memref<!tpu.dma_semaphore, #tpu.memory_space<semaphore_mem>>, %arg15: memref<!tpu.dma_semaphore, #tpu.memory_space<semaphore_mem>>) attributes {dimension_semantics = [#tpu.dimension_semantics<core_parallel>, #tpu.dimension_semantics<subcore_parallel>], iteration_bounds = array<i64: 2, 16>, scalar_prefetch = 0 : i64, scratch_operands = 10 : i64, tpu.core_type = #tpu.core_type<sc_vector_subcore>, window_params = [{transform_indices = #map}, {transform_indices = #map1}, {transform_indices = #map1}, {transform_indices = #map2}]} {
    %mul3A = arith.constant 2 : i32
    %mul3A_0 = arith.muli %arg1, %mul3A : i32
    %add3A = arith.addi %mul3A_0, %arg0 : i32
    %mul3A_1 = arith.constant 10000 : i32
    %mul3A_2 = arith.muli %add3A, %mul3A_1 : i32
    %dma_start3A = tpu.memref_slice %arg3[%mul3A_2] : memref<320000xi32, #tpu.memory_space<hbm>> -> memref<10000xi32, #tpu.memory_space<hbm>>
    %dma_start3A_3 = tpu.memref_slice %arg3[%mul3A_2] : memref<320000xi32, #tpu.memory_space<hbm>> -> memref<10000xi32, #tpu.memory_space<hbm>>
    tpu.enqueue_dma source(%dma_start3A_3 : memref<10000xi32, #tpu.memory_space<hbm>>) target(%arg7 : memref<10000xi32, #tpu.memory_space<vmem>>) target_semaphore(%arg12 : memref<!tpu.dma_semaphore, #tpu.memory_space<semaphore_mem>>)
    %broadcast_in_dim3A = arith.constant 0.000000e+00 : f32
    %broadcast_in_dim3A_4 = vector.broadcast %broadcast_in_dim3A : f32 to vector<16xf32>
    %scan3A = arith.constant 0 : i32
    %scan3A_5 = arith.constant 0 : i32
    %scan3A_6 = arith.constant 80 : i32
    %scan3A_7 = arith.addi %scan3A_5, %scan3A_6 : i32
    %scan3A_8 = arith.constant 1 : i32
    %scan3A_9 = scf.for %scan3A_64 = %scan3A_5 to %scan3A_7 step %scan3A_8 iter_args(%scan3A_65 = %scan3A) -> (i32)  : i32 {
      %swap3A = arith.index_cast %scan3A_64 : i32 to index
      %swap3A_66 = arith.constant 0 : index
      %swap3A_67 = tpu.vector_load %arg10[%swap3A, %swap3A_66] {strides = array<i32>} : memref<80x128xf32, #tpu.memory_space<vmem>>, vector<1x16xf32>,
      %swap3A_68 = vector.shape_cast %swap3A_67 : vector<1x16xf32> to vector<16xf32>
      %swap3A_69 = vector.shape_cast %broadcast_in_dim3A_4 : vector<16xf32> to vector<1x16xf32>
      tpu.vector_store %arg10[%swap3A, %swap3A_66], %swap3A_69 {strides = array<i32>} : memref<80x128xf32, #tpu.memory_space<vmem>>, vector<1x16xf32>,
      %swap3A_70 = arith.index_cast %scan3A_64 : i32 to index
      %swap3A_71 = arith.constant 16 : index
      %swap3A_72 = tpu.vector_load %arg10[%swap3A_70, %swap3A_71] {strides = array<i32>} : memref<80x128xf32, #tpu.memory_space<vmem>>, vector<1x16xf32>,
      %swap3A_73 = vector.shape_cast %swap3A_72 : vector<1x16xf32> to vector<16xf32>
      %swap3A_74 = vector.shape_cast %broadcast_in_dim3A_4 : vector<16xf32> to vector<1x16xf32>
      tpu.vector_store %arg10[%swap3A_70, %swap3A_71], %swap3A_74 {strides = array<i32>} : memref<80x128xf32, #tpu.memory_space<vmem>>, vector<1x16xf32>,
      %swap3A_75 = arith.index_cast %scan3A_64 : i32 to index
      %swap3A_76 = arith.constant 32 : index
      %swap3A_77 = tpu.vector_load %arg10[%swap3A_75, %swap3A_76] {strides = array<i32>} : memref<80x128xf32, #tpu.memory_space<vmem>>, vector<1x16xf32>,
      %swap3A_78 = vector.shape_cast %swap3A_77 : vector<1x16xf32> to vector<16xf32>
      %swap3A_79 = vector.shape_cast %broadcast_in_dim3A_4 : vector<16xf32> to vector<1x16xf32>
      tpu.vector_store %arg10[%swap3A_75, %swap3A_76], %swap3A_79 {strides = array<i32>} : memref<80x128xf32, #tpu.memory_space<vmem>>, vector<1x16xf32>,
      %swap3A_80 = arith.index_cast %scan3A_64 : i32 to index
      %swap3A_81 = arith.constant 48 : index
      %swap3A_82 = tpu.vector_load %arg10[%swap3A_80, %swap3A_81] {strides = array<i32>} : memref<80x128xf32, #tpu.memory_space<vmem>>, vector<1x16xf32>,
      %swap3A_83 = vector.shape_cast %swap3A_82 : vector<1x16xf32> to vector<16xf32>
      %swap3A_84 = vector.shape_cast %broadcast_in_dim3A_4 : vector<16xf32> to vector<1x16xf32>
      tpu.vector_store %arg10[%swap3A_80, %swap3A_81], %swap3A_84 {strides = array<i32>} : memref<80x128xf32, #tpu.memory_space<vmem>>, vector<1x16xf32>,
      %swap3A_85 = arith.index_cast %scan3A_64 : i32 to index
      %swap3A_86 = arith.constant 64 : index
      %swap3A_87 = tpu.vector_load %arg10[%swap3A_85, %swap3A_86] {strides = array<i32>} : memref<80x128xf32, #tpu.memory_space<vmem>>, vector<1x16xf32>,
      %swap3A_88 = vector.shape_cast %swap3A_87 : vector<1x16xf32> to vector<16xf32>
      %swap3A_89 = vector.shape_cast %broadcast_in_dim3A_4 : vector<16xf32> to vector<1x16xf32>
      tpu.vector_store %arg10[%swap3A_85, %swap3A_86], %swap3A_89 {strides = array<i32>} : memref<80x128xf32, #tpu.memory_space<vmem>>, vector<1x16xf32>,
      %swap3A_90 = arith.index_cast %scan3A_64 : i32 to index
      %swap3A_91 = arith.constant 80 : index
      %swap3A_92 = tpu.vector_load %arg10[%swap3A_90, %swap3A_91] {strides = array<i32>} : memref<80x128xf32, #tpu.memory_space<vmem>>, vector<1x16xf32>,
      %swap3A_93 = vector.shape_cast %swap3A_92 : vector<1x16xf32> to vector<16xf32>
      %swap3A_94 = vector.shape_cast %broadcast_in_dim3A_4 : vector<16xf32> to vector<1x16xf32>
      tpu.vector_store %arg10[%swap3A_90, %swap3A_91], %swap3A_94 {strides = array<i32>} : memref<80x128xf32, #tpu.memory_space<vmem>>, vector<1x16xf32>,
      %swap3A_95 = arith.index_cast %scan3A_64 : i32 to index
      %swap3A_96 = arith.constant 96 : index
      %swap3A_97 = tpu.vector_load %arg10[%swap3A_95, %swap3A_96] {strides = array<i32>} : memref<80x128xf32, #tpu.memory_space<vmem>>, vector<1x16xf32>,
      %swap3A_98 = vector.shape_cast %swap3A_97 : vector<1x16xf32> to vector<16xf32>
      %swap3A_99 = vector.shape_cast %broadcast_in_dim3A_4 : vector<16xf32> to vector<1x16xf32>
      tpu.vector_store %arg10[%swap3A_95, %swap3A_96], %swap3A_99 {strides = array<i32>} : memref<80x128xf32, #tpu.memory_space<vmem>>, vector<1x16xf32>,
      %swap3A_100 = arith.index_cast %scan3A_64 : i32 to index
      %swap3A_101 = arith.constant 112 : index
      %swap3A_102 = tpu.vector_load %arg10[%swap3A_100, %swap3A_101] {strides = array<i32>} : memref<80x128xf32, #tpu.memory_space<vmem>>, vector<1x16xf32>,
      %swap3A_103 = vector.shape_cast %swap3A_102 : vector<1x16xf32> to vector<16xf32>
      %swap3A_104 = vector.shape_cast %broadcast_in_dim3A_4 : vector<16xf32> to vector<1x16xf32>
      tpu.vector_store %arg10[%swap3A_100, %swap3A_101], %swap3A_104 {strides = array<i32>} : memref<80x128xf32, #tpu.memory_space<vmem>>, vector<1x16xf32>,
      %scan3A_105 = arith.constant 0 : i32
      scf.yield %scan3A_105 : i32
    }
    %scan3A_10 = arith.constant 80 : i32
    %mul3A_11 = arith.constant 625 : i32
    %mul3A_12 = arith.muli %arg1, %mul3A_11 : i32
    %add3A_13 = arith.constant 0 : i32
    %add3A_14 = arith.addi %mul3A_12, %add3A_13 : i32
    "tpu.region"() ({
      %run_scoped3A = tpu.sem_alloc : memref<!tpu.dma_semaphore, #tpu.memory_space<semaphore_mem>>
      %dma_start3A_64 = arith.constant 0 : i32
      %dma_start3A_65 = tpu.memref_slice %arg6[%add3A_14, %dma_start3A_64] : memref<10000x128xf32, #tpu.memory_space<vmem_shared>> -> memref<80x128xf32, #tpu.memory_space<vmem_shared>>
      %dma_start3A_66 = arith.constant 0 : i32
      %dma_start3A_67 = tpu.memref_slice %arg6[%add3A_14, %dma_start3A_66] : memref<10000x128xf32, #tpu.memory_space<vmem_shared>> -> memref<80x128xf32, #tpu.memory_space<vmem_shared>>
      tpu.enqueue_dma source(%arg10 : memref<80x128xf32, #tpu.memory_space<vmem>>) target(%dma_start3A_67 : memref<80x128xf32, #tpu.memory_space<vmem_shared>>) target_semaphore(%run_scoped3A : memref<!tpu.dma_semaphore, #tpu.memory_space<semaphore_mem>>)
      %dma_wait3A_68 = arith.constant 0 : i32
      %dma_wait3A_69 = tpu.memref_slice %arg6[%add3A_14, %dma_wait3A_68] : memref<10000x128xf32, #tpu.memory_space<vmem_shared>> -> memref<80x128xf32, #tpu.memory_space<vmem_shared>>
      %dma_wait3A_70 = arith.constant 0 : i32
      %dma_wait3A_71 = tpu.memref_slice %arg6[%add3A_14, %dma_wait3A_70] : memref<10000x128xf32, #tpu.memory_space<vmem_shared>> -> memref<80x128xf32, #tpu.memory_space<vmem_shared>>
      tpu.wait_dma2 semaphore(%run_scoped3A : memref<!tpu.dma_semaphore, #tpu.memory_space<semaphore_mem>>) src(%arg10 : memref<80x128xf32, #tpu.memory_space<vmem>>) dst(%dma_wait3A_71 : memref<80x128xf32, #tpu.memory_space<vmem_shared>>)
      tpu.yield
    }) : () -> ()
    %add3A_15 = arith.constant 80 : i32
    %add3A_16 = arith.addi %mul3A_12, %add3A_15 : i32
    "tpu.region"() ({
      %run_scoped3A = tpu.sem_alloc : memref<!tpu.dma_semaphore, #tpu.memory_space<semaphore_mem>>
      %dma_start3A_64 = arith.constant 0 : i32
      %dma_start3A_65 = tpu.memref_slice %arg6[%add3A_16, %dma_start3A_64] : memref<10000x128xf32, #tpu.memory_space<vmem_shared>> -> memref<80x128xf32, #tpu.memory_space<vmem_shared>>
      %dma_start3A_66 = arith.constant 0 : i32
      %dma_start3A_67 = tpu.memref_slice %arg6[%add3A_16, %dma_start3A_66] : memref<10000x128xf32, #tpu.memory_space<vmem_shared>> -> memref<80x128xf32, #tpu.memory_space<vmem_shared>>
      tpu.enqueue_dma source(%arg10 : memref<80x128xf32, #tpu.memory_space<vmem>>) target(%dma_start3A_67 : memref<80x128xf32, #tpu.memory_space<vmem_shared>>) target_semaphore(%run_scoped3A : memref<!tpu.dma_semaphore, #tpu.memory_space<semaphore_mem>>)
      %dma_wait3A_68 = arith.constant 0 : i32
      %dma_wait3A_69 = tpu.memref_slice %arg6[%add3A_16, %dma_wait3A_68] : memref<10000x128xf32, #tpu.memory_space<vmem_shared>> -> memref<80x128xf32, #tpu.memory_space<vmem_shared>>
      %dma_wait3A_70 = arith.constant 0 : i32
      %dma_wait3A_71 = tpu.memref_slice %arg6[%add3A_16, %dma_wait3A_70] : memref<10000x128xf32, #tpu.memory_space<vmem_shared>> -> memref<80x128xf32, #tpu.memory_space<vmem_shared>>
      tpu.wait_dma2 semaphore(%run_scoped3A : memref<!tpu.dma_semaphore, #tpu.memory_space<semaphore_mem>>) src(%arg10 : memref<80x128xf32, #tpu.memory_space<vmem>>) dst(%dma_wait3A_71 : memref<80x128xf32, #tpu.memory_space<vmem_shared>>)
      tpu.yield
    }) : () -> ()
    %add3A_17 = arith.constant 160 : i32
    %add3A_18 = arith.addi %mul3A_12, %add3A_17 : i32
    "tpu.region"() ({
      %run_scoped3A = tpu.sem_alloc : memref<!tpu.dma_semaphore, #tpu.memory_space<semaphore_mem>>
      %dma_start3A_64 = arith.constant 0 : i32
      %dma_start3A_65 = tpu.memref_slice %arg6[%add3A_18, %dma_start3A_64] : memref<10000x128xf32, #tpu.memory_space<vmem_shared>> -> memref<80x128xf32, #tpu.memory_space<vmem_shared>>
      %dma_start3A_66 = arith.constant 0 : i32
      %dma_start3A_67 = tpu.memref_slice %arg6[%add3A_18, %dma_start3A_66] : memref<10000x128xf32, #tpu.memory_space<vmem_shared>> -> memref<80x128xf32, #tpu.memory_space<vmem_shared>>
      tpu.enqueue_dma source(%arg10 : memref<80x128xf32, #tpu.memory_space<vmem>>) target(%dma_start3A_67 : memref<80x128xf32, #tpu.memory_space<vmem_shared>>) target_semaphore(%run_scoped3A : memref<!tpu.dma_semaphore, #tpu.memory_space<semaphore_mem>>)
      %dma_wait3A_68 = arith.constant 0 : i32
      %dma_wait3A_69 = tpu.memref_slice %arg6[%add3A_18, %dma_wait3A_68] : memref<10000x128xf32, #tpu.memory_space<vmem_shared>> -> memref<80x128xf32, #tpu.memory_space<vmem_shared>>
      %dma_wait3A_70 = arith.constant 0 : i32
      %dma_wait3A_71 = tpu.memref_slice %arg6[%add3A_18, %dma_wait3A_70] : memref<10000x128xf32, #tpu.memory_space<vmem_shared>> -> memref<80x128xf32, #tpu.memory_space<vmem_shared>>
      tpu.wait_dma2 semaphore(%run_scoped3A : memref<!tpu.dma_semaphore, #tpu.memory_space<semaphore_mem>>) src(%arg10 : memref<80x128xf32, #tpu.memory_space<vmem>>) dst(%dma_wait3A_71 : memref<80x128xf32, #tpu.memory_space<vmem_shared>>)
      tpu.yield
    }) : () -> ()
    %add3A_19 = arith.constant 240 : i32
    %add3A_20 = arith.addi %mul3A_12, %add3A_19 : i32
    "tpu.region"() ({
      %run_scoped3A = tpu.sem_alloc : memref<!tpu.dma_semaphore, #tpu.memory_space<semaphore_mem>>
      %dma_start3A_64 = arith.constant 0 : i32
      %dma_start3A_65 = tpu.memref_slice %arg6[%add3A_20, %dma_start3A_64] : memref<10000x128xf32, #tpu.memory_space<vmem_shared>> -> memref<80x128xf32, #tpu.memory_space<vmem_shared>>
      %dma_start3A_66 = arith.constant 0 : i32
      %dma_start3A_67 = tpu.memref_slice %arg6[%add3A_20, %dma_start3A_66] : memref<10000x128xf32, #tpu.memory_space<vmem_shared>> -> memref<80x128xf32, #tpu.memory_space<vmem_shared>>
      tpu.enqueue_dma source(%arg10 : memref<80x128xf32, #tpu.memory_space<vmem>>) target(%dma_start3A_67 : memref<80x128xf32, #tpu.memory_space<vmem_shared>>) target_semaphore(%run_scoped3A : memref<!tpu.dma_semaphore, #tpu.memory_space<semaphore_mem>>)
      %dma_wait3A_68 = arith.constant 0 : i32
      %dma_wait3A_69 = tpu.memref_slice %arg6[%add3A_20, %dma_wait3A_68] : memref<10000x128xf32, #tpu.memory_space<vmem_shared>> -> memref<80x128xf32, #tpu.memory_space<vmem_shared>>
      %dma_wait3A_70 = arith.constant 0 : i32
      %dma_wait3A_71 = tpu.memref_slice %arg6[%add3A_20, %dma_wait3A_70] : memref<10000x128xf32, #tpu.memory_space<vmem_shared>> -> memref<80x128xf32, #tpu.memory_space<vmem_shared>>
      tpu.wait_dma2 semaphore(%run_scoped3A : memref<!tpu.dma_semaphore, #tpu.memory_space<semaphore_mem>>) src(%arg10 : memref<80x128xf32, #tpu.memory_space<vmem>>) dst(%dma_wait3A_71 : memref<80x128xf32, #tpu.memory_space<vmem_shared>>)
      tpu.yield
    }) : () -> ()
    %add3A_21 = arith.constant 320 : i32
    %add3A_22 = arith.addi %mul3A_12, %add3A_21 : i32
    "tpu.region"() ({
      %run_scoped3A = tpu.sem_alloc : memref<!tpu.dma_semaphore, #tpu.memory_space<semaphore_mem>>
      %dma_start3A_64 = arith.constant 0 : i32
      %dma_start3A_65 = tpu.memref_slice %arg6[%add3A_22, %dma_start3A_64] : memref<10000x128xf32, #tpu.memory_space<vmem_shared>> -> memref<80x128xf32, #tpu.memory_space<vmem_shared>>
      %dma_start3A_66 = arith.constant 0 : i32
      %dma_start3A_67 = tpu.memref_slice %arg6[%add3A_22, %dma_start3A_66] : memref<10000x128xf32, #tpu.memory_space<vmem_shared>> -> memref<80x128xf32, #tpu.memory_space<vmem_shared>>
      tpu.enqueue_dma source(%arg10 : memref<80x128xf32, #tpu.memory_space<vmem>>) target(%dma_start3A_67 : memref<80x128xf32, #tpu.memory_space<vmem_shared>>) target_semaphore(%run_scoped3A : memref<!tpu.dma_semaphore, #tpu.memory_space<semaphore_mem>>)
      %dma_wait3A_68 = arith.constant 0 : i32
      %dma_wait3A_69 = tpu.memref_slice %arg6[%add3A_22, %dma_wait3A_68] : memref<10000x128xf32, #tpu.memory_space<vmem_shared>> -> memref<80x128xf32, #tpu.memory_space<vmem_shared>>
      %dma_wait3A_70 = arith.constant 0 : i32
      %dma_wait3A_71 = tpu.memref_slice %arg6[%add3A_22, %dma_wait3A_70] : memref<10000x128xf32, #tpu.memory_space<vmem_shared>> -> memref<80x128xf32, #tpu.memory_space<vmem_shared>>
      tpu.wait_dma2 semaphore(%run_scoped3A : memref<!tpu.dma_semaphore, #tpu.memory_space<semaphore_mem>>) src(%arg10 : memref<80x128xf32, #tpu.memory_space<vmem>>) dst(%dma_wait3A_71 : memref<80x128xf32, #tpu.memory_space<vmem_shared>>)
      tpu.yield
    }) : () -> ()
    %add3A_23 = arith.constant 400 : i32
    %add3A_24 = arith.addi %mul3A_12, %add3A_23 : i32
    "tpu.region"() ({
      %run_scoped3A = tpu.sem_alloc : memref<!tpu.dma_semaphore, #tpu.memory_space<semaphore_mem>>
      %dma_start3A_64 = arith.constant 0 : i32
      %dma_start3A_65 = tpu.memref_slice %arg6[%add3A_24, %dma_start3A_64] : memref<10000x128xf32, #tpu.memory_space<vmem_shared>> -> memref<80x128xf32, #tpu.memory_space<vmem_shared>>
      %dma_start3A_66 = arith.constant 0 : i32
      %dma_start3A_67 = tpu.memref_slice %arg6[%add3A_24, %dma_start3A_66] : memref<10000x128xf32, #tpu.memory_space<vmem_shared>> -> memref<80x128xf32, #tpu.memory_space<vmem_shared>>
      tpu.enqueue_dma source(%arg10 : memref<80x128xf32, #tpu.memory_space<vmem>>) target(%dma_start3A_67 : memref<80x128xf32, #tpu.memory_space<vmem_shared>>) target_semaphore(%run_scoped3A : memref<!tpu.dma_semaphore, #tpu.memory_space<semaphore_mem>>)
      %dma_wait3A_68 = arith.constant 0 : i32
      %dma_wait3A_69 = tpu.memref_slice %arg6[%add3A_24, %dma_wait3A_68] : memref<10000x128xf32, #tpu.memory_space<vmem_shared>> -> memref<80x128xf32, #tpu.memory_space<vmem_shared>>
      %dma_wait3A_70 = arith.constant 0 : i32
      %dma_wait3A_71 = tpu.memref_slice %arg6[%add3A_24, %dma_wait3A_70] : memref<10000x128xf32, #tpu.memory_space<vmem_shared>> -> memref<80x128xf32, #tpu.memory_space<vmem_shared>>
      tpu.wait_dma2 semaphore(%run_scoped3A : memref<!tpu.dma_semaphore, #tpu.memory_space<semaphore_mem>>) src(%arg10 : memref<80x128xf32, #tpu.memory_space<vmem>>) dst(%dma_wait3A_71 : memref<80x128xf32, #tpu.memory_space<vmem_shared>>)
      tpu.yield
    }) : () -> ()
    %add3A_25 = arith.constant 480 : i32
    %add3A_26 = arith.addi %mul3A_12, %add3A_25 : i32
    "tpu.region"() ({
      %run_scoped3A = tpu.sem_alloc : memref<!tpu.dma_semaphore, #tpu.memory_space<semaphore_mem>>
      %dma_start3A_64 = arith.constant 0 : i32
      %dma_start3A_65 = tpu.memref_slice %arg6[%add3A_26, %dma_start3A_64] : memref<10000x128xf32, #tpu.memory_space<vmem_shared>> -> memref<80x128xf32, #tpu.memory_space<vmem_shared>>
      %dma_start3A_66 = arith.constant 0 : i32
      %dma_start3A_67 = tpu.memref_slice %arg6[%add3A_26, %dma_start3A_66] : memref<10000x128xf32, #tpu.memory_space<vmem_shared>> -> memref<80x128xf32, #tpu.memory_space<vmem_shared>>
      tpu.enqueue_dma source(%arg10 : memref<80x128xf32, #tpu.memory_space<vmem>>) target(%dma_start3A_67 : memref<80x128xf32, #tpu.memory_space<vmem_shared>>) target_semaphore(%run_scoped3A : memref<!tpu.dma_semaphore, #tpu.memory_space<semaphore_mem>>)
      %dma_wait3A_68 = arith.constant 0 : i32
      %dma_wait3A_69 = tpu.memref_slice %arg6[%add3A_26, %dma_wait3A_68] : memref<10000x128xf32, #tpu.memory_space<vmem_shared>> -> memref<80x128xf32, #tpu.memory_space<vmem_shared>>
      %dma_wait3A_70 = arith.constant 0 : i32
      %dma_wait3A_71 = tpu.memref_slice %arg6[%add3A_26, %dma_wait3A_70] : memref<10000x128xf32, #tpu.memory_space<vmem_shared>> -> memref<80x128xf32, #tpu.memory_space<vmem_shared>>
      tpu.wait_dma2 semaphore(%run_scoped3A : memref<!tpu.dma_semaphore, #tpu.memory_space<semaphore_mem>>) src(%arg10 : memref<80x128xf32, #tpu.memory_space<vmem>>) dst(%dma_wait3A_71 : memref<80x128xf32, #tpu.memory_space<vmem_shared>>)
      tpu.yield
    }) : () -> ()
    %add3A_27 = arith.constant 560 : i32
    %add3A_28 = arith.addi %mul3A_12, %add3A_27 : i32
    "tpu.region"() ({
      %run_scoped3A = tpu.sem_alloc : memref<!tpu.dma_semaphore, #tpu.memory_space<semaphore_mem>>
      %dma_start3A_64 = arith.constant 0 : i32
      %dma_start3A_65 = arith.constant 0 : i32
      %dma_start3A_66 = tpu.memref_slice %arg10[%dma_start3A_64, %dma_start3A_65] : memref<80x128xf32, #tpu.memory_space<vmem>> -> memref<65x128xf32, #tpu.memory_space<vmem>>
      %dma_start3A_67 = arith.constant 0 : i32
      %dma_start3A_68 = tpu.memref_slice %arg6[%add3A_28, %dma_start3A_67] : memref<10000x128xf32, #tpu.memory_space<vmem_shared>> -> memref<65x128xf32, #tpu.memory_space<vmem_shared>>
      %dma_start3A_69 = arith.constant 0 : i32
      %dma_start3A_70 = tpu.memref_slice %arg6[%add3A_28, %dma_start3A_69] : memref<10000x128xf32, #tpu.memory_space<vmem_shared>> -> memref<65x128xf32, #tpu.memory_space<vmem_shared>>
      %dma_start3A_71 = arith.constant 0 : i32
      %dma_start3A_72 = arith.constant 0 : i32
      %dma_start3A_73 = tpu.memref_slice %arg10[%dma_start3A_71, %dma_start3A_72] : memref<80x128xf32, #tpu.memory_space<vmem>> -> memref<65x128xf32, #tpu.memory_space<vmem>>
      tpu.enqueue_dma source(%dma_start3A_73 : memref<65x128xf32, #tpu.memory_space<vmem>>) target(%dma_start3A_70 : memref<65x128xf32, #tpu.memory_space<vmem_shared>>) target_semaphore(%run_scoped3A : memref<!tpu.dma_semaphore, #tpu.memory_space<semaphore_mem>>)
      %dma_wait3A_74 = arith.constant 0 : i32
      %dma_wait3A_75 = arith.constant 0 : i32
      %dma_wait3A_76 = tpu.memref_slice %arg10[%dma_wait3A_74, %dma_wait3A_75] : memref<80x128xf32, #tpu.memory_space<vmem>> -> memref<65x128xf32, #tpu.memory_space<vmem>>
      %dma_wait3A_77 = arith.constant 0 : i32
      %dma_wait3A_78 = tpu.memref_slice %arg6[%add3A_28, %dma_wait3A_77] : memref<10000x128xf32, #tpu.memory_space<vmem_shared>> -> memref<65x128xf32, #tpu.memory_space<vmem_shared>>
      %dma_wait3A_79 = arith.constant 0 : i32
      %dma_wait3A_80 = tpu.memref_slice %arg6[%add3A_28, %dma_wait3A_79] : memref<10000x128xf32, #tpu.memory_space<vmem_shared>> -> memref<65x128xf32, #tpu.memory_space<vmem_shared>>
      %dma_wait3A_81 = arith.constant 0 : i32
      %dma_wait3A_82 = arith.constant 0 : i32
      %dma_wait3A_83 = tpu.memref_slice %arg10[%dma_wait3A_81, %dma_wait3A_82] : memref<80x128xf32, #tpu.memory_space<vmem>> -> memref<65x128xf32, #tpu.memory_space<vmem>>
      tpu.wait_dma2 semaphore(%run_scoped3A : memref<!tpu.dma_semaphore, #tpu.memory_space<semaphore_mem>>) src(%dma_wait3A_83 : memref<65x128xf32, #tpu.memory_space<vmem>>) dst(%dma_wait3A_80 : memref<65x128xf32, #tpu.memory_space<vmem_shared>>)
      tpu.yield
    }) : () -> ()
    %dma_wait3A = tpu.memref_slice %arg3[%mul3A_2] : memref<320000xi32, #tpu.memory_space<hbm>> -> memref<10000xi32, #tpu.memory_space<hbm>>
    %dma_wait3A_29 = tpu.memref_slice %arg3[%mul3A_2] : memref<320000xi32, #tpu.memory_space<hbm>> -> memref<10000xi32, #tpu.memory_space<hbm>>
    tpu.wait_dma2 semaphore(%arg12 : memref<!tpu.dma_semaphore, #tpu.memory_space<semaphore_mem>>) src(%dma_wait3A_29 : memref<10000xi32, #tpu.memory_space<hbm>>) dst(%arg7 : memref<10000xi32, #tpu.memory_space<vmem>>)
    %barrier3A = arith.constant 0 : index
    tpu.barrier barrier_id(%barrier3A)
    %add3A_30 = arith.constant 0 : i32
    %add3A_31 = arith.addi %mul3A_2, %add3A_30 : i32
    %dma_start3A_32 = tpu.memref_slice %arg4[%add3A_31] : memref<320000xi32, #tpu.memory_space<hbm>> -> memref<80xi32, #tpu.memory_space<hbm>>
    %dma_start3A_33 = tpu.memref_slice %arg4[%add3A_31] : memref<320000xi32, #tpu.memory_space<hbm>> -> memref<80xi32, #tpu.memory_space<hbm>>
    tpu.enqueue_dma source(%dma_start3A_33 : memref<80xi32, #tpu.memory_space<hbm>>) target(%arg8 : memref<80xi32, #tpu.memory_space<vmem>>) target_semaphore(%arg12 : memref<!tpu.dma_semaphore, #tpu.memory_space<semaphore_mem>>)
    %add3A_34 = arith.constant 80 : i32
    %add3A_35 = arith.addi %mul3A_2, %add3A_34 : i32
    %dma_start3A_36 = tpu.memref_slice %arg4[%add3A_35] : memref<320000xi32, #tpu.memory_space<hbm>> -> memref<80xi32, #tpu.memory_space<hbm>>
    %dma_start3A_37 = tpu.memref_slice %arg4[%add3A_35] : memref<320000xi32, #tpu.memory_space<hbm>> -> memref<80xi32, #tpu.memory_space<hbm>>
    tpu.enqueue_dma source(%dma_start3A_37 : memref<80xi32, #tpu.memory_space<hbm>>) target(%arg9 : memref<80xi32, #tpu.memory_space<vmem>>) target_semaphore(%arg13 : memref<!tpu.dma_semaphore, #tpu.memory_space<semaphore_mem>>)
    %dma_start3A_38 = arith.constant 0 : i32
    %dma_start3A_39 = tpu.memref_slice %arg7[%dma_start3A_38] : memref<10000xi32, #tpu.memory_space<vmem>> -> memref<80xi32, #tpu.memory_space<vmem>>
    %dma_start3A_40 = arith.constant 0 : i32
    %dma_start3A_41 = arith.constant 0 : i32
    %dma_start3A_42 = tpu.memref_slice %arg2[%dma_start3A_40, %dma_start3A_41] : memref<10000x128xf32, #tpu.memory_space<hbm>> -> memref<10000x128xf32, #tpu.memory_space<hbm>>
    tpu.enqueue_indirect_dma source(%dma_start3A_42 : memref<10000x128xf32, #tpu.memory_space<hbm>>) target(%arg10 : memref<80x128xf32, #tpu.memory_space<vmem>>) offsets(%dma_start3A_39 : memref<80xi32, #tpu.memory_space<vmem>>) semaphore(%arg14 : memref<!tpu.dma_semaphore, #tpu.memory_space<semaphore_mem>>)
    %scan3A_43 = arith.constant 0 : i32
    %scan3A_44 = arith.constant 0 : i32
    %scan3A_45 = arith.constant 62 : i32
    %scan3A_46 = arith.addi %scan3A_44, %scan3A_45 : i32
    %scan3A_47 = arith.constant 1 : i32
    %scan3A_48 = scf.for %scan3A_64 = %scan3A_44 to %scan3A_46 step %scan3A_47 iter_args(%scan3A_65 = %scan3A_43) -> (i32)  : i32 {
      %mul3A_66 = arith.constant 2 : i32
      %mul3A_67 = arith.muli %mul3A_66, %scan3A_64 : i32
      %add3A_68 = arith.constant 1 : i32
      %add3A_69 = arith.addi %mul3A_67, %add3A_68 : i32
      %lt3A = arith.constant 125 : i32
      %lt3A_70 = arith.cmpi slt, %add3A_69, %lt3A : i32
      %convert_element_type3A_71 = arith.extui %lt3A_70 : i1 to i32
      %cond3A_72 = arith.constant 0 : i32
      %cond3A_73 = arith.cmpi ne, %convert_element_type3A_71, %cond3A_72 : i32
      scf.if %cond3A_73 {
        %add3A_120 = arith.constant 1 : i32
        %add3A_121 = arith.addi %mul3A_67, %add3A_120 : i32
        %mul3A_122 = arith.constant 80 : i32
        %mul3A_123 = arith.muli %add3A_121, %mul3A_122 : i32
        %dma_start3A_124 = tpu.memref_slice %arg7[%mul3A_123] : memref<10000xi32, #tpu.memory_space<vmem>> -> memref<80xi32, #tpu.memory_space<vmem>>
        %dma_start3A_125 = arith.constant 0 : i32
        %dma_start3A_126 = arith.constant 0 : i32
        %dma_start3A_127 = tpu.memref_slice %arg2[%dma_start3A_125, %dma_start3A_126] : memref<10000x128xf32, #tpu.memory_space<hbm>> -> memref<10000x128xf32, #tpu.memory_space<hbm>>
        tpu.enqueue_indirect_dma source(%dma_start3A_127 : memref<10000x128xf32, #tpu.memory_space<hbm>>) target(%arg11 : memref<80x128xf32, #tpu.memory_space<vmem>>) offsets(%dma_start3A_124 : memref<80xi32, #tpu.memory_space<vmem>>) semaphore(%arg15 : memref<!tpu.dma_semaphore, #tpu.memory_space<semaphore_mem>>)
      } else {
      }
      %mul3A_74 = arith.constant 80 : i32
      %mul3A_75 = arith.muli %mul3A_67, %mul3A_74 : i32
      %dma_wait3A_76 = tpu.memref_slice %arg7[%mul3A_75] : memref<10000xi32, #tpu.memory_space<vmem>> -> memref<80xi32, #tpu.memory_space<vmem>>
      %dma_wait3A_77 = arith.constant 0 : i32
      %dma_wait3A_78 = arith.constant 0 : i32
      %dma_wait3A_79 = tpu.memref_slice %arg2[%dma_wait3A_77, %dma_wait3A_78] : memref<10000x128xf32, #tpu.memory_space<hbm>> -> memref<10000x128xf32, #tpu.memory_space<hbm>>
      tpu.wait_indirect_dma semaphore(%arg14 : memref<!tpu.dma_semaphore, #tpu.memory_space<semaphore_mem>>) src(%dma_wait3A_79 : memref<10000x128xf32, #tpu.memory_space<hbm>>) dst(%arg10 : memref<80x128xf32, #tpu.memory_space<vmem>>)
      %mul3A_80 = arith.constant 80 : i32
      %mul3A_81 = arith.muli %mul3A_67, %mul3A_80 : i32
      %add3A_82 = arith.addi %mul3A_2, %mul3A_81 : i32
      %dma_wait3A_83 = tpu.memref_slice %arg4[%add3A_82] : memref<320000xi32, #tpu.memory_space<hbm>> -> memref<80xi32, #tpu.memory_space<hbm>>
      %dma_wait3A_84 = tpu.memref_slice %arg4[%add3A_82] : memref<320000xi32, #tpu.memory_space<hbm>> -> memref<80xi32, #tpu.memory_space<hbm>>
      tpu.wait_dma2 semaphore(%arg12 : memref<!tpu.dma_semaphore, #tpu.memory_space<semaphore_mem>>) src(%dma_wait3A_84 : memref<80xi32, #tpu.memory_space<hbm>>) dst(%arg8 : memref<80xi32, #tpu.memory_space<vmem>>)
      "tpu.region"() ({
        %run_scoped3A = tpu.sem_alloc : memref<!tpu.dma_semaphore, #tpu.memory_space<semaphore_mem>>
        %dma_start3A_120 = arith.constant 0 : i32
        %dma_start3A_121 = arith.constant 0 : i32
        %dma_start3A_122 = tpu.memref_slice %arg6[%dma_start3A_120, %dma_start3A_121] : memref<10000x128xf32, #tpu.memory_space<vmem_shared>> -> memref<10000x128xf32, #tpu.memory_space<vmem_shared>>
        tpu.enqueue_indirect_dma source(%arg10 : memref<80x128xf32, #tpu.memory_space<vmem>>) target(%dma_start3A_122 : memref<10000x128xf32, #tpu.memory_space<vmem_shared>>) offsets(%arg8 : memref<80xi32, #tpu.memory_space<vmem>>) semaphore(%run_scoped3A : memref<!tpu.dma_semaphore, #tpu.memory_space<semaphore_mem>>) {add = true}
        %dma_wait3A_123 = arith.constant 0 : i32
        %dma_wait3A_124 = arith.constant 0 : i32
        %dma_wait3A_125 = tpu.memref_slice %arg6[%dma_wait3A_123, %dma_wait3A_124] : memref<10000x128xf32, #tpu.memory_space<vmem_shared>> -> memref<10000x128xf32, #tpu.memory_space<vmem_shared>>
        tpu.wait_indirect_dma semaphore(%run_scoped3A : memref<!tpu.dma_semaphore, #tpu.memory_space<semaphore_mem>>) src(%arg10 : memref<80x128xf32, #tpu.memory_space<vmem>>) dst(%dma_wait3A_125 : memref<10000x128xf32, #tpu.memory_space<vmem_shared>>)
        tpu.yield
      }) : () -> ()
      %add3A_85 = arith.constant 2 : i32
      %add3A_86 = arith.addi %mul3A_67, %add3A_85 : i32
      %lt3A_87 = arith.constant 125 : i32
      %lt3A_88 = arith.cmpi slt, %add3A_86, %lt3A_87 : i32
      %convert_element_type3A_89 = arith.extui %lt3A_88 : i1 to i32
      %cond3A_90 = arith.constant 0 : i32
      %cond3A_91 = arith.cmpi ne, %convert_element_type3A_89, %cond3A_90 : i32
      scf.if %cond3A_91 {
        %add3A_120 = arith.constant 2 : i32
        %add3A_121 = arith.addi %mul3A_67, %add3A_120 : i32
        %mul3A_122 = arith.constant 80 : i32
        %mul3A_123 = arith.muli %add3A_121, %mul3A_122 : i32
        %add3A_124 = arith.addi %mul3A_2, %mul3A_123 : i32
        %dma_start3A_125 = tpu.memref_slice %arg4[%add3A_124] : memref<320000xi32, #tpu.memory_space<hbm>> -> memref<80xi32, #tpu.memory_space<hbm>>
        %dma_start3A_126 = tpu.memref_slice %arg4[%add3A_124] : memref<320000xi32, #tpu.memory_space<hbm>> -> memref<80xi32, #tpu.memory_space<hbm>>
        tpu.enqueue_dma source(%dma_start3A_126 : memref<80xi32, #tpu.memory_space<hbm>>) target(%arg8 : memref<80xi32, #tpu.memory_space<vmem>>) target_semaphore(%arg12 : memref<!tpu.dma_semaphore, #tpu.memory_space<semaphore_mem>>)
      } else {
      }
      %add3A_92 = arith.constant 1 : i32
      %add3A_93 = arith.addi %mul3A_67, %add3A_92 : i32
      %add3A_94 = arith.constant 1 : i32
      %add3A_95 = arith.addi %add3A_93, %add3A_94 : i32
      %lt3A_96 = arith.constant 125 : i32
      %lt3A_97 = arith.cmpi slt, %add3A_95, %lt3A_96 : i32
      %convert_element_type3A_98 = arith.extui %lt3A_97 : i1 to i32
      %cond3A_99 = arith.constant 0 : i32
      %cond3A_100 = arith.cmpi ne, %convert_element_type3A_98, %cond3A_99 : i32
      scf.if %cond3A_100 {
        %add3A_120 = arith.constant 1 : i32
        %add3A_121 = arith.addi %add3A_93, %add3A_120 : i32
        %mul3A_122 = arith.constant 80 : i32
        %mul3A_123 = arith.muli %add3A_121, %mul3A_122 : i32
        %dma_start3A_124 = tpu.memref_slice %arg7[%mul3A_123] : memref<10000xi32, #tpu.memory_space<vmem>> -> memref<80xi32, #tpu.memory_space<vmem>>
        %dma_start3A_125 = arith.constant 0 : i32
        %dma_start3A_126 = arith.constant 0 : i32
        %dma_start3A_127 = tpu.memref_slice %arg2[%dma_start3A_125, %dma_start3A_126] : memref<10000x128xf32, #tpu.memory_space<hbm>> -> memref<10000x128xf32, #tpu.memory_space<hbm>>
        tpu.enqueue_indirect_dma source(%dma_start3A_127 : memref<10000x128xf32, #tpu.memory_space<hbm>>) target(%arg10 : memref<80x128xf32, #tpu.memory_space<vmem>>) offsets(%dma_start3A_124 : memref<80xi32, #tpu.memory_space<vmem>>) semaphore(%arg14 : memref<!tpu.dma_semaphore, #tpu.memory_space<semaphore_mem>>)
      } else {
      }
      %mul3A_101 = arith.constant 80 : i32
      %mul3A_102 = arith.muli %add3A_93, %mul3A_101 : i32
      %dma_wait3A_103 = tpu.memref_slice %arg7[%mul3A_102] : memref<10000xi32, #tpu.memory_space<vmem>> -> memref<80xi32, #tpu.memory_space<vmem>>
      %dma_wait3A_104 = arith.constant 0 : i32
      %dma_wait3A_105 = arith.constant 0 : i32
      %dma_wait3A_106 = tpu.memref_slice %arg2[%dma_wait3A_104, %dma_wait3A_105] : memref<10000x128xf32, #tpu.memory_space<hbm>> -> memref<10000x128xf32, #tpu.memory_space<hbm>>
      tpu.wait_indirect_dma semaphore(%arg15 : memref<!tpu.dma_semaphore, #tpu.memory_space<semaphore_mem>>) src(%dma_wait3A_106 : memref<10000x128xf32, #tpu.memory_space<hbm>>) dst(%arg11 : memref<80x128xf32, #tpu.memory_space<vmem>>)
      %mul3A_107 = arith.constant 80 : i32
      %mul3A_108 = arith.muli %add3A_93, %mul3A_107 : i32
      %add3A_109 = arith.addi %mul3A_2, %mul3A_108 : i32
      %dma_wait3A_110 = tpu.memref_slice %arg4[%add3A_109] : memref<320000xi32, #tpu.memory_space<hbm>> -> memref<80xi32, #tpu.memory_space<hbm>>
      %dma_wait3A_111 = tpu.memref_slice %arg4[%add3A_109] : memref<320000xi32, #tpu.memory_space<hbm>> -> memref<80xi32, #tpu.memory_space<hbm>>
      tpu.wait_dma2 semaphore(%arg13 : memref<!tpu.dma_semaphore, #tpu.memory_space<semaphore_mem>>) src(%dma_wait3A_111 : memref<80xi32, #tpu.memory_space<hbm>>) dst(%arg9 : memref<80xi32, #tpu.memory_space<vmem>>)
      "tpu.region"() ({
        %run_scoped3A = tpu.sem_alloc : memref<!tpu.dma_semaphore, #tpu.memory_space<semaphore_mem>>
        %dma_start3A_120 = arith.constant 0 : i32
        %dma_start3A_121 = arith.constant 0 : i32
        %dma_start3A_122 = tpu.memref_slice %arg6[%dma_start3A_120, %dma_start3A_121] : memref<10000x128xf32, #tpu.memory_space<vmem_shared>> -> memref<10000x128xf32, #tpu.memory_space<vmem_shared>>
        tpu.enqueue_indirect_dma source(%arg11 : memref<80x128xf32, #tpu.memory_space<vmem>>) target(%dma_start3A_122 : memref<10000x128xf32, #tpu.memory_space<vmem_shared>>) offsets(%arg9 : memref<80xi32, #tpu.memory_space<vmem>>) semaphore(%run_scoped3A : memref<!tpu.dma_semaphore, #tpu.memory_space<semaphore_mem>>) {add = true}
        %dma_wait3A_123 = arith.constant 0 : i32
        %dma_wait3A_124 = arith.constant 0 : i32
        %dma_wait3A_125 = tpu.memref_slice %arg6[%dma_wait3A_123, %dma_wait3A_124] : memref<10000x128xf32, #tpu.memory_space<vmem_shared>> -> memref<10000x128xf32, #tpu.memory_space<vmem_shared>>
        tpu.wait_indirect_dma semaphore(%run_scoped3A : memref<!tpu.dma_semaphore, #tpu.memory_space<semaphore_mem>>) src(%arg11 : memref<80x128xf32, #tpu.memory_space<vmem>>) dst(%dma_wait3A_125 : memref<10000x128xf32, #tpu.memory_space<vmem_shared>>)
        tpu.yield
      }) : () -> ()
      %add3A_112 = arith.constant 2 : i32
      %add3A_113 = arith.addi %add3A_93, %add3A_112 : i32
      %lt3A_114 = arith.constant 125 : i32
      %lt3A_115 = arith.cmpi slt, %add3A_113, %lt3A_114 : i32
      %convert_element_type3A_116 = arith.extui %lt3A_115 : i1 to i32
      %cond3A_117 = arith.constant 0 : i32
      %cond3A_118 = arith.cmpi ne, %convert_element_type3A_116, %cond3A_117 : i32
      scf.if %cond3A_118 {
        %add3A_120 = arith.constant 2 : i32
        %add3A_121 = arith.addi %add3A_93, %add3A_120 : i32
        %mul3A_122 = arith.constant 80 : i32
        %mul3A_123 = arith.muli %add3A_121, %mul3A_122 : i32
        %add3A_124 = arith.addi %mul3A_2, %mul3A_123 : i32
        %dma_start3A_125 = tpu.memref_slice %arg4[%add3A_124] : memref<320000xi32, #tpu.memory_space<hbm>> -> memref<80xi32, #tpu.memory_space<hbm>>
        %dma_start3A_126 = tpu.memref_slice %arg4[%add3A_124] : memref<320000xi32, #tpu.memory_space<hbm>> -> memref<80xi32, #tpu.memory_space<hbm>>
        tpu.enqueue_dma source(%dma_start3A_126 : memref<80xi32, #tpu.memory_space<hbm>>) target(%arg9 : memref<80xi32, #tpu.memory_space<vmem>>) target_semaphore(%arg13 : memref<!tpu.dma_semaphore, #tpu.memory_space<semaphore_mem>>)
      } else {
      }
      %scan3A_119 = arith.constant 0 : i32
      scf.yield %scan3A_119 : i32
    }
    %scan3A_49 = arith.constant 62 : i32
    %dma_wait3A_50 = arith.constant 9920 : i32
    %dma_wait3A_51 = tpu.memref_slice %arg7[%dma_wait3A_50] : memref<10000xi32, #tpu.memory_space<vmem>> -> memref<80xi32, #tpu.memory_space<vmem>>
    %dma_wait3A_52 = arith.constant 0 : i32
    %dma_wait3A_53 = arith.constant 0 : i32
    %dma_wait3A_54 = tpu.memref_slice %arg2[%dma_wait3A_52, %dma_wait3A_53] : memref<10000x128xf32, #tpu.memory_space<hbm>> -> memref<10000x128xf32, #tpu.memory_space<hbm>>
    tpu.wait_indirect_dma semaphore(%arg14 : memref<!tpu.dma_semaphore, #tpu.memory_space<semaphore_mem>>) src(%dma_wait3A_54 : memref<10000x128xf32, #tpu.memory_space<hbm>>) dst(%arg10 : memref<80x128xf32, #tpu.memory_space<vmem>>)
    %add3A_55 = arith.constant 9920 : i32
    %add3A_56 = arith.addi %mul3A_2, %add3A_55 : i32
    %dma_wait3A_57 = tpu.memref_slice %arg4[%add3A_56] : memref<320000xi32, #tpu.memory_space<hbm>> -> memref<80xi32, #tpu.memory_space<hbm>>
    %dma_wait3A_58 = tpu.memref_slice %arg4[%add3A_56] : memref<320000xi32, #tpu.memory_space<hbm>> -> memref<80xi32, #tpu.memory_space<hbm>>
    tpu.wait_dma2 semaphore(%arg12 : memref<!tpu.dma_semaphore, #tpu.memory_space<semaphore_mem>>) src(%dma_wait3A_58 : memref<80xi32, #tpu.memory_space<hbm>>) dst(%arg8 : memref<80xi32, #tpu.memory_space<vmem>>)
    "tpu.region"() ({
      %run_scoped3A = tpu.sem_alloc : memref<!tpu.dma_semaphore, #tpu.memory_space<semaphore_mem>>
      %dma_start3A_64 = arith.constant 0 : i32
      %dma_start3A_65 = arith.constant 0 : i32
      %dma_start3A_66 = tpu.memref_slice %arg6[%dma_start3A_64, %dma_start3A_65] : memref<10000x128xf32, #tpu.memory_space<vmem_shared>> -> memref<10000x128xf32, #tpu.memory_space<vmem_shared>>
      tpu.enqueue_indirect_dma source(%arg10 : memref<80x128xf32, #tpu.memory_space<vmem>>) target(%dma_start3A_66 : memref<10000x128xf32, #tpu.memory_space<vmem_shared>>) offsets(%arg8 : memref<80xi32, #tpu.memory_space<vmem>>) semaphore(%run_scoped3A : memref<!tpu.dma_semaphore, #tpu.memory_space<semaphore_mem>>) {add = true}
      %dma_wait3A_67 = arith.constant 0 : i32
      %dma_wait3A_68 = arith.constant 0 : i32
      %dma_wait3A_69 = tpu.memref_slice %arg6[%dma_wait3A_67, %dma_wait3A_68] : memref<10000x128xf32, #tpu.memory_space<vmem_shared>> -> memref<10000x128xf32, #tpu.memory_space<vmem_shared>>
      tpu.wait_indirect_dma semaphore(%run_scoped3A : memref<!tpu.dma_semaphore, #tpu.memory_space<semaphore_mem>>) src(%arg10 : memref<80x128xf32, #tpu.memory_space<vmem>>) dst(%dma_wait3A_69 : memref<10000x128xf32, #tpu.memory_space<vmem_shared>>)
      tpu.yield
    }) : () -> ()
    %barrier3A_59 = arith.constant 0 : index
    tpu.barrier barrier_id(%barrier3A_59)
    %mul3A_60 = arith.constant 624 : i32
    %mul3A_61 = arith.muli %arg1, %mul3A_60 : i32
    "tpu.region"() ({
      %run_scoped3A = tpu.sem_alloc : memref<!tpu.dma_semaphore, #tpu.memory_space<semaphore_mem>>
      %dma_start3A_64 = arith.constant 0 : i32
      %dma_start3A_65 = tpu.memref_slice %arg5[%arg0, %mul3A_61, %dma_start3A_64] : memref<2x10000x128xf32, #tpu.memory_space<hbm>> -> memref<1x624x128xf32, #tpu.memory_space<hbm>>
      %dma_start3A_66 = tpu.memref_squeeze %dma_start3A_65 : memref<1x624x128xf32, #tpu.memory_space<hbm>> -> memref<624x128xf32, #tpu.memory_space<hbm>>
      %dma_start3A_67 = arith.constant 0 : i32
      %dma_start3A_68 = tpu.memref_slice %arg6[%mul3A_61, %dma_start3A_67] : memref<10000x128xf32, #tpu.memory_space<vmem_shared>> -> memref<624x128xf32, #tpu.memory_space<vmem_shared>>
      tpu.enqueue_dma source(%dma_start3A_68 : memref<624x128xf32, #tpu.memory_space<vmem_shared>>) target(%dma_start3A_66 : memref<624x128xf32, #tpu.memory_space<hbm>>) target_semaphore(%run_scoped3A : memref<!tpu.dma_semaphore, #tpu.memory_space<semaphore_mem>>)
      %dma_wait3A_69 = arith.constant 0 : i32
      %dma_wait3A_70 = tpu.memref_slice %arg5[%arg0, %mul3A_61, %dma_wait3A_69] : memref<2x10000x128xf32, #tpu.memory_space<hbm>> -> memref<1x624x128xf32, #tpu.memory_space<hbm>>
      %dma_wait3A_71 = tpu.memref_squeeze %dma_wait3A_70 : memref<1x624x128xf32, #tpu.memory_space<hbm>> -> memref<624x128xf32, #tpu.memory_space<hbm>>
      %dma_wait3A_72 = arith.constant 0 : i32
      %dma_wait3A_73 = tpu.memref_slice %arg6[%mul3A_61, %dma_wait3A_72] : memref<10000x128xf32, #tpu.memory_space<vmem_shared>> -> memref<624x128xf32, #tpu.memory_space<vmem_shared>>
      tpu.wait_dma2 semaphore(%run_scoped3A : memref<!tpu.dma_semaphore, #tpu.memory_space<semaphore_mem>>) src(%dma_wait3A_73 : memref<624x128xf32, #tpu.memory_space<vmem_shared>>) dst(%dma_wait3A_71 : memref<624x128xf32, #tpu.memory_space<hbm>>)
      tpu.yield
    }) : () -> ()
    %eq3A = arith.constant 15 : i32
    %eq3A_62 = arith.cmpi eq, %arg1, %eq3A : i32
    %convert_element_type3A = arith.extui %eq3A_62 : i1 to i32
    %cond3A = arith.constant 0 : i32
    %cond3A_63 = arith.cmpi ne, %convert_element_type3A, %cond3A : i32
    scf.if %cond3A_63 {
      "tpu.region"() ({
        %run_scoped3A = tpu.sem_alloc : memref<!tpu.dma_semaphore, #tpu.memory_space<semaphore_mem>>
        %dma_start3A_64 = arith.constant 9984 : i32
        %dma_start3A_65 = arith.constant 0 : i32
        %dma_start3A_66 = tpu.memref_slice %arg5[%arg0, %dma_start3A_64, %dma_start3A_65] : memref<2x10000x128xf32, #tpu.memory_space<hbm>> -> memref<1x16x128xf32, #tpu.memory_space<hbm>>
        %dma_start3A_67 = tpu.memref_squeeze %dma_start3A_66 : memref<1x16x128xf32, #tpu.memory_space<hbm>> -> memref<16x128xf32, #tpu.memory_space<hbm>>
        %dma_start3A_68 = arith.constant 9984 : i32
        %dma_start3A_69 = arith.constant 0 : i32
        %dma_start3A_70 = tpu.memref_slice %arg6[%dma_start3A_68, %dma_start3A_69] : memref<10000x128xf32, #tpu.memory_space<vmem_shared>> -> memref<16x128xf32, #tpu.memory_space<vmem_shared>>
        tpu.enqueue_dma source(%dma_start3A_70 : memref<16x128xf32, #tpu.memory_space<vmem_shared>>) target(%dma_start3A_67 : memref<16x128xf32, #tpu.memory_space<hbm>>) target_semaphore(%run_scoped3A : memref<!tpu.dma_semaphore, #tpu.memory_space<semaphore_mem>>)
        %dma_wait3A_71 = arith.constant 9984 : i32
        %dma_wait3A_72 = arith.constant 0 : i32
        %dma_wait3A_73 = tpu.memref_slice %arg5[%arg0, %dma_wait3A_71, %dma_wait3A_72] : memref<2x10000x128xf32, #tpu.memory_space<hbm>> -> memref<1x16x128xf32, #tpu.memory_space<hbm>>
        %dma_wait3A_74 = tpu.memref_squeeze %dma_wait3A_73 : memref<1x16x128xf32, #tpu.memory_space<hbm>> -> memref<16x128xf32, #tpu.memory_space<hbm>>
        %dma_wait3A_75 = arith.constant 9984 : i32
        %dma_wait3A_76 = arith.constant 0 : i32
        %dma_wait3A_77 = tpu.memref_slice %arg6[%dma_wait3A_75, %dma_wait3A_76] : memref<10000x128xf32, #tpu.memory_space<vmem_shared>> -> memref<16x128xf32, #tpu.memory_space<vmem_shared>>
        tpu.wait_dma2 semaphore(%run_scoped3A : memref<!tpu.dma_semaphore, #tpu.memory_space<semaphore_mem>>) src(%dma_wait3A_77 : memref<16x128xf32, #tpu.memory_space<vmem_shared>>) dst(%dma_wait3A_74 : memref<16x128xf32, #tpu.memory_space<hbm>>)
        tpu.yield
      }) : () -> ()
    } else {
    }
    return
  }
}

#map = affine_map<(d0, d1) -> (0, 0)>
#map1 = affine_map<(d0, d1) -> (0)>
#map2 = affine_map<(d0, d1) -> (0, 0, 0)>
module attributes {stable_mosaic.version = 14 : i64} {
  func.func @_sc_agg_body(%arg0: i32, %arg1: i32, %arg2: memref<10000x128xf32, #tpu.memory_space<hbm>>, %arg3: memref<320000xi32, #tpu.memory_space<hbm>>, %arg4: memref<320000xi32, #tpu.memory_space<hbm>>, %arg5: memref<2x10000x128xf32, #tpu.memory_space<hbm>>, %arg6: memref<10000x128xf32, #tpu.memory_space<vmem_shared>>, %arg7: memref<10000xi32, #tpu.memory_space<vmem>>, %arg8: memref<80xi32, #tpu.memory_space<vmem>>, %arg9: memref<80xi32, #tpu.memory_space<vmem>>, %arg10: memref<80x128xf32, #tpu.memory_space<vmem>>, %arg11: memref<80x128xf32, #tpu.memory_space<vmem>>, %arg12: memref<!tpu.dma_semaphore, #tpu.memory_space<semaphore_mem>>, %arg13: memref<!tpu.dma_semaphore, #tpu.memory_space<semaphore_mem>>, %arg14: memref<!tpu.dma_semaphore, #tpu.memory_space<semaphore_mem>>, %arg15: memref<!tpu.dma_semaphore, #tpu.memory_space<semaphore_mem>>) attributes {dimension_semantics = [#tpu.dimension_semantics<core_parallel>, #tpu.dimension_semantics<subcore_parallel>], iteration_bounds = array<i64: 2, 16>, scalar_prefetch = 0 : i64, scratch_operands = 10 : i64, tpu.core_type = #tpu.core_type<sc_vector_subcore>, window_params = [{transform_indices = #map}, {transform_indices = #map1}, {transform_indices = #map1}, {transform_indices = #map2}]} {
    %mul3A = arith.constant 2 : i32
    %mul3A_0 = arith.muli %arg1, %mul3A : i32
    %add3A = arith.addi %mul3A_0, %arg0 : i32
    %mul3A_1 = arith.constant 10000 : i32
    %mul3A_2 = arith.muli %add3A, %mul3A_1 : i32
    %dma_start3A = tpu.memref_slice %arg3[%mul3A_2] : memref<320000xi32, #tpu.memory_space<hbm>> -> memref<10000xi32, #tpu.memory_space<hbm>>
    %dma_start3A_3 = tpu.memref_slice %arg3[%mul3A_2] : memref<320000xi32, #tpu.memory_space<hbm>> -> memref<10000xi32, #tpu.memory_space<hbm>>
    tpu.enqueue_dma source(%dma_start3A_3 : memref<10000xi32, #tpu.memory_space<hbm>>) target(%arg7 : memref<10000xi32, #tpu.memory_space<vmem>>) target_semaphore(%arg12 : memref<!tpu.dma_semaphore, #tpu.memory_space<semaphore_mem>>)
    %broadcast_in_dim3A = arith.constant 0.000000e+00 : f32
    %broadcast_in_dim3A_4 = vector.broadcast %broadcast_in_dim3A : f32 to vector<16xf32>
    %scan3A = arith.constant 0 : i32
    %scan3A_5 = arith.constant 0 : i32
    %scan3A_6 = arith.constant 80 : i32
    %scan3A_7 = arith.addi %scan3A_5, %scan3A_6 : i32
    %scan3A_8 = arith.constant 1 : i32
    %scan3A_9 = scf.for %scan3A_64 = %scan3A_5 to %scan3A_7 step %scan3A_8 iter_args(%scan3A_65 = %scan3A) -> (i32)  : i32 {
      %swap3A = arith.index_cast %scan3A_64 : i32 to index
      %swap3A_66 = arith.constant 0 : index
      %swap3A_67 = tpu.vector_load %arg10[%swap3A, %swap3A_66] {strides = array<i32>} : memref<80x128xf32, #tpu.memory_space<vmem>>, vector<1x16xf32>,
      %swap3A_68 = vector.shape_cast %swap3A_67 : vector<1x16xf32> to vector<16xf32>
      %swap3A_69 = vector.shape_cast %broadcast_in_dim3A_4 : vector<16xf32> to vector<1x16xf32>
      tpu.vector_store %arg10[%swap3A, %swap3A_66], %swap3A_69 {strides = array<i32>} : memref<80x128xf32, #tpu.memory_space<vmem>>, vector<1x16xf32>,
      %swap3A_70 = arith.index_cast %scan3A_64 : i32 to index
      %swap3A_71 = arith.constant 16 : index
      %swap3A_72 = tpu.vector_load %arg10[%swap3A_70, %swap3A_71] {strides = array<i32>} : memref<80x128xf32, #tpu.memory_space<vmem>>, vector<1x16xf32>,
      %swap3A_73 = vector.shape_cast %swap3A_72 : vector<1x16xf32> to vector<16xf32>
      %swap3A_74 = vector.shape_cast %broadcast_in_dim3A_4 : vector<16xf32> to vector<1x16xf32>
      tpu.vector_store %arg10[%swap3A_70, %swap3A_71], %swap3A_74 {strides = array<i32>} : memref<80x128xf32, #tpu.memory_space<vmem>>, vector<1x16xf32>,
      %swap3A_75 = arith.index_cast %scan3A_64 : i32 to index
      %swap3A_76 = arith.constant 32 : index
      %swap3A_77 = tpu.vector_load %arg10[%swap3A_75, %swap3A_76] {strides = array<i32>} : memref<80x128xf32, #tpu.memory_space<vmem>>, vector<1x16xf32>,
      %swap3A_78 = vector.shape_cast %swap3A_77 : vector<1x16xf32> to vector<16xf32>
      %swap3A_79 = vector.shape_cast %broadcast_in_dim3A_4 : vector<16xf32> to vector<1x16xf32>
      tpu.vector_store %arg10[%swap3A_75, %swap3A_76], %swap3A_79 {strides = array<i32>} : memref<80x128xf32, #tpu.memory_space<vmem>>, vector<1x16xf32>,
      %swap3A_80 = arith.index_cast %scan3A_64 : i32 to index
      %swap3A_81 = arith.constant 48 : index
      %swap3A_82 = tpu.vector_load %arg10[%swap3A_80, %swap3A_81] {strides = array<i32>} : memref<80x128xf32, #tpu.memory_space<vmem>>, vector<1x16xf32>,
      %swap3A_83 = vector.shape_cast %swap3A_82 : vector<1x16xf32> to vector<16xf32>
      %swap3A_84 = vector.shape_cast %broadcast_in_dim3A_4 : vector<16xf32> to vector<1x16xf32>
      tpu.vector_store %arg10[%swap3A_80, %swap3A_81], %swap3A_84 {strides = array<i32>} : memref<80x128xf32, #tpu.memory_space<vmem>>, vector<1x16xf32>,
      %swap3A_85 = arith.index_cast %scan3A_64 : i32 to index
      %swap3A_86 = arith.constant 64 : index
      %swap3A_87 = tpu.vector_load %arg10[%swap3A_85, %swap3A_86] {strides = array<i32>} : memref<80x128xf32, #tpu.memory_space<vmem>>, vector<1x16xf32>,
      %swap3A_88 = vector.shape_cast %swap3A_87 : vector<1x16xf32> to vector<16xf32>
      %swap3A_89 = vector.shape_cast %broadcast_in_dim3A_4 : vector<16xf32> to vector<1x16xf32>
      tpu.vector_store %arg10[%swap3A_85, %swap3A_86], %swap3A_89 {strides = array<i32>} : memref<80x128xf32, #tpu.memory_space<vmem>>, vector<1x16xf32>,
      %swap3A_90 = arith.index_cast %scan3A_64 : i32 to index
      %swap3A_91 = arith.constant 80 : index
      %swap3A_92 = tpu.vector_load %arg10[%swap3A_90, %swap3A_91] {strides = array<i32>} : memref<80x128xf32, #tpu.memory_space<vmem>>, vector<1x16xf32>,
      %swap3A_93 = vector.shape_cast %swap3A_92 : vector<1x16xf32> to vector<16xf32>
      %swap3A_94 = vector.shape_cast %broadcast_in_dim3A_4 : vector<16xf32> to vector<1x16xf32>
      tpu.vector_store %arg10[%swap3A_90, %swap3A_91], %swap3A_94 {strides = array<i32>} : memref<80x128xf32, #tpu.memory_space<vmem>>, vector<1x16xf32>,
      %swap3A_95 = arith.index_cast %scan3A_64 : i32 to index
      %swap3A_96 = arith.constant 96 : index
      %swap3A_97 = tpu.vector_load %arg10[%swap3A_95, %swap3A_96] {strides = array<i32>} : memref<80x128xf32, #tpu.memory_space<vmem>>, vector<1x16xf32>,
      %swap3A_98 = vector.shape_cast %swap3A_97 : vector<1x16xf32> to vector<16xf32>
      %swap3A_99 = vector.shape_cast %broadcast_in_dim3A_4 : vector<16xf32> to vector<1x16xf32>
      tpu.vector_store %arg10[%swap3A_95, %swap3A_96], %swap3A_99 {strides = array<i32>} : memref<80x128xf32, #tpu.memory_space<vmem>>, vector<1x16xf32>,
      %swap3A_100 = arith.index_cast %scan3A_64 : i32 to index
      %swap3A_101 = arith.constant 112 : index
      %swap3A_102 = tpu.vector_load %arg10[%swap3A_100, %swap3A_101] {strides = array<i32>} : memref<80x128xf32, #tpu.memory_space<vmem>>, vector<1x16xf32>,
      %swap3A_103 = vector.shape_cast %swap3A_102 : vector<1x16xf32> to vector<16xf32>
      %swap3A_104 = vector.shape_cast %broadcast_in_dim3A_4 : vector<16xf32> to vector<1x16xf32>
      tpu.vector_store %arg10[%swap3A_100, %swap3A_101], %swap3A_104 {strides = array<i32>} : memref<80x128xf32, #tpu.memory_space<vmem>>, vector<1x16xf32>,
      %scan3A_105 = arith.constant 0 : i32
      scf.yield %scan3A_105 : i32
    }
    %scan3A_10 = arith.constant 80 : i32
    %mul3A_11 = arith.constant 625 : i32
    %mul3A_12 = arith.muli %arg1, %mul3A_11 : i32
    %add3A_13 = arith.constant 0 : i32
    %add3A_14 = arith.addi %mul3A_12, %add3A_13 : i32
    "tpu.region"() ({
      %run_scoped3A = tpu.sem_alloc : memref<!tpu.dma_semaphore, #tpu.memory_space<semaphore_mem>>
      %dma_start3A_64 = arith.constant 0 : i32
      %dma_start3A_65 = tpu.memref_slice %arg6[%add3A_14, %dma_start3A_64] : memref<10000x128xf32, #tpu.memory_space<vmem_shared>> -> memref<80x128xf32, #tpu.memory_space<vmem_shared>>
      %dma_start3A_66 = arith.constant 0 : i32
      %dma_start3A_67 = tpu.memref_slice %arg6[%add3A_14, %dma_start3A_66] : memref<10000x128xf32, #tpu.memory_space<vmem_shared>> -> memref<80x128xf32, #tpu.memory_space<vmem_shared>>
      tpu.enqueue_dma source(%arg10 : memref<80x128xf32, #tpu.memory_space<vmem>>) target(%dma_start3A_67 : memref<80x128xf32, #tpu.memory_space<vmem_shared>>) target_semaphore(%run_scoped3A : memref<!tpu.dma_semaphore, #tpu.memory_space<semaphore_mem>>)
      %dma_wait3A_68 = arith.constant 0 : i32
      %dma_wait3A_69 = tpu.memref_slice %arg6[%add3A_14, %dma_wait3A_68] : memref<10000x128xf32, #tpu.memory_space<vmem_shared>> -> memref<80x128xf32, #tpu.memory_space<vmem_shared>>
      %dma_wait3A_70 = arith.constant 0 : i32
      %dma_wait3A_71 = tpu.memref_slice %arg6[%add3A_14, %dma_wait3A_70] : memref<10000x128xf32, #tpu.memory_space<vmem_shared>> -> memref<80x128xf32, #tpu.memory_space<vmem_shared>>
      tpu.wait_dma2 semaphore(%run_scoped3A : memref<!tpu.dma_semaphore, #tpu.memory_space<semaphore_mem>>) src(%arg10 : memref<80x128xf32, #tpu.memory_space<vmem>>) dst(%dma_wait3A_71 : memref<80x128xf32, #tpu.memory_space<vmem_shared>>)
      tpu.yield
    }) : () -> ()
    %add3A_15 = arith.constant 80 : i32
    %add3A_16 = arith.addi %mul3A_12, %add3A_15 : i32
    "tpu.region"() ({
      %run_scoped3A = tpu.sem_alloc : memref<!tpu.dma_semaphore, #tpu.memory_space<semaphore_mem>>
      %dma_start3A_64 = arith.constant 0 : i32
      %dma_start3A_65 = tpu.memref_slice %arg6[%add3A_16, %dma_start3A_64] : memref<10000x128xf32, #tpu.memory_space<vmem_shared>> -> memref<80x128xf32, #tpu.memory_space<vmem_shared>>
      %dma_start3A_66 = arith.constant 0 : i32
      %dma_start3A_67 = tpu.memref_slice %arg6[%add3A_16, %dma_start3A_66] : memref<10000x128xf32, #tpu.memory_space<vmem_shared>> -> memref<80x128xf32, #tpu.memory_space<vmem_shared>>
      tpu.enqueue_dma source(%arg10 : memref<80x128xf32, #tpu.memory_space<vmem>>) target(%dma_start3A_67 : memref<80x128xf32, #tpu.memory_space<vmem_shared>>) target_semaphore(%run_scoped3A : memref<!tpu.dma_semaphore, #tpu.memory_space<semaphore_mem>>)
      %dma_wait3A_68 = arith.constant 0 : i32
      %dma_wait3A_69 = tpu.memref_slice %arg6[%add3A_16, %dma_wait3A_68] : memref<10000x128xf32, #tpu.memory_space<vmem_shared>> -> memref<80x128xf32, #tpu.memory_space<vmem_shared>>
      %dma_wait3A_70 = arith.constant 0 : i32
      %dma_wait3A_71 = tpu.memref_slice %arg6[%add3A_16, %dma_wait3A_70] : memref<10000x128xf32, #tpu.memory_space<vmem_shared>> -> memref<80x128xf32, #tpu.memory_space<vmem_shared>>
      tpu.wait_dma2 semaphore(%run_scoped3A : memref<!tpu.dma_semaphore, #tpu.memory_space<semaphore_mem>>) src(%arg10 : memref<80x128xf32, #tpu.memory_space<vmem>>) dst(%dma_wait3A_71 : memref<80x128xf32, #tpu.memory_space<vmem_shared>>)
      tpu.yield
    }) : () -> ()
    %add3A_17 = arith.constant 160 : i32
    %add3A_18 = arith.addi %mul3A_12, %add3A_17 : i32
    "tpu.region"() ({
      %run_scoped3A = tpu.sem_alloc : memref<!tpu.dma_semaphore, #tpu.memory_space<semaphore_mem>>
      %dma_start3A_64 = arith.constant 0 : i32
      %dma_start3A_65 = tpu.memref_slice %arg6[%add3A_18, %dma_start3A_64] : memref<10000x128xf32, #tpu.memory_space<vmem_shared>> -> memref<80x128xf32, #tpu.memory_space<vmem_shared>>
      %dma_start3A_66 = arith.constant 0 : i32
      %dma_start3A_67 = tpu.memref_slice %arg6[%add3A_18, %dma_start3A_66] : memref<10000x128xf32, #tpu.memory_space<vmem_shared>> -> memref<80x128xf32, #tpu.memory_space<vmem_shared>>
      tpu.enqueue_dma source(%arg10 : memref<80x128xf32, #tpu.memory_space<vmem>>) target(%dma_start3A_67 : memref<80x128xf32, #tpu.memory_space<vmem_shared>>) target_semaphore(%run_scoped3A : memref<!tpu.dma_semaphore, #tpu.memory_space<semaphore_mem>>)
      %dma_wait3A_68 = arith.constant 0 : i32
      %dma_wait3A_69 = tpu.memref_slice %arg6[%add3A_18, %dma_wait3A_68] : memref<10000x128xf32, #tpu.memory_space<vmem_shared>> -> memref<80x128xf32, #tpu.memory_space<vmem_shared>>
      %dma_wait3A_70 = arith.constant 0 : i32
      %dma_wait3A_71 = tpu.memref_slice %arg6[%add3A_18, %dma_wait3A_70] : memref<10000x128xf32, #tpu.memory_space<vmem_shared>> -> memref<80x128xf32, #tpu.memory_space<vmem_shared>>
      tpu.wait_dma2 semaphore(%run_scoped3A : memref<!tpu.dma_semaphore, #tpu.memory_space<semaphore_mem>>) src(%arg10 : memref<80x128xf32, #tpu.memory_space<vmem>>) dst(%dma_wait3A_71 : memref<80x128xf32, #tpu.memory_space<vmem_shared>>)
      tpu.yield
    }) : () -> ()
    %add3A_19 = arith.constant 240 : i32
    %add3A_20 = arith.addi %mul3A_12, %add3A_19 : i32
    "tpu.region"() ({
      %run_scoped3A = tpu.sem_alloc : memref<!tpu.dma_semaphore, #tpu.memory_space<semaphore_mem>>
      %dma_start3A_64 = arith.constant 0 : i32
      %dma_start3A_65 = tpu.memref_slice %arg6[%add3A_20, %dma_start3A_64] : memref<10000x128xf32, #tpu.memory_space<vmem_shared>> -> memref<80x128xf32, #tpu.memory_space<vmem_shared>>
      %dma_start3A_66 = arith.constant 0 : i32
      %dma_start3A_67 = tpu.memref_slice %arg6[%add3A_20, %dma_start3A_66] : memref<10000x128xf32, #tpu.memory_space<vmem_shared>> -> memref<80x128xf32, #tpu.memory_space<vmem_shared>>
      tpu.enqueue_dma source(%arg10 : memref<80x128xf32, #tpu.memory_space<vmem>>) target(%dma_start3A_67 : memref<80x128xf32, #tpu.memory_space<vmem_shared>>) target_semaphore(%run_scoped3A : memref<!tpu.dma_semaphore, #tpu.memory_space<semaphore_mem>>)
      %dma_wait3A_68 = arith.constant 0 : i32
      %dma_wait3A_69 = tpu.memref_slice %arg6[%add3A_20, %dma_wait3A_68] : memref<10000x128xf32, #tpu.memory_space<vmem_shared>> -> memref<80x128xf32, #tpu.memory_space<vmem_shared>>
      %dma_wait3A_70 = arith.constant 0 : i32
      %dma_wait3A_71 = tpu.memref_slice %arg6[%add3A_20, %dma_wait3A_70] : memref<10000x128xf32, #tpu.memory_space<vmem_shared>> -> memref<80x128xf32, #tpu.memory_space<vmem_shared>>
      tpu.wait_dma2 semaphore(%run_scoped3A : memref<!tpu.dma_semaphore, #tpu.memory_space<semaphore_mem>>) src(%arg10 : memref<80x128xf32, #tpu.memory_space<vmem>>) dst(%dma_wait3A_71 : memref<80x128xf32, #tpu.memory_space<vmem_shared>>)
      tpu.yield
    }) : () -> ()
    %add3A_21 = arith.constant 320 : i32
    %add3A_22 = arith.addi %mul3A_12, %add3A_21 : i32
    "tpu.region"() ({
      %run_scoped3A = tpu.sem_alloc : memref<!tpu.dma_semaphore, #tpu.memory_space<semaphore_mem>>
      %dma_start3A_64 = arith.constant 0 : i32
      %dma_start3A_65 = tpu.memref_slice %arg6[%add3A_22, %dma_start3A_64] : memref<10000x128xf32, #tpu.memory_space<vmem_shared>> -> memref<80x128xf32, #tpu.memory_space<vmem_shared>>
      %dma_start3A_66 = arith.constant 0 : i32
      %dma_start3A_67 = tpu.memref_slice %arg6[%add3A_22, %dma_start3A_66] : memref<10000x128xf32, #tpu.memory_space<vmem_shared>> -> memref<80x128xf32, #tpu.memory_space<vmem_shared>>
      tpu.enqueue_dma source(%arg10 : memref<80x128xf32, #tpu.memory_space<vmem>>) target(%dma_start3A_67 : memref<80x128xf32, #tpu.memory_space<vmem_shared>>) target_semaphore(%run_scoped3A : memref<!tpu.dma_semaphore, #tpu.memory_space<semaphore_mem>>)
      %dma_wait3A_68 = arith.constant 0 : i32
      %dma_wait3A_69 = tpu.memref_slice %arg6[%add3A_22, %dma_wait3A_68] : memref<10000x128xf32, #tpu.memory_space<vmem_shared>> -> memref<80x128xf32, #tpu.memory_space<vmem_shared>>
      %dma_wait3A_70 = arith.constant 0 : i32
      %dma_wait3A_71 = tpu.memref_slice %arg6[%add3A_22, %dma_wait3A_70] : memref<10000x128xf32, #tpu.memory_space<vmem_shared>> -> memref<80x128xf32, #tpu.memory_space<vmem_shared>>
      tpu.wait_dma2 semaphore(%run_scoped3A : memref<!tpu.dma_semaphore, #tpu.memory_space<semaphore_mem>>) src(%arg10 : memref<80x128xf32, #tpu.memory_space<vmem>>) dst(%dma_wait3A_71 : memref<80x128xf32, #tpu.memory_space<vmem_shared>>)
      tpu.yield
    }) : () -> ()
    %add3A_23 = arith.constant 400 : i32
    %add3A_24 = arith.addi %mul3A_12, %add3A_23 : i32
    "tpu.region"() ({
      %run_scoped3A = tpu.sem_alloc : memref<!tpu.dma_semaphore, #tpu.memory_space<semaphore_mem>>
      %dma_start3A_64 = arith.constant 0 : i32
      %dma_start3A_65 = tpu.memref_slice %arg6[%add3A_24, %dma_start3A_64] : memref<10000x128xf32, #tpu.memory_space<vmem_shared>> -> memref<80x128xf32, #tpu.memory_space<vmem_shared>>
      %dma_start3A_66 = arith.constant 0 : i32
      %dma_start3A_67 = tpu.memref_slice %arg6[%add3A_24, %dma_start3A_66] : memref<10000x128xf32, #tpu.memory_space<vmem_shared>> -> memref<80x128xf32, #tpu.memory_space<vmem_shared>>
      tpu.enqueue_dma source(%arg10 : memref<80x128xf32, #tpu.memory_space<vmem>>) target(%dma_start3A_67 : memref<80x128xf32, #tpu.memory_space<vmem_shared>>) target_semaphore(%run_scoped3A : memref<!tpu.dma_semaphore, #tpu.memory_space<semaphore_mem>>)
      %dma_wait3A_68 = arith.constant 0 : i32
      %dma_wait3A_69 = tpu.memref_slice %arg6[%add3A_24, %dma_wait3A_68] : memref<10000x128xf32, #tpu.memory_space<vmem_shared>> -> memref<80x128xf32, #tpu.memory_space<vmem_shared>>
      %dma_wait3A_70 = arith.constant 0 : i32
      %dma_wait3A_71 = tpu.memref_slice %arg6[%add3A_24, %dma_wait3A_70] : memref<10000x128xf32, #tpu.memory_space<vmem_shared>> -> memref<80x128xf32, #tpu.memory_space<vmem_shared>>
      tpu.wait_dma2 semaphore(%run_scoped3A : memref<!tpu.dma_semaphore, #tpu.memory_space<semaphore_mem>>) src(%arg10 : memref<80x128xf32, #tpu.memory_space<vmem>>) dst(%dma_wait3A_71 : memref<80x128xf32, #tpu.memory_space<vmem_shared>>)
      tpu.yield
    }) : () -> ()
    %add3A_25 = arith.constant 480 : i32
    %add3A_26 = arith.addi %mul3A_12, %add3A_25 : i32
    "tpu.region"() ({
      %run_scoped3A = tpu.sem_alloc : memref<!tpu.dma_semaphore, #tpu.memory_space<semaphore_mem>>
      %dma_start3A_64 = arith.constant 0 : i32
      %dma_start3A_65 = tpu.memref_slice %arg6[%add3A_26, %dma_start3A_64] : memref<10000x128xf32, #tpu.memory_space<vmem_shared>> -> memref<80x128xf32, #tpu.memory_space<vmem_shared>>
      %dma_start3A_66 = arith.constant 0 : i32
      %dma_start3A_67 = tpu.memref_slice %arg6[%add3A_26, %dma_start3A_66] : memref<10000x128xf32, #tpu.memory_space<vmem_shared>> -> memref<80x128xf32, #tpu.memory_space<vmem_shared>>
      tpu.enqueue_dma source(%arg10 : memref<80x128xf32, #tpu.memory_space<vmem>>) target(%dma_start3A_67 : memref<80x128xf32, #tpu.memory_space<vmem_shared>>) target_semaphore(%run_scoped3A : memref<!tpu.dma_semaphore, #tpu.memory_space<semaphore_mem>>)
      %dma_wait3A_68 = arith.constant 0 : i32
      %dma_wait3A_69 = tpu.memref_slice %arg6[%add3A_26, %dma_wait3A_68] : memref<10000x128xf32, #tpu.memory_space<vmem_shared>> -> memref<80x128xf32, #tpu.memory_space<vmem_shared>>
      %dma_wait3A_70 = arith.constant 0 : i32
      %dma_wait3A_71 = tpu.memref_slice %arg6[%add3A_26, %dma_wait3A_70] : memref<10000x128xf32, #tpu.memory_space<vmem_shared>> -> memref<80x128xf32, #tpu.memory_space<vmem_shared>>
      tpu.wait_dma2 semaphore(%run_scoped3A : memref<!tpu.dma_semaphore, #tpu.memory_space<semaphore_mem>>) src(%arg10 : memref<80x128xf32, #tpu.memory_space<vmem>>) dst(%dma_wait3A_71 : memref<80x128xf32, #tpu.memory_space<vmem_shared>>)
      tpu.yield
    }) : () -> ()
    %add3A_27 = arith.constant 560 : i32
    %add3A_28 = arith.addi %mul3A_12, %add3A_27 : i32
    "tpu.region"() ({
      %run_scoped3A = tpu.sem_alloc : memref<!tpu.dma_semaphore, #tpu.memory_space<semaphore_mem>>
      %dma_start3A_64 = arith.constant 0 : i32
      %dma_start3A_65 = arith.constant 0 : i32
      %dma_start3A_66 = tpu.memref_slice %arg10[%dma_start3A_64, %dma_start3A_65] : memref<80x128xf32, #tpu.memory_space<vmem>> -> memref<65x128xf32, #tpu.memory_space<vmem>>
      %dma_start3A_67 = arith.constant 0 : i32
      %dma_start3A_68 = tpu.memref_slice %arg6[%add3A_28, %dma_start3A_67] : memref<10000x128xf32, #tpu.memory_space<vmem_shared>> -> memref<65x128xf32, #tpu.memory_space<vmem_shared>>
      %dma_start3A_69 = arith.constant 0 : i32
      %dma_start3A_70 = tpu.memref_slice %arg6[%add3A_28, %dma_start3A_69] : memref<10000x128xf32, #tpu.memory_space<vmem_shared>> -> memref<65x128xf32, #tpu.memory_space<vmem_shared>>
      %dma_start3A_71 = arith.constant 0 : i32
      %dma_start3A_72 = arith.constant 0 : i32
      %dma_start3A_73 = tpu.memref_slice %arg10[%dma_start3A_71, %dma_start3A_72] : memref<80x128xf32, #tpu.memory_space<vmem>> -> memref<65x128xf32, #tpu.memory_space<vmem>>
      tpu.enqueue_dma source(%dma_start3A_73 : memref<65x128xf32, #tpu.memory_space<vmem>>) target(%dma_start3A_70 : memref<65x128xf32, #tpu.memory_space<vmem_shared>>) target_semaphore(%run_scoped3A : memref<!tpu.dma_semaphore, #tpu.memory_space<semaphore_mem>>)
      %dma_wait3A_74 = arith.constant 0 : i32
      %dma_wait3A_75 = arith.constant 0 : i32
      %dma_wait3A_76 = tpu.memref_slice %arg10[%dma_wait3A_74, %dma_wait3A_75] : memref<80x128xf32, #tpu.memory_space<vmem>> -> memref<65x128xf32, #tpu.memory_space<vmem>>
      %dma_wait3A_77 = arith.constant 0 : i32
      %dma_wait3A_78 = tpu.memref_slice %arg6[%add3A_28, %dma_wait3A_77] : memref<10000x128xf32, #tpu.memory_space<vmem_shared>> -> memref<65x128xf32, #tpu.memory_space<vmem_shared>>
      %dma_wait3A_79 = arith.constant 0 : i32
      %dma_wait3A_80 = tpu.memref_slice %arg6[%add3A_28, %dma_wait3A_79] : memref<10000x128xf32, #tpu.memory_space<vmem_shared>> -> memref<65x128xf32, #tpu.memory_space<vmem_shared>>
      %dma_wait3A_81 = arith.constant 0 : i32
      %dma_wait3A_82 = arith.constant 0 : i32
      %dma_wait3A_83 = tpu.memref_slice %arg10[%dma_wait3A_81, %dma_wait3A_82] : memref<80x128xf32, #tpu.memory_space<vmem>> -> memref<65x128xf32, #tpu.memory_space<vmem>>
      tpu.wait_dma2 semaphore(%run_scoped3A : memref<!tpu.dma_semaphore, #tpu.memory_space<semaphore_mem>>) src(%dma_wait3A_83 : memref<65x128xf32, #tpu.memory_space<vmem>>) dst(%dma_wait3A_80 : memref<65x128xf32, #tpu.memory_space<vmem_shared>>)
      tpu.yield
    }) : () -> ()
    %dma_wait3A = tpu.memref_slice %arg3[%mul3A_2] : memref<320000xi32, #tpu.memory_space<hbm>> -> memref<10000xi32, #tpu.memory_space<hbm>>
    %dma_wait3A_29 = tpu.memref_slice %arg3[%mul3A_2] : memref<320000xi32, #tpu.memory_space<hbm>> -> memref<10000xi32, #tpu.memory_space<hbm>>
    tpu.wait_dma2 semaphore(%arg12 : memref<!tpu.dma_semaphore, #tpu.memory_space<semaphore_mem>>) src(%dma_wait3A_29 : memref<10000xi32, #tpu.memory_space<hbm>>) dst(%arg7 : memref<10000xi32, #tpu.memory_space<vmem>>)
    %barrier3A = arith.constant 0 : index
    tpu.barrier barrier_id(%barrier3A)
    %add3A_30 = arith.constant 0 : i32
    %add3A_31 = arith.addi %mul3A_2, %add3A_30 : i32
    %dma_start3A_32 = tpu.memref_slice %arg4[%add3A_31] : memref<320000xi32, #tpu.memory_space<hbm>> -> memref<80xi32, #tpu.memory_space<hbm>>
    %dma_start3A_33 = tpu.memref_slice %arg4[%add3A_31] : memref<320000xi32, #tpu.memory_space<hbm>> -> memref<80xi32, #tpu.memory_space<hbm>>
    tpu.enqueue_dma source(%dma_start3A_33 : memref<80xi32, #tpu.memory_space<hbm>>) target(%arg8 : memref<80xi32, #tpu.memory_space<vmem>>) target_semaphore(%arg12 : memref<!tpu.dma_semaphore, #tpu.memory_space<semaphore_mem>>)
    %add3A_34 = arith.constant 80 : i32
    %add3A_35 = arith.addi %mul3A_2, %add3A_34 : i32
    %dma_start3A_36 = tpu.memref_slice %arg4[%add3A_35] : memref<320000xi32, #tpu.memory_space<hbm>> -> memref<80xi32, #tpu.memory_space<hbm>>
    %dma_start3A_37 = tpu.memref_slice %arg4[%add3A_35] : memref<320000xi32, #tpu.memory_space<hbm>> -> memref<80xi32, #tpu.memory_space<hbm>>
    tpu.enqueue_dma source(%dma_start3A_37 : memref<80xi32, #tpu.memory_space<hbm>>) target(%arg9 : memref<80xi32, #tpu.memory_space<vmem>>) target_semaphore(%arg13 : memref<!tpu.dma_semaphore, #tpu.memory_space<semaphore_mem>>)
    %dma_start3A_38 = arith.constant 0 : i32
    %dma_start3A_39 = tpu.memref_slice %arg7[%dma_start3A_38] : memref<10000xi32, #tpu.memory_space<vmem>> -> memref<80xi32, #tpu.memory_space<vmem>>
    %dma_start3A_40 = arith.constant 0 : i32
    %dma_start3A_41 = arith.constant 0 : i32
    %dma_start3A_42 = tpu.memref_slice %arg2[%dma_start3A_40, %dma_start3A_41] : memref<10000x128xf32, #tpu.memory_space<hbm>> -> memref<10000x128xf32, #tpu.memory_space<hbm>>
    tpu.enqueue_indirect_dma source(%dma_start3A_42 : memref<10000x128xf32, #tpu.memory_space<hbm>>) target(%arg10 : memref<80x128xf32, #tpu.memory_space<vmem>>) offsets(%dma_start3A_39 : memref<80xi32, #tpu.memory_space<vmem>>) semaphore(%arg14 : memref<!tpu.dma_semaphore, #tpu.memory_space<semaphore_mem>>)
    %scan3A_43 = arith.constant 0 : i32
    %scan3A_44 = arith.constant 0 : i32
    %scan3A_45 = arith.constant 62 : i32
    %scan3A_46 = arith.addi %scan3A_44, %scan3A_45 : i32
    %scan3A_47 = arith.constant 1 : i32
    %scan3A_48 = scf.for %scan3A_64 = %scan3A_44 to %scan3A_46 step %scan3A_47 iter_args(%scan3A_65 = %scan3A_43) -> (i32)  : i32 {
      %mul3A_66 = arith.constant 2 : i32
      %mul3A_67 = arith.muli %mul3A_66, %scan3A_64 : i32
      %add3A_68 = arith.constant 1 : i32
      %add3A_69 = arith.addi %mul3A_67, %add3A_68 : i32
      %lt3A = arith.constant 125 : i32
      %lt3A_70 = arith.cmpi slt, %add3A_69, %lt3A : i32
      %convert_element_type3A_71 = arith.extui %lt3A_70 : i1 to i32
      %cond3A_72 = arith.constant 0 : i32
      %cond3A_73 = arith.cmpi ne, %convert_element_type3A_71, %cond3A_72 : i32
      scf.if %cond3A_73 {
        %add3A_120 = arith.constant 1 : i32
        %add3A_121 = arith.addi %mul3A_67, %add3A_120 : i32
        %mul3A_122 = arith.constant 80 : i32
        %mul3A_123 = arith.muli %add3A_121, %mul3A_122 : i32
        %dma_start3A_124 = tpu.memref_slice %arg7[%mul3A_123] : memref<10000xi32, #tpu.memory_space<vmem>> -> memref<80xi32, #tpu.memory_space<vmem>>
        %dma_start3A_125 = arith.constant 0 : i32
        %dma_start3A_126 = arith.constant 0 : i32
        %dma_start3A_127 = tpu.memref_slice %arg2[%dma_start3A_125, %dma_start3A_126] : memref<10000x128xf32, #tpu.memory_space<hbm>> -> memref<10000x128xf32, #tpu.memory_space<hbm>>
        tpu.enqueue_indirect_dma source(%dma_start3A_127 : memref<10000x128xf32, #tpu.memory_space<hbm>>) target(%arg11 : memref<80x128xf32, #tpu.memory_space<vmem>>) offsets(%dma_start3A_124 : memref<80xi32, #tpu.memory_space<vmem>>) semaphore(%arg15 : memref<!tpu.dma_semaphore, #tpu.memory_space<semaphore_mem>>)
      } else {
      }
      %mul3A_74 = arith.constant 80 : i32
      %mul3A_75 = arith.muli %mul3A_67, %mul3A_74 : i32
      %dma_wait3A_76 = tpu.memref_slice %arg7[%mul3A_75] : memref<10000xi32, #tpu.memory_space<vmem>> -> memref<80xi32, #tpu.memory_space<vmem>>
      %dma_wait3A_77 = arith.constant 0 : i32
      %dma_wait3A_78 = arith.constant 0 : i32
      %dma_wait3A_79 = tpu.memref_slice %arg2[%dma_wait3A_77, %dma_wait3A_78] : memref<10000x128xf32, #tpu.memory_space<hbm>> -> memref<10000x128xf32, #tpu.memory_space<hbm>>
      tpu.wait_indirect_dma semaphore(%arg14 : memref<!tpu.dma_semaphore, #tpu.memory_space<semaphore_mem>>) src(%dma_wait3A_79 : memref<10000x128xf32, #tpu.memory_space<hbm>>) dst(%arg10 : memref<80x128xf32, #tpu.memory_space<vmem>>)
      %mul3A_80 = arith.constant 80 : i32
      %mul3A_81 = arith.muli %mul3A_67, %mul3A_80 : i32
      %add3A_82 = arith.addi %mul3A_2, %mul3A_81 : i32
      %dma_wait3A_83 = tpu.memref_slice %arg4[%add3A_82] : memref<320000xi32, #tpu.memory_space<hbm>> -> memref<80xi32, #tpu.memory_space<hbm>>
      %dma_wait3A_84 = tpu.memref_slice %arg4[%add3A_82] : memref<320000xi32, #tpu.memory_space<hbm>> -> memref<80xi32, #tpu.memory_space<hbm>>
      tpu.wait_dma2 semaphore(%arg12 : memref<!tpu.dma_semaphore, #tpu.memory_space<semaphore_mem>>) src(%dma_wait3A_84 : memref<80xi32, #tpu.memory_space<hbm>>) dst(%arg8 : memref<80xi32, #tpu.memory_space<vmem>>)
      "tpu.region"() ({
        %run_scoped3A = tpu.sem_alloc : memref<!tpu.dma_semaphore, #tpu.memory_space<semaphore_mem>>
        %dma_start3A_120 = arith.constant 0 : i32
        %dma_start3A_121 = arith.constant 0 : i32
        %dma_start3A_122 = tpu.memref_slice %arg6[%dma_start3A_120, %dma_start3A_121] : memref<10000x128xf32, #tpu.memory_space<vmem_shared>> -> memref<10000x128xf32, #tpu.memory_space<vmem_shared>>
        tpu.enqueue_indirect_dma source(%arg10 : memref<80x128xf32, #tpu.memory_space<vmem>>) target(%dma_start3A_122 : memref<10000x128xf32, #tpu.memory_space<vmem_shared>>) offsets(%arg8 : memref<80xi32, #tpu.memory_space<vmem>>) semaphore(%run_scoped3A : memref<!tpu.dma_semaphore, #tpu.memory_space<semaphore_mem>>) {add = true}
        %dma_wait3A_123 = arith.constant 0 : i32
        %dma_wait3A_124 = arith.constant 0 : i32
        %dma_wait3A_125 = tpu.memref_slice %arg6[%dma_wait3A_123, %dma_wait3A_124] : memref<10000x128xf32, #tpu.memory_space<vmem_shared>> -> memref<10000x128xf32, #tpu.memory_space<vmem_shared>>
        tpu.wait_indirect_dma semaphore(%run_scoped3A : memref<!tpu.dma_semaphore, #tpu.memory_space<semaphore_mem>>) src(%arg10 : memref<80x128xf32, #tpu.memory_space<vmem>>) dst(%dma_wait3A_125 : memref<10000x128xf32, #tpu.memory_space<vmem_shared>>)
        tpu.yield
      }) : () -> ()
      %add3A_85 = arith.constant 2 : i32
      %add3A_86 = arith.addi %mul3A_67, %add3A_85 : i32
      %lt3A_87 = arith.constant 125 : i32
      %lt3A_88 = arith.cmpi slt, %add3A_86, %lt3A_87 : i32
      %convert_element_type3A_89 = arith.extui %lt3A_88 : i1 to i32
      %cond3A_90 = arith.constant 0 : i32
      %cond3A_91 = arith.cmpi ne, %convert_element_type3A_89, %cond3A_90 : i32
      scf.if %cond3A_91 {
        %add3A_120 = arith.constant 2 : i32
        %add3A_121 = arith.addi %mul3A_67, %add3A_120 : i32
        %mul3A_122 = arith.constant 80 : i32
        %mul3A_123 = arith.muli %add3A_121, %mul3A_122 : i32
        %add3A_124 = arith.addi %mul3A_2, %mul3A_123 : i32
        %dma_start3A_125 = tpu.memref_slice %arg4[%add3A_124] : memref<320000xi32, #tpu.memory_space<hbm>> -> memref<80xi32, #tpu.memory_space<hbm>>
        %dma_start3A_126 = tpu.memref_slice %arg4[%add3A_124] : memref<320000xi32, #tpu.memory_space<hbm>> -> memref<80xi32, #tpu.memory_space<hbm>>
        tpu.enqueue_dma source(%dma_start3A_126 : memref<80xi32, #tpu.memory_space<hbm>>) target(%arg8 : memref<80xi32, #tpu.memory_space<vmem>>) target_semaphore(%arg12 : memref<!tpu.dma_semaphore, #tpu.memory_space<semaphore_mem>>)
      } else {
      }
      %add3A_92 = arith.constant 1 : i32
      %add3A_93 = arith.addi %mul3A_67, %add3A_92 : i32
      %add3A_94 = arith.constant 1 : i32
      %add3A_95 = arith.addi %add3A_93, %add3A_94 : i32
      %lt3A_96 = arith.constant 125 : i32
      %lt3A_97 = arith.cmpi slt, %add3A_95, %lt3A_96 : i32
      %convert_element_type3A_98 = arith.extui %lt3A_97 : i1 to i32
      %cond3A_99 = arith.constant 0 : i32
      %cond3A_100 = arith.cmpi ne, %convert_element_type3A_98, %cond3A_99 : i32
      scf.if %cond3A_100 {
        %add3A_120 = arith.constant 1 : i32
        %add3A_121 = arith.addi %add3A_93, %add3A_120 : i32
        %mul3A_122 = arith.constant 80 : i32
        %mul3A_123 = arith.muli %add3A_121, %mul3A_122 : i32
        %dma_start3A_124 = tpu.memref_slice %arg7[%mul3A_123] : memref<10000xi32, #tpu.memory_space<vmem>> -> memref<80xi32, #tpu.memory_space<vmem>>
        %dma_start3A_125 = arith.constant 0 : i32
        %dma_start3A_126 = arith.constant 0 : i32
        %dma_start3A_127 = tpu.memref_slice %arg2[%dma_start3A_125, %dma_start3A_126] : memref<10000x128xf32, #tpu.memory_space<hbm>> -> memref<10000x128xf32, #tpu.memory_space<hbm>>
        tpu.enqueue_indirect_dma source(%dma_start3A_127 : memref<10000x128xf32, #tpu.memory_space<hbm>>) target(%arg10 : memref<80x128xf32, #tpu.memory_space<vmem>>) offsets(%dma_start3A_124 : memref<80xi32, #tpu.memory_space<vmem>>) semaphore(%arg14 : memref<!tpu.dma_semaphore, #tpu.memory_space<semaphore_mem>>)
      } else {
      }
      %mul3A_101 = arith.constant 80 : i32
      %mul3A_102 = arith.muli %add3A_93, %mul3A_101 : i32
      %dma_wait3A_103 = tpu.memref_slice %arg7[%mul3A_102] : memref<10000xi32, #tpu.memory_space<vmem>> -> memref<80xi32, #tpu.memory_space<vmem>>
      %dma_wait3A_104 = arith.constant 0 : i32
      %dma_wait3A_105 = arith.constant 0 : i32
      %dma_wait3A_106 = tpu.memref_slice %arg2[%dma_wait3A_104, %dma_wait3A_105] : memref<10000x128xf32, #tpu.memory_space<hbm>> -> memref<10000x128xf32, #tpu.memory_space<hbm>>
      tpu.wait_indirect_dma semaphore(%arg15 : memref<!tpu.dma_semaphore, #tpu.memory_space<semaphore_mem>>) src(%dma_wait3A_106 : memref<10000x128xf32, #tpu.memory_space<hbm>>) dst(%arg11 : memref<80x128xf32, #tpu.memory_space<vmem>>)
      %mul3A_107 = arith.constant 80 : i32
      %mul3A_108 = arith.muli %add3A_93, %mul3A_107 : i32
      %add3A_109 = arith.addi %mul3A_2, %mul3A_108 : i32
      %dma_wait3A_110 = tpu.memref_slice %arg4[%add3A_109] : memref<320000xi32, #tpu.memory_space<hbm>> -> memref<80xi32, #tpu.memory_space<hbm>>
      %dma_wait3A_111 = tpu.memref_slice %arg4[%add3A_109] : memref<320000xi32, #tpu.memory_space<hbm>> -> memref<80xi32, #tpu.memory_space<hbm>>
      tpu.wait_dma2 semaphore(%arg13 : memref<!tpu.dma_semaphore, #tpu.memory_space<semaphore_mem>>) src(%dma_wait3A_111 : memref<80xi32, #tpu.memory_space<hbm>>) dst(%arg9 : memref<80xi32, #tpu.memory_space<vmem>>)
      "tpu.region"() ({
        %run_scoped3A = tpu.sem_alloc : memref<!tpu.dma_semaphore, #tpu.memory_space<semaphore_mem>>
        %dma_start3A_120 = arith.constant 0 : i32
        %dma_start3A_121 = arith.constant 0 : i32
        %dma_start3A_122 = tpu.memref_slice %arg6[%dma_start3A_120, %dma_start3A_121] : memref<10000x128xf32, #tpu.memory_space<vmem_shared>> -> memref<10000x128xf32, #tpu.memory_space<vmem_shared>>
        tpu.enqueue_indirect_dma source(%arg11 : memref<80x128xf32, #tpu.memory_space<vmem>>) target(%dma_start3A_122 : memref<10000x128xf32, #tpu.memory_space<vmem_shared>>) offsets(%arg9 : memref<80xi32, #tpu.memory_space<vmem>>) semaphore(%run_scoped3A : memref<!tpu.dma_semaphore, #tpu.memory_space<semaphore_mem>>) {add = true}
        %dma_wait3A_123 = arith.constant 0 : i32
        %dma_wait3A_124 = arith.constant 0 : i32
        %dma_wait3A_125 = tpu.memref_slice %arg6[%dma_wait3A_123, %dma_wait3A_124] : memref<10000x128xf32, #tpu.memory_space<vmem_shared>> -> memref<10000x128xf32, #tpu.memory_space<vmem_shared>>
        tpu.wait_indirect_dma semaphore(%run_scoped3A : memref<!tpu.dma_semaphore, #tpu.memory_space<semaphore_mem>>) src(%arg11 : memref<80x128xf32, #tpu.memory_space<vmem>>) dst(%dma_wait3A_125 : memref<10000x128xf32, #tpu.memory_space<vmem_shared>>)
        tpu.yield
      }) : () -> ()
      %add3A_112 = arith.constant 2 : i32
      %add3A_113 = arith.addi %add3A_93, %add3A_112 : i32
      %lt3A_114 = arith.constant 125 : i32
      %lt3A_115 = arith.cmpi slt, %add3A_113, %lt3A_114 : i32
      %convert_element_type3A_116 = arith.extui %lt3A_115 : i1 to i32
      %cond3A_117 = arith.constant 0 : i32
      %cond3A_118 = arith.cmpi ne, %convert_element_type3A_116, %cond3A_117 : i32
      scf.if %cond3A_118 {
        %add3A_120 = arith.constant 2 : i32
        %add3A_121 = arith.addi %add3A_93, %add3A_120 : i32
        %mul3A_122 = arith.constant 80 : i32
        %mul3A_123 = arith.muli %add3A_121, %mul3A_122 : i32
        %add3A_124 = arith.addi %mul3A_2, %mul3A_123 : i32
        %dma_start3A_125 = tpu.memref_slice %arg4[%add3A_124] : memref<320000xi32, #tpu.memory_space<hbm>> -> memref<80xi32, #tpu.memory_space<hbm>>
        %dma_start3A_126 = tpu.memref_slice %arg4[%add3A_124] : memref<320000xi32, #tpu.memory_space<hbm>> -> memref<80xi32, #tpu.memory_space<hbm>>
        tpu.enqueue_dma source(%dma_start3A_126 : memref<80xi32, #tpu.memory_space<hbm>>) target(%arg9 : memref<80xi32, #tpu.memory_space<vmem>>) target_semaphore(%arg13 : memref<!tpu.dma_semaphore, #tpu.memory_space<semaphore_mem>>)
      } else {
      }
      %scan3A_119 = arith.constant 0 : i32
      scf.yield %scan3A_119 : i32
    }
    %scan3A_49 = arith.constant 62 : i32
    %dma_wait3A_50 = arith.constant 9920 : i32
    %dma_wait3A_51 = tpu.memref_slice %arg7[%dma_wait3A_50] : memref<10000xi32, #tpu.memory_space<vmem>> -> memref<80xi32, #tpu.memory_space<vmem>>
    %dma_wait3A_52 = arith.constant 0 : i32
    %dma_wait3A_53 = arith.constant 0 : i32
    %dma_wait3A_54 = tpu.memref_slice %arg2[%dma_wait3A_52, %dma_wait3A_53] : memref<10000x128xf32, #tpu.memory_space<hbm>> -> memref<10000x128xf32, #tpu.memory_space<hbm>>
    tpu.wait_indirect_dma semaphore(%arg14 : memref<!tpu.dma_semaphore, #tpu.memory_space<semaphore_mem>>) src(%dma_wait3A_54 : memref<10000x128xf32, #tpu.memory_space<hbm>>) dst(%arg10 : memref<80x128xf32, #tpu.memory_space<vmem>>)
    %add3A_55 = arith.constant 9920 : i32
    %add3A_56 = arith.addi %mul3A_2, %add3A_55 : i32
    %dma_wait3A_57 = tpu.memref_slice %arg4[%add3A_56] : memref<320000xi32, #tpu.memory_space<hbm>> -> memref<80xi32, #tpu.memory_space<hbm>>
    %dma_wait3A_58 = tpu.memref_slice %arg4[%add3A_56] : memref<320000xi32, #tpu.memory_space<hbm>> -> memref<80xi32, #tpu.memory_space<hbm>>
    tpu.wait_dma2 semaphore(%arg12 : memref<!tpu.dma_semaphore, #tpu.memory_space<semaphore_mem>>) src(%dma_wait3A_58 : memref<80xi32, #tpu.memory_space<hbm>>) dst(%arg8 : memref<80xi32, #tpu.memory_space<vmem>>)
    "tpu.region"() ({
      %run_scoped3A = tpu.sem_alloc : memref<!tpu.dma_semaphore, #tpu.memory_space<semaphore_mem>>
      %dma_start3A_64 = arith.constant 0 : i32
      %dma_start3A_65 = arith.constant 0 : i32
      %dma_start3A_66 = tpu.memref_slice %arg6[%dma_start3A_64, %dma_start3A_65] : memref<10000x128xf32, #tpu.memory_space<vmem_shared>> -> memref<10000x128xf32, #tpu.memory_space<vmem_shared>>
      tpu.enqueue_indirect_dma source(%arg10 : memref<80x128xf32, #tpu.memory_space<vmem>>) target(%dma_start3A_66 : memref<10000x128xf32, #tpu.memory_space<vmem_shared>>) offsets(%arg8 : memref<80xi32, #tpu.memory_space<vmem>>) semaphore(%run_scoped3A : memref<!tpu.dma_semaphore, #tpu.memory_space<semaphore_mem>>) {add = true}
      %dma_wait3A_67 = arith.constant 0 : i32
      %dma_wait3A_68 = arith.constant 0 : i32
      %dma_wait3A_69 = tpu.memref_slice %arg6[%dma_wait3A_67, %dma_wait3A_68] : memref<10000x128xf32, #tpu.memory_space<vmem_shared>> -> memref<10000x128xf32, #tpu.memory_space<vmem_shared>>
      tpu.wait_indirect_dma semaphore(%run_scoped3A : memref<!tpu.dma_semaphore, #tpu.memory_space<semaphore_mem>>) src(%arg10 : memref<80x128xf32, #tpu.memory_space<vmem>>) dst(%dma_wait3A_69 : memref<10000x128xf32, #tpu.memory_space<vmem_shared>>)
      tpu.yield
    }) : () -> ()
    %barrier3A_59 = arith.constant 0 : index
    tpu.barrier barrier_id(%barrier3A_59)
    %mul3A_60 = arith.constant 624 : i32
    %mul3A_61 = arith.muli %arg1, %mul3A_60 : i32
    "tpu.region"() ({
      %run_scoped3A = tpu.sem_alloc : memref<!tpu.dma_semaphore, #tpu.memory_space<semaphore_mem>>
      %dma_start3A_64 = arith.constant 0 : i32
      %dma_start3A_65 = tpu.memref_slice %arg5[%arg0, %mul3A_61, %dma_start3A_64] : memref<2x10000x128xf32, #tpu.memory_space<hbm>> -> memref<1x624x128xf32, #tpu.memory_space<hbm>>
      %dma_start3A_66 = tpu.memref_squeeze %dma_start3A_65 : memref<1x624x128xf32, #tpu.memory_space<hbm>> -> memref<624x128xf32, #tpu.memory_space<hbm>>
      %dma_start3A_67 = arith.constant 0 : i32
      %dma_start3A_68 = tpu.memref_slice %arg6[%mul3A_61, %dma_start3A_67] : memref<10000x128xf32, #tpu.memory_space<vmem_shared>> -> memref<624x128xf32, #tpu.memory_space<vmem_shared>>
      tpu.enqueue_dma source(%dma_start3A_68 : memref<624x128xf32, #tpu.memory_space<vmem_shared>>) target(%dma_start3A_66 : memref<624x128xf32, #tpu.memory_space<hbm>>) target_semaphore(%run_scoped3A : memref<!tpu.dma_semaphore, #tpu.memory_space<semaphore_mem>>)
      %dma_wait3A_69 = arith.constant 0 : i32
      %dma_wait3A_70 = tpu.memref_slice %arg5[%arg0, %mul3A_61, %dma_wait3A_69] : memref<2x10000x128xf32, #tpu.memory_space<hbm>> -> memref<1x624x128xf32, #tpu.memory_space<hbm>>
      %dma_wait3A_71 = tpu.memref_squeeze %dma_wait3A_70 : memref<1x624x128xf32, #tpu.memory_space<hbm>> -> memref<624x128xf32, #tpu.memory_space<hbm>>
      %dma_wait3A_72 = arith.constant 0 : i32
      %dma_wait3A_73 = tpu.memref_slice %arg6[%mul3A_61, %dma_wait3A_72] : memref<10000x128xf32, #tpu.memory_space<vmem_shared>> -> memref<624x128xf32, #tpu.memory_space<vmem_shared>>
      tpu.wait_dma2 semaphore(%run_scoped3A : memref<!tpu.dma_semaphore, #tpu.memory_space<semaphore_mem>>) src(%dma_wait3A_73 : memref<624x128xf32, #tpu.memory_space<vmem_shared>>) dst(%dma_wait3A_71 : memref<624x128xf32, #tpu.memory_space<hbm>>)
      tpu.yield
    }) : () -> ()
    %eq3A = arith.constant 15 : i32
    %eq3A_62 = arith.cmpi eq, %arg1, %eq3A : i32
    %convert_element_type3A = arith.extui %eq3A_62 : i1 to i32
    %cond3A = arith.constant 0 : i32
    %cond3A_63 = arith.cmpi ne, %convert_element_type3A, %cond3A : i32
    scf.if %cond3A_63 {
      "tpu.region"() ({
        %run_scoped3A = tpu.sem_alloc : memref<!tpu.dma_semaphore, #tpu.memory_space<semaphore_mem>>
        %dma_start3A_64 = arith.constant 9984 : i32
        %dma_start3A_65 = arith.constant 0 : i32
        %dma_start3A_66 = tpu.memref_slice %arg5[%arg0, %dma_start3A_64, %dma_start3A_65] : memref<2x10000x128xf32, #tpu.memory_space<hbm>> -> memref<1x16x128xf32, #tpu.memory_space<hbm>>
        %dma_start3A_67 = tpu.memref_squeeze %dma_start3A_66 : memref<1x16x128xf32, #tpu.memory_space<hbm>> -> memref<16x128xf32, #tpu.memory_space<hbm>>
        %dma_start3A_68 = arith.constant 9984 : i32
        %dma_start3A_69 = arith.constant 0 : i32
        %dma_start3A_70 = tpu.memref_slice %arg6[%dma_start3A_68, %dma_start3A_69] : memref<10000x128xf32, #tpu.memory_space<vmem_shared>> -> memref<16x128xf32, #tpu.memory_space<vmem_shared>>
        tpu.enqueue_dma source(%dma_start3A_70 : memref<16x128xf32, #tpu.memory_space<vmem_shared>>) target(%dma_start3A_67 : memref<16x128xf32, #tpu.memory_space<hbm>>) target_semaphore(%run_scoped3A : memref<!tpu.dma_semaphore, #tpu.memory_space<semaphore_mem>>)
        %dma_wait3A_71 = arith.constant 9984 : i32
        %dma_wait3A_72 = arith.constant 0 : i32
        %dma_wait3A_73 = tpu.memref_slice %arg5[%arg0, %dma_wait3A_71, %dma_wait3A_72] : memref<2x10000x128xf32, #tpu.memory_space<hbm>> -> memref<1x16x128xf32, #tpu.memory_space<hbm>>
        %dma_wait3A_74 = tpu.memref_squeeze %dma_wait3A_73 : memref<1x16x128xf32, #tpu.memory_space<hbm>> -> memref<16x128xf32, #tpu.memory_space<hbm>>
        %dma_wait3A_75 = arith.constant 9984 : i32
        %dma_wait3A_76 = arith.constant 0 : i32
        %dma_wait3A_77 = tpu.memref_slice %arg6[%dma_wait3A_75, %dma_wait3A_76] : memref<10000x128xf32, #tpu.memory_space<vmem_shared>> -> memref<16x128xf32, #tpu.memory_space<vmem_shared>>
        tpu.wait_dma2 semaphore(%run_scoped3A : memref<!tpu.dma_semaphore, #tpu.memory_space<semaphore_mem>>) src(%dma_wait3A_77 : memref<16x128xf32, #tpu.memory_space<vmem_shared>>) dst(%dma_wait3A_74 : memref<16x128xf32, #tpu.memory_space<hbm>>)
        tpu.yield
      }) : () -> ()
    } else {
    }
    return
  }
}

module attributes {stable_mosaic.version = 14 : i64} {
  func.func @_mm_stats_body(%arg0: i32, %arg1: memref<1000x128xf32, #tpu.memory_space<vmem>>, %arg2: memref<2x1000x128xf32, #tpu.memory_space<vmem>>, %arg3: memref<128x128xf32, #tpu.memory_space<vmem>>, %arg4: memref<1x128xf32, #tpu.memory_space<vmem>>, %arg5: memref<128x128xf32, #tpu.memory_space<vmem>>, %arg6: memref<1x128xf32, #tpu.memory_space<vmem>>, %arg7: memref<1x1xf32, #tpu.memory_space<vmem>>, %arg8: memref<1000x128xf32, #tpu.memory_space<vmem>>, %arg9: memref<2x128xf32, #tpu.memory_space<vmem>>) attributes {dimension_semantics = [#tpu.dimension_semantics<arbitrary>], iteration_bounds = array<i64: 10>, scalar_prefetch = 0 : i64, scratch_operands = 0 : i64, tpu.core_type = #tpu.core_type<tc>, window_params = [{transform_indices = @transform_0, window_bounds = array<i64: 1000, 128>}, {transform_indices = @transform_1, window_bounds = array<i64: 2, 1000, 128>}, {pipeline_mode = #tpu.pipeline_mode<synchronous>, transform_indices = @transform_2, window_bounds = array<i64: 128, 128>}, {pipeline_mode = #tpu.pipeline_mode<synchronous>, transform_indices = @transform_3, window_bounds = array<i64: 1, 128>}, {pipeline_mode = #tpu.pipeline_mode<synchronous>, transform_indices = @transform_4, window_bounds = array<i64: 128, 128>}, {pipeline_mode = #tpu.pipeline_mode<synchronous>, transform_indices = @transform_5, window_bounds = array<i64: 1, 128>}, {pipeline_mode = #tpu.pipeline_mode<synchronous>, transform_indices = @transform_6, window_bounds = array<i64: 1, 1>}, {transform_indices = @transform_7, window_bounds = array<i64: 1000, 128>}, {pipeline_mode = #tpu.pipeline_mode<synchronous>, transform_indices = @transform_8, window_bounds = array<i64: 2, 128>}]} {
    %get3A = arith.constant 0 : index
    %get3A_0 = arith.constant 0 : index
    %get3A_1 = vector.load %arg7[%get3A, %get3A_0] : memref<1x1xf32, #tpu.memory_space<vmem>>, vector<1x1xf32>
    %get3A_2 = vector.extract %get3A_1[0, 0] : f32 from vector<1x1xf32>
    %add3A = arith.constant 1.000000e+00 : f32
    %add3A_3 = arith.addf %add3A, %get3A_2 : f32
    %get3A_4 = arith.constant 0 : index
    %get3A_5 = arith.constant 0 : index
    %get3A_6 = vector.load %arg1[%get3A_4, %get3A_5] : memref<1000x128xf32, #tpu.memory_space<vmem>>, vector<1000x128xf32>
    %mul3A = vector.broadcast %add3A_3 : f32 to vector<1000x128xf32>
    %mul3A_7 = arith.mulf %mul3A, %get3A_6 : vector<1000x128xf32>
    %get3A_8 = arith.constant 0 : index
    %get3A_9 = arith.constant 0 : index
    %get3A_10 = arith.constant 0 : index
    %get3A_11 = vector.load %arg2[%get3A_8, %get3A_9, %get3A_10] : memref<2x1000x128xf32, #tpu.memory_space<vmem>>, vector<1x1000x128xf32>
    %get3A_12 = vector.shape_cast %get3A_11 : vector<1x1000x128xf32> to vector<1000x128xf32>
    %add3A_13 = arith.addf %mul3A_7, %get3A_12 : vector<1000x128xf32>
    %get3A_14 = arith.constant 1 : index
    %get3A_15 = arith.constant 0 : index
    %get3A_16 = arith.constant 0 : index
    %get3A_17 = vector.load %arg2[%get3A_14, %get3A_15, %get3A_16] : memref<2x1000x128xf32, #tpu.memory_space<vmem>>, vector<1x1000x128xf32>
    %get3A_18 = vector.shape_cast %get3A_17 : vector<1x1000x128xf32> to vector<1000x128xf32>
    %add3A_19 = arith.addf %add3A_13, %get3A_18 : vector<1000x128xf32>
    %convert_element_type3A = arith.truncf %add3A_19 : vector<1000x128xf32> to vector<1000x128xbf16>
    %get3A_20 = arith.constant 0 : index
    %get3A_21 = arith.constant 0 : index
    %get3A_22 = vector.load %arg3[%get3A_20, %get3A_21] : memref<128x128xf32, #tpu.memory_space<vmem>>, vector<128x128xf32>
    %convert_element_type3A_23 = arith.truncf %get3A_22 : vector<128x128xf32> to vector<128x128xbf16>
    %dot_general3A = arith.constant dense<0.000000e+00> : vector<1000x128xf32>
    %dot_general3A_24 = tpu.matmul %convert_element_type3A, %convert_element_type3A_23, %dot_general3A {dimension_numbers = #tpu.dot_dimension_numbers<[1], [0], [0], [1], [0, 0, 1, 1], [], []>, transpose_lhs_hint = false} : vector<1000x128xbf16>, vector<128x128xbf16>, vector<1000x128xf32> -> vector<1000x128xf32>
    %get3A_25 = arith.constant 0 : index
    %get3A_26 = arith.constant 0 : index
    %get3A_27 = vector.load %arg4[%get3A_25, %get3A_26] : memref<1x128xf32, #tpu.memory_space<vmem>>, vector<1x128xf32>
    %add3A_28 = vector.broadcast %get3A_27 : vector<1x128xf32> to vector<1000x128xf32>
    %add3A_29 = arith.addf %dot_general3A_24, %add3A_28 : vector<1000x128xf32>
    %max3A = arith.constant 0.000000e+00 : f32
    %max3A_30 = vector.broadcast %max3A : f32 to vector<1000x128xf32>
    %max3A_31 = arith.maximumf %add3A_29, %max3A_30 : vector<1000x128xf32>
    %convert_element_type3A_32 = arith.truncf %max3A_31 : vector<1000x128xf32> to vector<1000x128xbf16>
    %get3A_33 = arith.constant 0 : index
    %get3A_34 = arith.constant 0 : index
    %get3A_35 = vector.load %arg5[%get3A_33, %get3A_34] : memref<128x128xf32, #tpu.memory_space<vmem>>, vector<128x128xf32>
    %convert_element_type3A_36 = arith.truncf %get3A_35 : vector<128x128xf32> to vector<128x128xbf16>
    %dot_general3A_37 = arith.constant dense<0.000000e+00> : vector<1000x128xf32>
    %dot_general3A_38 = tpu.matmul %convert_element_type3A_32, %convert_element_type3A_36, %dot_general3A_37 {dimension_numbers = #tpu.dot_dimension_numbers<[1], [0], [0], [1], [0, 0, 1, 1], [], []>, transpose_lhs_hint = false} : vector<1000x128xbf16>, vector<128x128xbf16>, vector<1000x128xf32> -> vector<1000x128xf32>
    %get3A_39 = arith.constant 0 : index
    %get3A_40 = arith.constant 0 : index
    %get3A_41 = vector.load %arg6[%get3A_39, %get3A_40] : memref<1x128xf32, #tpu.memory_space<vmem>>, vector<1x128xf32>
    %add3A_42 = vector.broadcast %get3A_41 : vector<1x128xf32> to vector<1000x128xf32>
    %add3A_43 = arith.addf %dot_general3A_38, %add3A_42 : vector<1000x128xf32>
    %swap3A = arith.constant 0 : index
    %swap3A_44 = arith.constant 0 : index
    %swap3A_45 = vector.load %arg8[%swap3A, %swap3A_44] : memref<1000x128xf32, #tpu.memory_space<vmem>>, vector<1000x128xf32>
    tpu.vector_store %arg8[%swap3A, %swap3A_44], %add3A_43 {strides = array<i32>} : memref<1000x128xf32, #tpu.memory_space<vmem>>, vector<1000x128xf32>,
    %reduce_sum3A = arith.constant dense<0.000000e+00> : vector<128xf32>
    %reduce_sum3A_46 = vector.multi_reduction <add>, %add3A_43, %reduce_sum3A [0] : vector<1000x128xf32> to vector<128xf32>
    %broadcast_in_dim3A = vector.shape_cast %reduce_sum3A_46 : vector<128xf32> to vector<1x128xf32>
    %mul3A_47 = arith.mulf %add3A_43, %add3A_43 : vector<1000x128xf32>
    %reduce_sum3A_48 = arith.constant dense<0.000000e+00> : vector<128xf32>
    %reduce_sum3A_49 = vector.multi_reduction <add>, %mul3A_47, %reduce_sum3A_48 [0] : vector<1000x128xf32> to vector<128xf32>
    %broadcast_in_dim3A_50 = vector.shape_cast %reduce_sum3A_49 : vector<128xf32> to vector<1x128xf32>
    %concatenate3A = tpu.concatenate %broadcast_in_dim3A, %broadcast_in_dim3A_50 in 0 : vector<1x128xf32>, vector<1x128xf32> -> vector<2x128xf32>
    %eq3A = arith.constant 0 : i32
    %eq3A_51 = arith.cmpi eq, %arg0, %eq3A : i32
    %convert_element_type3A_52 = arith.extui %eq3A_51 : i1 to i32
    %cond3A = arith.constant 0 : i32
    %cond3A_53 = arith.cmpi ne, %convert_element_type3A_52, %cond3A : i32
    scf.if %cond3A_53 {
      %swap3A_58 = arith.constant 0 : index
      %swap3A_59 = arith.constant 0 : index
      %swap3A_60 = vector.load %arg9[%swap3A_58, %swap3A_59] : memref<2x128xf32, #tpu.memory_space<vmem>>, vector<2x128xf32>
      tpu.vector_store %arg9[%swap3A_58, %swap3A_59], %concatenate3A {strides = array<i32>} : memref<2x128xf32, #tpu.memory_space<vmem>>, vector<2x128xf32>,
    } else {
    }
    %gt3A = arith.constant 0 : i32
    %gt3A_54 = arith.cmpi sgt, %arg0, %gt3A : i32
    %convert_element_type3A_55 = arith.extui %gt3A_54 : i1 to i32
    %cond3A_56 = arith.constant 0 : i32
    %cond3A_57 = arith.cmpi ne, %convert_element_type3A_55, %cond3A_56 : i32
    scf.if %cond3A_57 {
      %get3A_58 = arith.constant 0 : index
      %get3A_59 = arith.constant 0 : index
      %get3A_60 = vector.load %arg9[%get3A_58, %get3A_59] : memref<2x128xf32, #tpu.memory_space<vmem>>, vector<2x128xf32>
      %add3A_61 = arith.addf %get3A_60, %concatenate3A : vector<2x128xf32>
      %swap3A_62 = arith.constant 0 : index
      %swap3A_63 = arith.constant 0 : index
      %swap3A_64 = vector.load %arg9[%swap3A_62, %swap3A_63] : memref<2x128xf32, #tpu.memory_space<vmem>>, vector<2x128xf32>
      tpu.vector_store %arg9[%swap3A_62, %swap3A_63], %add3A_61 {strides = array<i32>} : memref<2x128xf32, #tpu.memory_space<vmem>>, vector<2x128xf32>,
    } else {
    }
    return
  }
  func.func @transform_0(%arg0: i32) -> (i32, i32) {
    %c0_i32 = arith.constant 0 : i32
    %c0_i32_0 = arith.constant 0 : i32
    return %arg0, %c0_i32 : i32, i32
  }
  func.func @transform_1(%arg0: i32) -> (i32, i32, i32) {
    %c0_i32 = arith.constant 0 : i32
    %c0_i32_0 = arith.constant 0 : i32
    %c0_i32_1 = arith.constant 0 : i32
    return %c0_i32, %arg0, %c0_i32_0 : i32, i32, i32
  }
  func.func @transform_2(%arg0: i32) -> (i32, i32) {
    %c0_i32 = arith.constant 0 : i32
    %c0_i32_0 = arith.constant 0 : i32
    %c0_i32_1 = arith.constant 0 : i32
    return %c0_i32, %c0_i32_0 : i32, i32
  }
  func.func @transform_3(%arg0: i32) -> (i32, i32) {
    %c0_i32 = arith.constant 0 : i32
    %c0_i32_0 = arith.constant 0 : i32
    %c0_i32_1 = arith.constant 0 : i32
    return %c0_i32, %c0_i32_0 : i32, i32
  }
  func.func @transform_4(%arg0: i32) -> (i32, i32) {
    %c0_i32 = arith.constant 0 : i32
    %c0_i32_0 = arith.constant 0 : i32
    %c0_i32_1 = arith.constant 0 : i32
    return %c0_i32, %c0_i32_0 : i32, i32
  }
  func.func @transform_5(%arg0: i32) -> (i32, i32) {
    %c0_i32 = arith.constant 0 : i32
    %c0_i32_0 = arith.constant 0 : i32
    %c0_i32_1 = arith.constant 0 : i32
    return %c0_i32, %c0_i32_0 : i32, i32
  }
  func.func @transform_6(%arg0: i32) -> (i32, i32) {
    %c0_i32 = arith.constant 0 : i32
    %c0_i32_0 = arith.constant 0 : i32
    %c0_i32_1 = arith.constant 0 : i32
    return %c0_i32, %c0_i32_0 : i32, i32
  }
  func.func @transform_7(%arg0: i32) -> (i32, i32) {
    %c0_i32 = arith.constant 0 : i32
    %c0_i32_0 = arith.constant 0 : i32
    return %arg0, %c0_i32 : i32, i32
  }
  func.func @transform_8(%arg0: i32) -> (i32, i32) {
    %c0_i32 = arith.constant 0 : i32
    %c0_i32_0 = arith.constant 0 : i32
    %c0_i32_1 = arith.constant 0 : i32
    return %c0_i32, %c0_i32_0 : i32, i32
  }
}

module attributes {stable_mosaic.version = 14 : i64} {
  func.func @_norm_body(%arg0: i32, %arg1: memref<1000x128xf32, #tpu.memory_space<vmem>>, %arg2: memref<2x128xf32, #tpu.memory_space<vmem>>, %arg3: memref<1x128xf32, #tpu.memory_space<vmem>>, %arg4: memref<1x128xf32, #tpu.memory_space<vmem>>, %arg5: memref<1000x128xf32, #tpu.memory_space<vmem>>) attributes {dimension_semantics = [#tpu.dimension_semantics<arbitrary>], iteration_bounds = array<i64: 10>, scalar_prefetch = 0 : i64, scratch_operands = 0 : i64, tpu.core_type = #tpu.core_type<tc>, window_params = [{transform_indices = @transform_0, window_bounds = array<i64: 1000, 128>}, {pipeline_mode = #tpu.pipeline_mode<synchronous>, transform_indices = @transform_1, window_bounds = array<i64: 2, 128>}, {pipeline_mode = #tpu.pipeline_mode<synchronous>, transform_indices = @transform_2, window_bounds = array<i64: 1, 128>}, {pipeline_mode = #tpu.pipeline_mode<synchronous>, transform_indices = @transform_3, window_bounds = array<i64: 1, 128>}, {transform_indices = @transform_4, window_bounds = array<i64: 1000, 128>}]} {
    %get3A = arith.constant 0 : index
    %get3A_0 = arith.constant 0 : index
    %get3A_1 = vector.load %arg2[%get3A, %get3A_0] : memref<2x128xf32, #tpu.memory_space<vmem>>, vector<1x128xf32>
    %mul3A = arith.constant 9.99999974E-5 : f32
    %mul3A_2 = vector.broadcast %mul3A : f32 to vector<1x128xf32>
    %mul3A_3 = arith.mulf %get3A_1, %mul3A_2 : vector<1x128xf32>
    %get3A_4 = arith.constant 1 : index
    %get3A_5 = arith.constant 0 : index
    %get3A_6 = vector.load %arg2[%get3A_4, %get3A_5] : memref<2x128xf32, #tpu.memory_space<vmem>>, vector<1x128xf32>
    %mul3A_7 = arith.constant 9.99999974E-5 : f32
    %mul3A_8 = vector.broadcast %mul3A_7 : f32 to vector<1x128xf32>
    %mul3A_9 = arith.mulf %get3A_6, %mul3A_8 : vector<1x128xf32>
    %mul3A_10 = arith.mulf %mul3A_3, %mul3A_3 : vector<1x128xf32>
    %sub3A = arith.subf %mul3A_9, %mul3A_10 : vector<1x128xf32>
    %add3A = arith.constant 9.99999974E-6 : f32
    %add3A_11 = vector.broadcast %add3A : f32 to vector<1x128xf32>
    %add3A_12 = arith.addf %sub3A, %add3A_11 : vector<1x128xf32>
    %rsqrt3A = math.rsqrt %add3A_12 : vector<1x128xf32>
    %get3A_13 = arith.constant 0 : index
    %get3A_14 = arith.constant 0 : index
    %get3A_15 = vector.load %arg3[%get3A_13, %get3A_14] : memref<1x128xf32, #tpu.memory_space<vmem>>, vector<1x128xf32>
    %mul3A_16 = arith.mulf %rsqrt3A, %get3A_15 : vector<1x128xf32>
    %get3A_17 = arith.constant 0 : index
    %get3A_18 = arith.constant 0 : index
    %get3A_19 = vector.load %arg1[%get3A_17, %get3A_18] : memref<1000x128xf32, #tpu.memory_space<vmem>>, vector<1000x128xf32>
    %sub3A_20 = vector.broadcast %mul3A_3 : vector<1x128xf32> to vector<1000x128xf32>
    %sub3A_21 = arith.subf %get3A_19, %sub3A_20 : vector<1000x128xf32>
    %mul3A_22 = vector.broadcast %mul3A_16 : vector<1x128xf32> to vector<1000x128xf32>
    %mul3A_23 = arith.mulf %sub3A_21, %mul3A_22 : vector<1000x128xf32>
    %get3A_24 = arith.constant 0 : index
    %get3A_25 = arith.constant 0 : index
    %get3A_26 = vector.load %arg4[%get3A_24, %get3A_25] : memref<1x128xf32, #tpu.memory_space<vmem>>, vector<1x128xf32>
    %add3A_27 = vector.broadcast %get3A_26 : vector<1x128xf32> to vector<1000x128xf32>
    %add3A_28 = arith.addf %mul3A_23, %add3A_27 : vector<1000x128xf32>
    %max3A = arith.constant 0.000000e+00 : f32
    %max3A_29 = vector.broadcast %max3A : f32 to vector<1000x128xf32>
    %max3A_30 = arith.maximumf %add3A_28, %max3A_29 : vector<1000x128xf32>
    %swap3A = arith.constant 0 : index
    %swap3A_31 = arith.constant 0 : index
    %swap3A_32 = vector.load %arg5[%swap3A, %swap3A_31] : memref<1000x128xf32, #tpu.memory_space<vmem>>, vector<1000x128xf32>
    tpu.vector_store %arg5[%swap3A, %swap3A_31], %max3A_30 {strides = array<i32>} : memref<1000x128xf32, #tpu.memory_space<vmem>>, vector<1000x128xf32>,
    return
  }
  func.func @transform_0(%arg0: i32) -> (i32, i32) {
    %c0_i32 = arith.constant 0 : i32
    %c0_i32_0 = arith.constant 0 : i32
    return %arg0, %c0_i32 : i32, i32
  }
  func.func @transform_1(%arg0: i32) -> (i32, i32) {
    %c0_i32 = arith.constant 0 : i32
    %c0_i32_0 = arith.constant 0 : i32
    %c0_i32_1 = arith.constant 0 : i32
    return %c0_i32, %c0_i32_0 : i32, i32
  }
  func.func @transform_2(%arg0: i32) -> (i32, i32) {
    %c0_i32 = arith.constant 0 : i32
    %c0_i32_0 = arith.constant 0 : i32
    %c0_i32_1 = arith.constant 0 : i32
    return %c0_i32, %c0_i32_0 : i32, i32
  }
  func.func @transform_3(%arg0: i32) -> (i32, i32) {
    %c0_i32 = arith.constant 0 : i32
    %c0_i32_0 = arith.constant 0 : i32
    %c0_i32_1 = arith.constant 0 : i32
    return %c0_i32, %c0_i32_0 : i32, i32
  }
  func.func @transform_4(%arg0: i32) -> (i32, i32) {
    %c0_i32 = arith.constant 0 : i32
    %c0_i32_0 = arith.constant 0 : i32
    return %arg0, %c0_i32 : i32, i32
  }
}

module attributes {stable_mosaic.version = 14 : i64} {
  func.func @_norm_head_body(%arg0: i32, %arg1: memref<1000x128xf32, #tpu.memory_space<vmem>>, %arg2: memref<2x128xf32, #tpu.memory_space<vmem>>, %arg3: memref<1x128xf32, #tpu.memory_space<vmem>>, %arg4: memref<1x128xf32, #tpu.memory_space<vmem>>, %arg5: memref<128x64xf32, #tpu.memory_space<vmem>>, %arg6: memref<1x64xf32, #tpu.memory_space<vmem>>, %arg7: memref<64x2xf32, #tpu.memory_space<vmem>>, %arg8: memref<1x2xf32, #tpu.memory_space<vmem>>, %arg9: memref<1000x2xf32, #tpu.memory_space<vmem>>) attributes {dimension_semantics = [#tpu.dimension_semantics<arbitrary>], iteration_bounds = array<i64: 10>, scalar_prefetch = 0 : i64, scratch_operands = 0 : i64, tpu.core_type = #tpu.core_type<tc>, window_params = [{transform_indices = @transform_0, window_bounds = array<i64: 1000, 128>}, {pipeline_mode = #tpu.pipeline_mode<synchronous>, transform_indices = @transform_1, window_bounds = array<i64: 2, 128>}, {pipeline_mode = #tpu.pipeline_mode<synchronous>, transform_indices = @transform_2, window_bounds = array<i64: 1, 128>}, {pipeline_mode = #tpu.pipeline_mode<synchronous>, transform_indices = @transform_3, window_bounds = array<i64: 1, 128>}, {pipeline_mode = #tpu.pipeline_mode<synchronous>, transform_indices = @transform_4, window_bounds = array<i64: 128, 64>}, {pipeline_mode = #tpu.pipeline_mode<synchronous>, transform_indices = @transform_5, window_bounds = array<i64: 1, 64>}, {pipeline_mode = #tpu.pipeline_mode<synchronous>, transform_indices = @transform_6, window_bounds = array<i64: 64, 2>}, {pipeline_mode = #tpu.pipeline_mode<synchronous>, transform_indices = @transform_7, window_bounds = array<i64: 1, 2>}, {transform_indices = @transform_8, window_bounds = array<i64: 1000, 2>}]} {
    %get3A = arith.constant 0 : index
    %get3A_0 = arith.constant 0 : index
    %get3A_1 = vector.load %arg2[%get3A, %get3A_0] : memref<2x128xf32, #tpu.memory_space<vmem>>, vector<1x128xf32>
    %mul3A = arith.constant 9.99999974E-5 : f32
    %mul3A_2 = vector.broadcast %mul3A : f32 to vector<1x128xf32>
    %mul3A_3 = arith.mulf %get3A_1, %mul3A_2 : vector<1x128xf32>
    %get3A_4 = arith.constant 1 : index
    %get3A_5 = arith.constant 0 : index
    %get3A_6 = vector.load %arg2[%get3A_4, %get3A_5] : memref<2x128xf32, #tpu.memory_space<vmem>>, vector<1x128xf32>
    %mul3A_7 = arith.constant 9.99999974E-5 : f32
    %mul3A_8 = vector.broadcast %mul3A_7 : f32 to vector<1x128xf32>
    %mul3A_9 = arith.mulf %get3A_6, %mul3A_8 : vector<1x128xf32>
    %mul3A_10 = arith.mulf %mul3A_3, %mul3A_3 : vector<1x128xf32>
    %sub3A = arith.subf %mul3A_9, %mul3A_10 : vector<1x128xf32>
    %add3A = arith.constant 9.99999974E-6 : f32
    %add3A_11 = vector.broadcast %add3A : f32 to vector<1x128xf32>
    %add3A_12 = arith.addf %sub3A, %add3A_11 : vector<1x128xf32>
    %rsqrt3A = math.rsqrt %add3A_12 : vector<1x128xf32>
    %get3A_13 = arith.constant 0 : index
    %get3A_14 = arith.constant 0 : index
    %get3A_15 = vector.load %arg3[%get3A_13, %get3A_14] : memref<1x128xf32, #tpu.memory_space<vmem>>, vector<1x128xf32>
    %mul3A_16 = arith.mulf %rsqrt3A, %get3A_15 : vector<1x128xf32>
    %get3A_17 = arith.constant 0 : index
    %get3A_18 = arith.constant 0 : index
    %get3A_19 = vector.load %arg1[%get3A_17, %get3A_18] : memref<1000x128xf32, #tpu.memory_space<vmem>>, vector<1000x128xf32>
    %sub3A_20 = vector.broadcast %mul3A_3 : vector<1x128xf32> to vector<1000x128xf32>
    %sub3A_21 = arith.subf %get3A_19, %sub3A_20 : vector<1000x128xf32>
    %mul3A_22 = vector.broadcast %mul3A_16 : vector<1x128xf32> to vector<1000x128xf32>
    %mul3A_23 = arith.mulf %sub3A_21, %mul3A_22 : vector<1000x128xf32>
    %get3A_24 = arith.constant 0 : index
    %get3A_25 = arith.constant 0 : index
    %get3A_26 = vector.load %arg4[%get3A_24, %get3A_25] : memref<1x128xf32, #tpu.memory_space<vmem>>, vector<1x128xf32>
    %add3A_27 = vector.broadcast %get3A_26 : vector<1x128xf32> to vector<1000x128xf32>
    %add3A_28 = arith.addf %mul3A_23, %add3A_27 : vector<1000x128xf32>
    %max3A = arith.constant 0.000000e+00 : f32
    %max3A_29 = vector.broadcast %max3A : f32 to vector<1000x128xf32>
    %max3A_30 = arith.maximumf %add3A_28, %max3A_29 : vector<1000x128xf32>
    %convert_element_type3A = arith.truncf %max3A_30 : vector<1000x128xf32> to vector<1000x128xbf16>
    %get3A_31 = arith.constant 0 : index
    %get3A_32 = arith.constant 0 : index
    %get3A_33 = vector.load %arg5[%get3A_31, %get3A_32] : memref<128x64xf32, #tpu.memory_space<vmem>>, vector<128x64xf32>
    %convert_element_type3A_34 = arith.truncf %get3A_33 : vector<128x64xf32> to vector<128x64xbf16>
    %dot_general3A = arith.constant dense<0.000000e+00> : vector<1000x64xf32>
    %dot_general3A_35 = tpu.matmul %convert_element_type3A, %convert_element_type3A_34, %dot_general3A {dimension_numbers = #tpu.dot_dimension_numbers<[1], [0], [0], [1], [0, 0, 1, 1], [], []>, transpose_lhs_hint = false} : vector<1000x128xbf16>, vector<128x64xbf16>, vector<1000x64xf32> -> vector<1000x64xf32>
    %get3A_36 = arith.constant 0 : index
    %get3A_37 = arith.constant 0 : index
    %get3A_38 = vector.load %arg6[%get3A_36, %get3A_37] : memref<1x64xf32, #tpu.memory_space<vmem>>, vector<1x64xf32>
    %add3A_39 = vector.broadcast %get3A_38 : vector<1x64xf32> to vector<1000x64xf32>
    %add3A_40 = arith.addf %dot_general3A_35, %add3A_39 : vector<1000x64xf32>
    %max3A_41 = arith.constant 0.000000e+00 : f32
    %max3A_42 = vector.broadcast %max3A_41 : f32 to vector<1000x64xf32>
    %max3A_43 = arith.maximumf %add3A_40, %max3A_42 : vector<1000x64xf32>
    %convert_element_type3A_44 = arith.truncf %max3A_43 : vector<1000x64xf32> to vector<1000x64xbf16>
    %get3A_45 = arith.constant 0 : index
    %get3A_46 = arith.constant 0 : index
    %get3A_47 = vector.load %arg7[%get3A_45, %get3A_46] : memref<64x2xf32, #tpu.memory_space<vmem>>, vector<64x2xf32>
    %convert_element_type3A_48 = arith.truncf %get3A_47 : vector<64x2xf32> to vector<64x2xbf16>
    %dot_general3A_49 = arith.constant dense<0.000000e+00> : vector<1000x2xf32>
    %dot_general3A_50 = tpu.matmul %convert_element_type3A_44, %convert_element_type3A_48, %dot_general3A_49 {dimension_numbers = #tpu.dot_dimension_numbers<[1], [0], [0], [1], [0, 0, 1, 1], [], []>, transpose_lhs_hint = false} : vector<1000x64xbf16>, vector<64x2xbf16>, vector<1000x2xf32> -> vector<1000x2xf32>
    %get3A_51 = arith.constant 0 : index
    %get3A_52 = arith.constant 0 : index
    %get3A_53 = vector.load %arg8[%get3A_51, %get3A_52] : memref<1x2xf32, #tpu.memory_space<vmem>>, vector<1x2xf32>
    %add3A_54 = vector.broadcast %get3A_53 : vector<1x2xf32> to vector<1000x2xf32>
    %add3A_55 = arith.addf %dot_general3A_50, %add3A_54 : vector<1000x2xf32>
    %swap3A = arith.constant 0 : index
    %swap3A_56 = arith.constant 0 : index
    %swap3A_57 = vector.load %arg9[%swap3A, %swap3A_56] : memref<1000x2xf32, #tpu.memory_space<vmem>>, vector<1000x2xf32>
    tpu.vector_store %arg9[%swap3A, %swap3A_56], %add3A_55 {strides = array<i32>} : memref<1000x2xf32, #tpu.memory_space<vmem>>, vector<1000x2xf32>,
    return
  }
  func.func @transform_0(%arg0: i32) -> (i32, i32) {
    %c0_i32 = arith.constant 0 : i32
    %c0_i32_0 = arith.constant 0 : i32
    return %arg0, %c0_i32 : i32, i32
  }
  func.func @transform_1(%arg0: i32) -> (i32, i32) {
    %c0_i32 = arith.constant 0 : i32
    %c0_i32_0 = arith.constant 0 : i32
    %c0_i32_1 = arith.constant 0 : i32
    return %c0_i32, %c0_i32_0 : i32, i32
  }
  func.func @transform_2(%arg0: i32) -> (i32, i32) {
    %c0_i32 = arith.constant 0 : i32
    %c0_i32_0 = arith.constant 0 : i32
    %c0_i32_1 = arith.constant 0 : i32
    return %c0_i32, %c0_i32_0 : i32, i32
  }
  func.func @transform_3(%arg0: i32) -> (i32, i32) {
    %c0_i32 = arith.constant 0 : i32
    %c0_i32_0 = arith.constant 0 : i32
    %c0_i32_1 = arith.constant 0 : i32
    return %c0_i32, %c0_i32_0 : i32, i32
  }
  func.func @transform_4(%arg0: i32) -> (i32, i32) {
    %c0_i32 = arith.constant 0 : i32
    %c0_i32_0 = arith.constant 0 : i32
    %c0_i32_1 = arith.constant 0 : i32
    return %c0_i32, %c0_i32_0 : i32, i32
  }
  func.func @transform_5(%arg0: i32) -> (i32, i32) {
    %c0_i32 = arith.constant 0 : i32
    %c0_i32_0 = arith.constant 0 : i32
    %c0_i32_1 = arith.constant 0 : i32
    return %c0_i32, %c0_i32_0 : i32, i32
  }
  func.func @transform_6(%arg0: i32) -> (i32, i32) {
    %c0_i32 = arith.constant 0 : i32
    %c0_i32_0 = arith.constant 0 : i32
    %c0_i32_1 = arith.constant 0 : i32
    return %c0_i32, %c0_i32_0 : i32, i32
  }
  func.func @transform_7(%arg0: i32) -> (i32, i32) {
    %c0_i32 = arith.constant 0 : i32
    %c0_i32_0 = arith.constant 0 : i32
    %c0_i32_1 = arith.constant 0 : i32
    return %c0_i32, %c0_i32_0 : i32, i32
  }
  func.func @transform_8(%arg0: i32) -> (i32, i32) {
    %c0_i32 = arith.constant 0 : i32
    %c0_i32_0 = arith.constant 0 : i32
    return %arg0, %c0_i32 : i32, i32
  }
}

</mosaic_0001>

<sc_bundles>
// kernel: kernel.11.cloned.1.call-start
scs
__scs_entry_jumppad:
0x0: {  	(pc) =	sbr.rel $0x88, $3  }
0x1: {  	(tag) =	ssettag $0x0;
	lr =	simm.s32 $0x1  }
0x2: {  	[smem:$0x3F86] =	sst lr;
	_ =	strace $0xD0000000  }
0x3: {  	_ = 	snop  }
0x4: {  	_ = 	snop  }
0x5: {  	_ = 	snop  }
0x6: {  	_ = 	snop  }
0x7: {  	_ = 	snop  }
__scs_overlays_trampoline_lowered:
0x8: {  	[smem:$0x3F95] =	sst s0  }
0x9: {  	[smem:$0x3F96] =	sst s1  }
0xa: {  	[smem:$0x3F97] =	sst s2  }
0xb: {  	[smem:$0x3F98] =	sst s3  }
0xc: {  	[smem:$0x3F99] =	sst s4  }
0xd: {  	[smem:$0x3F9A] =	sst s5  }
0xe: {  	[smem:$0x3F9B] =	sst s6  }
0xf: {  	[smem:$0x3F9C] =	sst s7  }
0x10: {  	[smem:$0x3F9D] =	sst s8  }
0x11: {  	[smem:$0x3F9E] =	sst s9;
	s0 =	simm.s32 @!p0 $0x0  }
0x12: {  	s1 =	sld [smem:$0x3F84];
	s0 =	simm.s32 @p0 $0x1  }
0x13: {  	[smem:$0x3F9F] =	sst s0;
	s0 =	simm.s32 @!p1 $0x0  }
0x14: {  	s2 =	sld [smem:$0x3F83];
	s0 =	simm.s32 @p1 $0x1  }
0x15: {  	[smem:$0x3FA0] =	sst s0;
	s0 =	simm.s32 @!p2 $0x0  }
0x16: {  	s3 =	sld [smem:$0x3FDB];
	s0 =	simm.s32 @p2 $0x1  }
0x17: {  	s4 =	simm.s32 $0x1BF5;
	[smem:$0x3FA2] =	sst s0  }
0x18: {  	s0 =	sld [smem:$0x3F85];
	_ =	swait.ge [sflag:s4], $0x0  }
0x19: {  	s7 =	sld [smem:$0x3F86]  }
0x1a: {  	s8 =	sadd.s32 $0xFFFFE003, lr  }
0x1b: {  	s9 =	sadd.s32 $0xFFFFFEF7, lr;
	s5 =	simm.s32 $0xFFFFFFFF;
	p2 =	slt.u32 s8, $0xFFFFF086  }
0x1c: {  	p1 =	slt.u32 s9, $0xF7A;
	s5 =	simm.s32 @!p2 $0x0  }
0x1d: {  	s5 =	simm.s32 @p1 $0x1;
	p0 =	seq.s32 s7, s2  }
0x1e: {  	s7 =	smul.u32 @!p0 $0xF7A, s2;
	p2 =	seq.s32 @!p0 s5, $0x0  }
0x1f: {  	s9 =	smul.u32 $0xF7A, s1;
	s8 =	simm.s32 @!p0 $0x1BF5;
	p2 =	por !p2, p0  }
0x20: {  	[sflag:s8] =	ssyncset.s32 @!p0 $0xFFFFF086;
	s6 =	sadd.s32 @!p0 s3, s7;
	s7 =	simm.s32 @!p0 $0x108  }
0x21: {  	s3 =	sadd.s32 s3, s9;
	s6 =	sadd.s32 @!p0 $0x88, s6;
	s7 =	simm.s32 @p2 $0x1082  }
0x22: {  	[simem:s7], [sflag:s8] =	dma.local @!p0 [hbm:s6], $0xF7A  }
0x23: {  	s9 =	sor.u32 $0xD0000000, s2;
	s6 =	simm.s32 $0x108;
	_ =	swait.ge @!p0 [sflag:s8], $0x0  }
0x24: {  	s3 =	sadd.s32 $0x88, s3;
	s6 =	simm.s32 @!p1 $0x1082;
	[sflag:s4] =	ssyncset.s32 $0xFFFFF086  }
0x25: {  	[simem:s6], [sflag:s4] =	dma.local [hbm:s3], $0xF7A  }
0x26: {  	[smem:$0x3F86] =	sst s1;
	(tag) =	ssettag s2;
	_ =	strace s9  }
0x27: {  	s1 =	sld [smem:$0x3F96]  }
0x28: {  	s2 =	sld [smem:$0x3F97]  }
0x29: {  	s4 =	sld [smem:$0x3F99]  }
0x2a: {  	p0 =	seq.s32 s5, $0x0;
	s5 =	sld [smem:$0x3F9A]  }
0x2b: {  	s6 =	sld [smem:$0x3F9B]  }
0x2c: {  	s7 =	sld [smem:$0x3F9C]  }
0x2d: {  	s3 =	simm.s32 $0x108;
	s8 =	sld [smem:$0x3F9D]  }
0x2e: {  	s3 =	simm.s32 @!p0 $0x1082;
	s9 =	sld [smem:$0x3F9E]  }
0x2f: {  	lr =	sadd.s32 s0, s3;
	s0 =	sld [smem:$0x3F95]  }
0x30: {  	s3 =	sld [smem:$0x3F98]  }
0x31: {  	[smem:$0x3FA1] =	sst s10  }
0x32: {  	s10 =	sld [smem:$0x3F9F];
	_ =	sdelay $0x3  }
0x33: {  	p0 =	seq.s32 s10, $0x1;
	s10 =	sld [smem:$0x3FA1];
	_ =	sdelay $0x3  }
0x34: {  	[smem:$0x3FA1] =	sst s10  }
0x35: {  	s10 =	sld [smem:$0x3FA0];
	_ =	sdelay $0x3  }
0x36: {  	p1 =	seq.s32 s10, $0x1;
	s10 =	sld [smem:$0x3FA1];
	_ =	sdelay $0x3  }
0x37: {  	[smem:$0x3FA1] =	sst s10  }
0x38: {  	s10 =	sld [smem:$0x3FA2]  }
0x39: {  	_ = 	snop;
	(pc) =	sbr.ind lr, $3  }
0x3a: {  	_ = 	snop  }
0x3b: {  	_ = 	snop  }
0x3c: {  	p2 =	seq.s32 s10, $0x1;
	s10 =	sld [smem:$0x3FA1]  }
0x3d: {  	_ =	shalt  }
0x3e: {  	_ =	shalt  }
0x3f: {  	_ =	shalt  }
0x40: {  	_ =	shalt  }
0x41: {  	_ =	shalt  }
0x42: {  	_ =	shalt  }
0x43: {  	_ =	shalt  }
0x44: {  	_ =	shalt  }
0x45: {  	_ =	shalt  }
0x46: {  	_ =	shalt  }
0x47: {  	_ =	shalt  }
0x48: {  	_ =	shalt  }
0x49: {  	_ =	shalt  }
0x4a: {  	_ =	shalt  }
0x4b: {  	_ =	shalt  }
0x4c: {  	_ =	shalt  }
0x4d: {  	_ =	shalt  }
0x4e: {  	_ =	shalt  }
0x4f: {  	_ =	shalt  }
0x50: {  	_ =	shalt  }
0x51: {  	_ =	shalt  }
0x52: {  	_ =	shalt  }
0x53: {  	_ =	shalt  }
0x54: {  	_ =	shalt  }
0x55: {  	_ =	shalt  }
0x56: {  	_ =	shalt  }
0x57: {  	_ =	shalt  }
0x58: {  	_ =	shalt  }
0x59: {  	_ =	shalt  }
0x5a: {  	_ =	shalt  }
0x5b: {  	_ =	shalt  }
0x5c: {  	_ =	shalt  }
0x5d: {  	_ =	shalt  }
0x5e: {  	_ =	shalt  }
0x5f: {  	_ =	shalt  }
0x60: {  	_ =	shalt  }
0x61: {  	_ =	shalt  }
0x62: {  	_ =	shalt  }
0x63: {  	_ =	shalt  }
0x64: {  	_ =	shalt  }
0x65: {  	_ =	shalt  }
0x66: {  	_ =	shalt  }
0x67: {  	_ =	shalt  }
0x68: {  	_ =	shalt  }
0x69: {  	_ =	shalt  }
0x6a: {  	_ =	shalt  }
0x6b: {  	_ =	shalt  }
0x6c: {  	_ =	shalt  }
0x6d: {  	_ =	shalt  }
0x6e: {  	_ =	shalt  }
0x6f: {  	_ =	shalt  }
0x70: {  	_ =	shalt  }
0x71: {  	_ =	shalt  }
0x72: {  	_ =	shalt  }
0x73: {  	_ =	shalt  }
0x74: {  	_ =	shalt  }
0x75: {  	_ =	shalt  }
0x76: {  	_ =	shalt  }
0x77: {  	_ =	shalt  }
0x78: {  	_ =	shalt  }
0x79: {  	_ =	shalt  }
0x7a: {  	_ =	shalt  }
0x7b: {  	_ =	shalt  }
0x7c: {  	_ =	shalt  }
0x7d: {  	_ =	shalt  }
0x7e: {  	_ =	shalt  }
0x7f: {  	_ =	shalt  }
0x80: {  	_ =	shalt  }
0x81: {  	_ =	shalt  }
0x82: {  	_ =	shalt  }
0x83: {  	_ =	shalt  }
0x84: {  	_ =	shalt  }
0x85: {  	_ =	shalt  }
0x86: {  	_ =	shalt  }
0x87: {  	_ =	shalt  }
.Lfunc_end0:
.L_simem_size_0:
called_computation_lowered:
.L_overlay_start_0:
0x88: {  	s2 =	sld [smem:$0x3FD9]  }
0x89: {  	s3 =	sld [smem:$0x3FFE];
	_ =	sdelay $0x1  }
0x8a: {  	s1 =	srdreg.scid  }
0x8b: {  	s0 =	sand.u32 $0x1, s1  }
0x8c: {  	s17 =	sshll.u32 s0, $0xA;
	s2 =	sadd.s32 s3, s2  }
0x8d: {  	s2 =	sadd.s32 s2, s17  }
0x8e: {  	[smem:$0x3FAD] =	sst s2  }
0x8f: {  	_ = 	snop  }
0x90: {  	s2 =	sld [smem:$0x3FC9];
	(tm) =	ssettm $0x1  }
0x91: {  	s18 =	sld [smem:$0x3FFB];
	_ =	sdelay $0x3  }
0x92: {  	_ =	strace s18  }
0x93: {  	s3 =	sld [smem:$0x3FFC];
	_ =	sdelay $0x3  }
0x94: {  	_ =	strace s3  }
0x95: {  	s3 =	sld [smem:$0x3FFD];
	_ =	sdelay $0x3  }
0x96: {  	_ =	strace s3  }
0x97: {  	_ =	strace $0x8FFFFFFF  }
0x98: {  	s19 =	sld [smem:$0x3FDB];
	_ =	sdelay $0x1  }
0x99: {  	s4 =	simm.s32 $_scs_section_size  }
0x9a: {  	s5 =	simm.s32 $_size__tile_overlayer_lowered;
	s6 =	simm.s32 $_tile_overlayer_lowered  }
0x9b: {  	s22 =	simm.s32 $0x1BFF;
	s21 =	sshll.u32 s6, $0x1;
	s3 =	sadd.s32 s4, s19  }
0x9c: {  	s7 =	simm.s32 $0x0;
	s20 =	sshll.u32 s5, $0x1;
	s5 =	sadd.s32 s21, s3  }
0x9d: {  	[timem:s7], [sflag:s22] =	dma.local [hbm:s5], s20  }
0x9e: {  	_ =	swait.ge [sflag:s22], s20  }
0x9f: {  	s4 =	ssub.s32 $0x0, s20;
	[sflag:s22] =	ssyncset.done $0x0  }
0xa0: {  	[sflag:s22] =	ssyncadd.s32 s4;
	_ =	sdelay $0x1  }
0xa1: {  	s23 =	simm.s32 $0x1B8B  }
0xa2: {  	_ =	swait.ge [sflag:s23], $0x1  }
0xa3: {  	[sflag:s23] =	ssyncset.done $0x0  }
0xa4: {  	s25 =	simm.s32 $0x1B8E;
	s24 =	sld [smem:$0x3FFE];
	[sflag:s23] =	ssyncadd.s32 $0xFFFFFFFF  }
0xa5: {  	s26 =	simm.s32 $execute0_lowered;
	[smem:$0x3FD2] =	sst s25  }
0xa6: {  	s5 =	sshll.u32 s26, $0x1;
	_ =	strace $0x80000046;
	[dreg:$0x1] =	wrdreg $0xFFFFFFFF  }
0xa7: {  	s28 =	simm.s32 $_size_execute0_lowered;
	s3 =	sadd.s32 s3, s5;
	[dreg:$0x0] =	wrdreg $0x0  }
0xa8: {  	s5 =	sshll.u32 s28, $0x1;
	[dreg:$0x2] =	wrdreg s3  }
0xa9: {  	[dreg:$0x3] =	wrdreg s5  }
0xaa: {  	[dreg:$0x4] =	wrdreg $0xC0  }
0xab: {  	_ =	task [dreg:s7], $0x5FFFF  }
0xac: {  	[dreg:$0x1] =	wrdreg $0xFFFFFFFF  }
0xad: {  	[dreg:$0x0] =	wrdreg $0x60  }
0xae: {  	[dreg:$0x2] =	wrdreg s2  }
0xaf: {  	[dreg:$0x3] =	wrdreg s24  }
0xb0: {  	[dreg:$0x4] =	wrdreg $0x0  }
0xb1: {  	[dreg:$0x5] =	wrdreg $0x9  }
0xb2: {  	_ =	task.clear_ibuf [dreg:s7], $0x6FFFF;
	_ =	strace $0x90000046  }
0xb3: {  	s29 =	simm.s32 $0x9;
	_ =	strace $0x80000048  }
0xb4: {  	_ =	swait.ge [sflag:s29], $0x1  }
0xb5: {  	[sflag:s29] =	ssyncadd.s32 $0xFFFFFFFF  }
0xb6: {  	_ =	strace $0x90000048  }
0xb7: {  	_ =	sfence  }
0xb8: {  	s30 =	sld [smem:$0x0];
	_ =	sdelay $0x2  }
0xb9: {  	s31 =	sshll.u32 s1, $0xD;
	s1 =	sshrl.u32 s1, $0x2  }
0xba: {  	s3 =	sand.u32 $0x4000, s31;
	s1 =	sadd.s32 s1, s30  }
0xbb: {  	s0 =	sor.u32 s3, s0;
	s1 =	sshll.u32 s1, $0x11  }
0xbc: {  	s0 =	sor.u32 s1, s0  }
0xbd: {  	s0 =	sadd.s32 $0x8F2B, s0  }
0xbe: {  	[sflag:s0] =	ssyncadd.remote.s32 $0x1  }
0xbf: {  	_ =	sfence.sel $0xFFFF  }
0xc0: {  	[dreg:$0x0] =	wrdreg $0xFFFFFFFF;
	(pc) =	sbr.abs _section_cstart, $3  }
0xc1: {  	[dreg:$0x1] =	wrdreg $0xFFFFFFFF  }
0xc2: {  	_ =	task.clear_ibuf [dreg:s7], $0x2FFFF;
	_ =	strace $0x9FFFFFFF  }
0xc3: {  	(tm) =	ssettm $0x7FFFFFFF  }
tec
execute0_lowered:
.L_overlay_start_1:
0x0: {  	(tag) =	ssettag $0x1  }
0x1: {  	s1 =	rddreg [dreg:$0x0]  }
0x2: {  	s0 =	srdreg.scid;
	s6 =	rddreg [dreg:$0x1]  }
0x3: {  	s13 =	stileid.u32;
	s3 =	rddreg [dreg:$0x2]  }
0x4: {  	s4 =	simm.s32 $0x0;
	s28 =	simm.s32 $0x5;
	s29 =	simm.s32 $0x1  }
0x5: {  	s30 =	simm.s32 $0x16000;
	s31 =	simm.s32 $0x16080;
	s7 =	smul.u32 $0x4E200, s13  }
0x6: {  	s0 =	sand.u32 $0x1, s0;
	s2 =	sshll.u32 s13, $0x1;
	s17 =	smul.u32 $0x13800, s13  }
0x7: {  	[smem:$0x7FF] =	sst s4;
	s20 =	smul.u32 $0x4E000, s13;
	s2 =	sor.u32 s0, s2  }
0x8: {  	s5 =	sadd.s32 $0x4C00, s6;
	s11 =	sadd.s32 $0x18800, s6;
	s2 =	smul.u32 $0x2710, s2  }
0x9: {  	s21 =	smul.u32 $0x4E20, s13;
	p0 =	sne.s32 s13, $0xF;
	_ =	strace $0x80000047  }
0xa: {  	s9 =	ssub.s32 $0x2, s0;
	s26 =	smul.u32 $0x138800, s0;
	s2 =	sshrl.u32 s2, $0x3  }
0xb: {  	s0 =	smul.u32 $0x2710, s0;
	s7 =	sshrl.u32 s7, $0x2;
	s8 =	sadd.s32 s2, s6  }
0xc: {  	s10 =	sshrl.u32 s9, $0x1;
	s6 =	sadd.s32 s7, s3;
	s24 =	sadd.s32 $0xEA00, s8  }
0xd: {  	s9 =	ssub.s32 s9, s10;
	s25 =	sadd.s32 $0x2800, s6;
	[dreg:$0x4] =	wrdreg s24  }
0xe: {  	s0 =	sadd.s32 s0, s21;
	s15 =	sadd.s32 $0x5000, s6;
	[dreg:$0x5] =	wrdreg s25  }
0xf: {  	s10 =	simm.s32 $0x0;
	s16 =	sadd.s32 $0x7800, s6;
	[dreg:$0x6] =	wrdreg s15  }
0x10: {  	s14 =	sadd.s32 s5, s2;
	s18 =	sadd.s32 $0xA000, s6;
	[dreg:$0x7] =	wrdreg s16  }
0x11: {  	s7 =	sshrl.u32 s26, $0x3;
	s19 =	sadd.s32 $0xC800, s6;
	[dreg:$0x8] =	wrdreg s18  }
0x12: {  	s12 =	sadd.s32 $0xF000, s6;
	s8 =	sadd.s32 s17, s26;
	[dreg:$0x9] =	wrdreg s19  }
0x13: {  	s23 =	sadd.s32 $0x11800, s6;
	s7 =	sadd.s32 s11, s7;
	[dreg:$0xa] =	wrdreg s12  }
0x14: {  	s26 =	sadd.s32 $0xF0, s0;
	s22 =	sshrl.u32 s8, $0x3;
	[dreg:$0xb] =	wrdreg s23  }
0x15: {  	s24 =	sadd.s32 $0xA, s14;
	s25 =	sshrl.u32 s20, $0x2;
	s18 =	sadd.s32 $0x27000, s7  }
0x16: {  	s7 =	sadd.s32 $0x138000, s3;
	s8 =	sshrl.u32 s26, $0x3;
	s19 =	smax.u32 s9, $0x1  }
0x17: {  	s20 =	sadd.s32 $0x4D8, s14;
	s23 =	simm.s32 $0x13880;
	s26 =	simm.s32 $0x16100  }
0x18: {  	s9 =	simm.s32 $0x2;
	[dreg:$0xc] =	wrdreg s24;
	s17 =	sadd.s32 s11, s22  }
0x19: {  	s2 =	sadd.s32 s25, s3;
	s21 =	sadd.s32 s8, s5;
	s22 =	sadd.s32 $0xA0, s0  }
0x1a: {  	s25 =	sshrl.u32 @!p0 s7, $0x3;
	s0 =	simm.s32 $0x18900;
	s7 =	simm.s32 $0x3  }
0x1b: {  	v0 =	vimm.f32 $0.0e+00;
	s8 =	simm.s32 $0x4;
	s24 =	sshrl.u32 s2, $0x3;
	s2 =	simm.s32 $0x50  }
.LBB2_1:
0x1c: {  	s11 =	rddreg [dreg:$0x4]  }
0x1d: {  	[tilespmem:s23], [sflag:$0x1] =	stream.linear.gather [hbm4b:s11+s4], $0x2710, $0x38;
	[tilespmem:$0x1B100] =	vst v63  }
0x1e: {  	s12 =	simm.s32 $0x200;
	s11 =	simm.s32 $0x0  }
.LBB2_2:
0x1f: {  	p1 =	sne.s32 s12, $0x9E00;
	[tilespmem:s11+$0x16170] =	vst v0  }
0x20: {  	[tilespmem:s11+$0x16100] =	vst v0  }
0x21: {  	[tilespmem:s11+$0x16110] =	vst v0  }
.Ltmp0:
0x22: {  	[tilespmem:s11+$0x16120] =	vst v0;
	(pc) =	sbr.rel @p1 .LBB2_2-.Ltmp0, $4  }
0x23: {  	[tilespmem:s11+$0x16130] =	vst v0  }
0x24: {  	[tilespmem:s11+$0x16140] =	vst v0  }
0x25: {  	[tilespmem:s11+$0x16150] =	vst v0  }
0x26: {  	[tilespmem:s11+$0x16160] =	vst v0;
	s11 =	sshra.s32 s12, $0x2;
	s12 =	sadd.s32 $0x200, s12  }
0x27: {  	[tilespmem:s11+$0x16170] =	vst v0  }
0x28: {  	[tilespmem:s11+$0x16100] =	vst v0  }
0x29: {  	[tilespmem:s11+$0x16110] =	vst v0  }
0x2a: {  	[tilespmem:s11+$0x16120] =	vst v0  }
0x2b: {  	[tilespmem:s11+$0x16130] =	vst v0  }
0x2c: {  	[tilespmem:s11+$0x16140] =	vst v0  }
0x2d: {  	[tilespmem:s11+$0x16150] =	vst v0  }
0x2e: {  	[tilespmem:s11+$0x16160] =	vst v0  }
0x2f: {  	[spmem:s6] =	stream.linear.scatter [tilespmem:s26], [sflag:$0x5], $0x2800, $0x38;
	[tilespmem:$0x1B100] =	vst v63  }
0x30: {  	_ =	swait.ge [sflag:s28], $0x2800  }
0x31: {  	[sflag:s28] =	ssyncset.done $0x0  }
0x32: {  	s12 =	rddreg [dreg:$0x5];
	[sflag:s28] =	ssyncadd.s32 $0xFFFFD800  }
0x33: {  	[spmem:s12] =	stream.linear.scatter [tilespmem:s26], [sflag:$0x5], $0x2800, $0x38;
	[tilespmem:$0x1B100] =	vst v63  }
0x34: {  	_ =	swait.ge [sflag:s28], $0x2800  }
0x35: {  	[sflag:s28] =	ssyncset.done $0x0  }
0x36: {  	s13 =	rddreg [dreg:$0x6];
	[sflag:s28] =	ssyncadd.s32 $0xFFFFD800  }
0x37: {  	[spmem:s13] =	stream.linear.scatter [tilespmem:s26], [sflag:$0x5], $0x2800, $0x38;
	[tilespmem:$0x1B100] =	vst v63  }
0x38: {  	_ =	swait.ge [sflag:s28], $0x2800  }
0x39: {  	[sflag:s28] =	ssyncset.done $0x0  }
0x3a: {  	s15 =	rddreg [dreg:$0x7];
	[sflag:s28] =	ssyncadd.s32 $0xFFFFD800  }
0x3b: {  	[spmem:s15] =	stream.linear.scatter [tilespmem:s26], [sflag:$0x5], $0x2800, $0x38;
	[tilespmem:$0x1B100] =	vst v63  }
0x3c: {  	_ =	swait.ge [sflag:s28], $0x2800  }
0x3d: {  	[sflag:s28] =	ssyncset.done $0x0  }
0x3e: {  	s16 =	rddreg [dreg:$0x8];
	[sflag:s28] =	ssyncadd.s32 $0xFFFFD800  }
0x3f: {  	[spmem:s16] =	stream.linear.scatter [tilespmem:s26], [sflag:$0x5], $0x2800, $0x38;
	[tilespmem:$0x1B100] =	vst v63  }
0x40: {  	_ =	swait.ge [sflag:s28], $0x2800  }
0x41: {  	[sflag:s28] =	ssyncset.done $0x0  }
0x42: {  	s12 =	rddreg [dreg:$0x9];
	[sflag:s28] =	ssyncadd.s32 $0xFFFFD800  }
0x43: {  	[spmem:s12] =	stream.linear.scatter [tilespmem:s26], [sflag:$0x5], $0x2800, $0x38;
	[tilespmem:$0x1B100] =	vst v63  }
0x44: {  	_ =	swait.ge [sflag:s28], $0x2800  }
0x45: {  	[sflag:s28] =	ssyncset.done $0x0  }
0x46: {  	s13 =	rddreg [dreg:$0xa];
	[sflag:s28] =	ssyncadd.s32 $0xFFFFD800  }
0x47: {  	[spmem:s13] =	stream.linear.scatter [tilespmem:s26], [sflag:$0x5], $0x2800, $0x38;
	[tilespmem:$0x1B100] =	vst v63  }
0x48: {  	_ =	swait.ge [sflag:s28], $0x2800  }
0x49: {  	[sflag:s28] =	ssyncset.done $0x0  }
0x4a: {  	s15 =	rddreg [dreg:$0xb];
	[sflag:s28] =	ssyncadd.s32 $0xFFFFD800  }
0x4b: {  	[spmem:s15] =	stream.linear.scatter [tilespmem:s26], [sflag:$0x5], $0x2080, $0x38;
	[tilespmem:$0x1B100] =	vst v63  }
0x4c: {  	_ =	swait.ge [sflag:s28], $0x2080  }
0x4d: {  	[sflag:s28] =	ssyncset.done $0x0  }
0x4e: {  	[sflag:s28] =	ssyncadd.s32 $0xFFFFDF80  }
0x4f: {  	_ =	swait.ge [sflag:s29], $0x2710  }
0x50: {  	[sflag:s29] =	ssyncset.done $0x0  }
0x51: {  	[sflag:s29] =	ssyncadd.s32 $0xFFFFD8F0  }
0x52: {  	s16 =	simm.s32 $0x0;
	[bflag:$0x0] =	sbarrier.arrive $0xFFFF  }
0x53: {  	[tilespmem:s30], [sflag:$0x1] =	stream.linear.gather [hbm4b:s14+s16], $0x50, $0x38;
	[tilespmem:$0x1B100] =	vst v63  }
0x54: {  	s12 =	rddreg [dreg:$0xc]  }
0x55: {  	[tilespmem:s31], [sflag:$0x2] =	stream.linear.gather [hbm4b:s12+s16], $0x50, $0x38;
	[tilespmem:$0x1B100] =	vst v63  }
0x56: {  	_ = 	snop  }
0x57: {  	[tilespmem:s26], [sflag:$0x3] =	stream.indirect.gather [hbm4b:s1+s2], $0x80, s23, s2, $0xb8;
	[tilespmem:$0x1B100] =	vst v63  }
0x58: {  	s13 =	simm.s32 $0x138D0  }
0x59: {  	[tilespmem:s0], [sflag:$0x4] =	stream.indirect.gather [hbm4b:s1+s2], $0x80, s13, s2, $0xb8;
	[tilespmem:$0x1B100] =	vst v63  }
0x5a: {  	_ =	swait.ge [sflag:s7], $0x2800  }
0x5b: {  	[sflag:s7] =	ssyncset.done $0x0  }
0x5c: {  	[sflag:s7] =	ssyncadd.s32 $0xFFFFD800  }
0x5d: {  	_ =	swait.ge [sflag:s29], $0x50  }
0x5e: {  	[sflag:s29] =	ssyncset.done $0x0  }
0x5f: {  	[sflag:s29] =	ssyncadd.s32 $0xFFFFFFB0  }
0x60: {  	[spmem:s3] =	stream.indirect.scatter.add.f32 [tilespmem:s26], [sflag:$0x5], $0x80, s30, s2, $0xb8;
	[tilespmem:$0x1B100] =	vst v63  }
0x61: {  	_ =	swait.ge [sflag:s28], $0x2800  }
0x62: {  	s15 =	sshrl.u32 s22, $0x3;
	[sflag:s28] =	ssyncset.done $0x0  }
0x63: {  	s11 =	sadd.s32 s5, s15;
	[sflag:s28] =	ssyncadd.s32 $0xFFFFD800  }
0x64: {  	[tilespmem:s30], [sflag:$0x1] =	stream.linear.gather [hbm4b:s11+s4], $0x50, $0x38;
	[tilespmem:$0x1B100] =	vst v63  }
0x65: {  	s16 =	simm.s32 $0x13920  }
0x66: {  	[tilespmem:s26], [sflag:$0x3] =	stream.indirect.gather [hbm4b:s1+s2], $0x80, s16, s2, $0xb8;
	[tilespmem:$0x1B100] =	vst v63  }
0x67: {  	_ =	swait.ge [sflag:s8], $0x2800  }
0x68: {  	[sflag:s8] =	ssyncset.done $0x0  }
0x69: {  	[sflag:s8] =	ssyncadd.s32 $0xFFFFD800  }
0x6a: {  	_ =	swait.ge [sflag:s9], $0x50  }
0x6b: {  	[sflag:s9] =	ssyncset.done $0x0  }
0x6c: {  	[sflag:s9] =	ssyncadd.s32 $0xFFFFFFB0  }
0x6d: {  	[spmem:s3] =	stream.indirect.scatter.add.f32 [tilespmem:s0], [sflag:$0x5], $0x80, s31, s2, $0xb8;
	[tilespmem:$0x1B100] =	vst v63  }
0x6e: {  	_ =	swait.ge [sflag:s28], $0x2800  }
0x6f: {  	s15 =	sadd.s32 $0x0, s21;
	s12 =	simm.s32 $0x139C0;
	[sflag:s28] =	ssyncset.done $0x0  }
0x70: {  	s13 =	sadd.s32 $0xA0, s22;
	s11 =	simm.s32 $0x14;
	[sflag:s28] =	ssyncadd.s32 $0xFFFFD800  }
.LBB2_4:
0x71: {  	[tilespmem:s31], [sflag:$0x2] =	stream.linear.gather [hbm4b:s15+s4], $0x50, $0x38;
	[tilespmem:$0x1B100] =	vst v63  }
0x72: {  	s15 =	smov.u32 s11  }
0x73: {  	s16 =	sadd.s32 $0xFFFFFFB0, s12;
	p1 =	sne.s32 s11, $0x4B0;
	s11 =	sadd.s32 $0x14, s11  }
0x74: {  	[tilespmem:s0], [sflag:$0x4] =	stream.indirect.gather [hbm4b:s1+s2], $0x80, s16, s2, $0xb8;
	[tilespmem:$0x1B100] =	vst v63  }
0x75: {  	_ =	swait.ge [sflag:s7], $0x2800  }
0x76: {  	[sflag:s7] =	ssyncset.done $0x0  }
0x77: {  	[sflag:s7] =	ssyncadd.s32 $0xFFFFD800  }
0x78: {  	_ =	swait.ge [sflag:s29], $0x50  }
0x79: {  	[sflag:s29] =	ssyncset.done $0x0  }
0x7a: {  	[sflag:s29] =	ssyncadd.s32 $0xFFFFFFB0  }
0x7b: {  	[spmem:s3] =	stream.indirect.scatter.add.f32 [tilespmem:s26], [sflag:$0x5], $0x80, s30, s2, $0xb8;
	[tilespmem:$0x1B100] =	vst v63  }
0x7c: {  	_ =	swait.ge [sflag:s28], $0x2800  }
0x7d: {  	s16 =	sshrl.u32 s13, $0x3;
	[sflag:s28] =	ssyncset.done $0x0  }
0x7e: {  	s16 =	sadd.s32 s5, s16;
	[sflag:s28] =	ssyncadd.s32 $0xFFFFD800  }
0x7f: {  	[tilespmem:s30], [sflag:$0x1] =	stream.linear.gather [hbm4b:s16+s4], $0x50, $0x38;
	[tilespmem:$0x1B100] =	vst v63  }
0x80: {  	_ = 	snop  }
0x81: {  	[tilespmem:s26], [sflag:$0x3] =	stream.indirect.gather [hbm4b:s1+s2], $0x80, s12, s2, $0xb8;
	[tilespmem:$0x1B100] =	vst v63  }
0x82: {  	_ =	swait.ge [sflag:s8], $0x2800  }
0x83: {  	[sflag:s8] =	ssyncset.done $0x0  }
0x84: {  	[sflag:s8] =	ssyncadd.s32 $0xFFFFD800  }
0x85: {  	_ =	swait.ge [sflag:s9], $0x50  }
0x86: {  	[sflag:s9] =	ssyncset.done $0x0  }
.Ltmp1:
0x87: {  	[sflag:s9] =	ssyncadd.s32 $0xFFFFFFB0;
	(pc) =	sbr.rel @p1 .LBB2_4-.Ltmp1, $4  }
0x88: {  	[spmem:s3] =	stream.indirect.scatter.add.f32 [tilespmem:s0], [sflag:$0x5], $0x80, s31, s2, $0xb8;
	[tilespmem:$0x1B100] =	vst v63  }
0x89: {  	_ =	swait.ge [sflag:s28], $0x2800  }
0x8a: {  	s12 =	sadd.s32 $0xA0, s12;
	[sflag:s28] =	ssyncset.done $0x0  }
0x8b: {  	s15 =	sadd.s32 s15, s21;
	s13 =	sadd.s32 $0xA0, s13;
	[sflag:s28] =	ssyncadd.s32 $0xFFFFD800  }
0x8c: {  	[tilespmem:s31], [sflag:$0x2] =	stream.linear.gather [hbm4b:s15+s4], $0x50, $0x38;
	[tilespmem:$0x1B100] =	vst v63  }
0x8d: {  	s11 =	simm.s32 $0x15EF0  }
0x8e: {  	[tilespmem:s0], [sflag:$0x4] =	stream.indirect.gather [hbm4b:s1+s2], $0x80, s11, s2, $0xb8;
	[tilespmem:$0x1B100] =	vst v63  }
0x8f: {  	_ =	swait.ge [sflag:s7], $0x2800  }
0x90: {  	[sflag:s7] =	ssyncset.done $0x0  }
0x91: {  	[sflag:s7] =	ssyncadd.s32 $0xFFFFD800  }
0x92: {  	_ =	swait.ge [sflag:s29], $0x50  }
0x93: {  	[sflag:s29] =	ssyncset.done $0x0  }
0x94: {  	[sflag:s29] =	ssyncadd.s32 $0xFFFFFFB0  }
0x95: {  	[spmem:s3] =	stream.indirect.scatter.add.f32 [tilespmem:s26], [sflag:$0x5], $0x80, s30, s2, $0xb8;
	[tilespmem:$0x1B100] =	vst v63  }
0x96: {  	_ =	swait.ge [sflag:s28], $0x2800  }
0x97: {  	[sflag:s28] =	ssyncset.done $0x0  }
0x98: {  	[sflag:s28] =	ssyncadd.s32 $0xFFFFD800  }
0x99: {  	[tilespmem:s30], [sflag:$0x1] =	stream.linear.gather [hbm4b:s20+s4], $0x50, $0x38;
	[tilespmem:$0x1B100] =	vst v63  }
0x9a: {  	s15 =	simm.s32 $0x15F40  }
0x9b: {  	[tilespmem:s26], [sflag:$0x3] =	stream.indirect.gather [hbm4b:s1+s2], $0x80, s15, s2, $0xb8;
	[tilespmem:$0x1B100] =	vst v63  }
0x9c: {  	_ =	swait.ge [sflag:s8], $0x2800  }
0x9d: {  	[sflag:s8] =	ssyncset.done $0x0  }
0x9e: {  	[sflag:s8] =	ssyncadd.s32 $0xFFFFD800  }
0x9f: {  	_ =	swait.ge [sflag:s9], $0x50  }
0xa0: {  	[sflag:s9] =	ssyncset.done $0x0  }
0xa1: {  	[sflag:s9] =	ssyncadd.s32 $0xFFFFFFB0  }
0xa2: {  	[spmem:s3] =	stream.indirect.scatter.add.f32 [tilespmem:s0], [sflag:$0x5], $0x80, s31, s2, $0xb8;
	[tilespmem:$0x1B100] =	vst v63  }
0xa3: {  	_ =	swait.ge [sflag:s28], $0x2800  }
0xa4: {  	[sflag:s28] =	ssyncset.done $0x0  }
0xa5: {  	[sflag:s28] =	ssyncadd.s32 $0xFFFFD800  }
0xa6: {  	_ =	swait.ge [sflag:s7], $0x2800  }
0xa7: {  	[sflag:s7] =	ssyncset.done $0x0  }
0xa8: {  	[sflag:s7] =	ssyncadd.s32 $0xFFFFD800  }
0xa9: {  	_ =	swait.ge [sflag:s29], $0x50  }
0xaa: {  	[sflag:s29] =	ssyncset.done $0x0  }
0xab: {  	[sflag:s29] =	ssyncadd.s32 $0xFFFFFFB0  }
0xac: {  	[spmem:s3] =	stream.indirect.scatter.add.f32 [tilespmem:s26], [sflag:$0x5], $0x80, s30, s2, $0xb8;
	[tilespmem:$0x1B100] =	vst v63  }
0xad: {  	_ =	swait.ge [sflag:s28], $0x2800  }
0xae: {  	s16 =	stileid.u32;
	[sflag:s28] =	ssyncset.done $0x0  }
0xaf: {  	s11 =	sshll.u32 s16, $0x6;
	[sflag:s28] =	ssyncadd.s32 $0xFFFFD800  }
0xb0: {  	s11 =	sor.u32 $0x1C05, s11;
	[bflag:$0x0] =	sbarrier.arrive $0xFFFF  }
0xb1: {  	[hbm:s17], [sflag:s11] =	dma.local [spmem:s24], $0x2700  }
0xb2: {  	_ =	swait.ge [sflag:s28], $0x2700  }
0xb3: {  	s10 =	sadd.s32 $0x1, s10;
	[sflag:s28] =	ssyncset.done $0x0  }
0xb4: {  	p1 =	sne.s32 s10, s19;
	[sflag:s28] =	ssyncadd.s32 $0xFFFFD900  }
0xb5: {  	[hbm:s18], [sflag:s11] =	dma.local @!p0 [spmem:s25], $0x100  }
.Ltmp2:
0xb6: {  	_ = 	snop;
	(pc) =	sbr.rel @p1 .LBB2_1-.Ltmp2, $4  }
0xb7: {  	s11 =	simm.s32 @!p0 $0x5  }
0xb8: {  	_ =	swait.ge @!p0 [sflag:s11], $0x100  }
0xb9: {  	[sflag:s11] =	ssyncset.done @!p0 $0x0  }
0xba: {  	[sflag:s11] =	ssyncadd.s32 @!p0 $0xFFFFFF00  }
0xbb: {  	_ =	sfence.sel $0x180000  }
0xbc: {  	[bflag:$0x0] =	sbarrier.arrive $0xFFFF  }
0xbd: {  	_ =	strace $0x90000047  }
0xbe: {  	s0 =	stileid.u32;
	[bflag:$0x2] =	sbarrier.arrive $0xFFFF  }
0xbf: {  	p0 =	sne.s32 s0, $0x0;
	s0 =	rddreg [dreg:$0x3]  }
0xc0: {  	s0 =	sadd.s32 @!p0 $0x100000, s0  }
0xc1: {  	[sflag:s0] =	ssyncadd.tile.s32 @!p0 $0x1;
	_ =	shalt  }
.Lfunc_end2:
_tile_overlayer_lowered:
.L_overlay_start_2:
0xc2: {  	(tag) =	ssettag $0x2  }
0xc3: {  	s0 =	rddreg [dreg:$0x0];
	s2 =	stileid.u32  }
0xc4: {  	s1 =	rddreg [dreg:$0x1];
	p0 =	sne.s32 s2, $0x0  }
0xc5: {  	s3 =	rddreg [dreg:$0x2];
	[bflag:$0x3] =	sbarrier.arrive $0xFFFF;
	s2 =	simm.s32 @!p0 $0x1C05  }
0xc6: {  	[timem:s3], [sflag:s2] =	dma.local @!p0 [hbm:s0], s1  }
0xc7: {  	s0 =	simm.s32 @!p0 $0x5  }
0xc8: {  	_ =	swait.ge @!p0 [sflag:s0], s1  }
0xc9: {  	s1 =	ssub.s32 @!p0 $0x0, s1;
	[sflag:s0] =	ssyncset.done @!p0 $0x0  }
0xca: {  	[sflag:s0] =	ssyncadd.s32 @!p0 s1  }
0xcb: {  	[bflag:$0x3] =	sbarrier.arrive $0xFFFF  }
0xcc: {  	_ =	shalt  }

// kernel: kernel.14.cloned.1.call-start
scs
__scs_entry_jumppad:
0x0: {  	(pc) =	sbr.rel $0x88, $3  }
0x1: {  	(tag) =	ssettag $0x0;
	lr =	simm.s32 $0x1  }
0x2: {  	[smem:$0x3F86] =	sst lr;
	_ =	strace $0xD0000000  }
0x3: {  	_ = 	snop  }
0x4: {  	_ = 	snop  }
0x5: {  	_ = 	snop  }
0x6: {  	_ = 	snop  }
0x7: {  	_ = 	snop  }
__scs_overlays_trampoline_lowered:
0x8: {  	[smem:$0x3F95] =	sst s0  }
0x9: {  	[smem:$0x3F96] =	sst s1  }
0xa: {  	[smem:$0x3F97] =	sst s2  }
0xb: {  	[smem:$0x3F98] =	sst s3  }
0xc: {  	[smem:$0x3F99] =	sst s4  }
0xd: {  	[smem:$0x3F9A] =	sst s5  }
0xe: {  	[smem:$0x3F9B] =	sst s6  }
0xf: {  	[smem:$0x3F9C] =	sst s7  }
0x10: {  	[smem:$0x3F9D] =	sst s8  }
0x11: {  	[smem:$0x3F9E] =	sst s9;
	s0 =	simm.s32 @!p0 $0x0  }
0x12: {  	s1 =	sld [smem:$0x3F84];
	s0 =	simm.s32 @p0 $0x1  }
0x13: {  	[smem:$0x3F9F] =	sst s0;
	s0 =	simm.s32 @!p1 $0x0  }
0x14: {  	s2 =	sld [smem:$0x3F83];
	s0 =	simm.s32 @p1 $0x1  }
0x15: {  	[smem:$0x3FA0] =	sst s0;
	s0 =	simm.s32 @!p2 $0x0  }
0x16: {  	s3 =	sld [smem:$0x3FDB];
	s0 =	simm.s32 @p2 $0x1  }
0x17: {  	s4 =	simm.s32 $0x1BF5;
	[smem:$0x3FA2] =	sst s0  }
0x18: {  	s0 =	sld [smem:$0x3F85];
	_ =	swait.ge [sflag:s4], $0x0  }
0x19: {  	s7 =	sld [smem:$0x3F86]  }
0x1a: {  	s8 =	sadd.s32 $0xFFFFE003, lr  }
0x1b: {  	s9 =	sadd.s32 $0xFFFFFEF7, lr;
	s5 =	simm.s32 $0xFFFFFFFF;
	p2 =	slt.u32 s8, $0xFFFFF086  }
0x1c: {  	p1 =	slt.u32 s9, $0xF7A;
	s5 =	simm.s32 @!p2 $0x0  }
0x1d: {  	s5 =	simm.s32 @p1 $0x1;
	p0 =	seq.s32 s7, s2  }
0x1e: {  	s7 =	smul.u32 @!p0 $0xF7A, s2;
	p2 =	seq.s32 @!p0 s5, $0x0  }
0x1f: {  	s9 =	smul.u32 $0xF7A, s1;
	s8 =	simm.s32 @!p0 $0x1BF5;
	p2 =	por !p2, p0  }
0x20: {  	[sflag:s8] =	ssyncset.s32 @!p0 $0xFFFFF086;
	s6 =	sadd.s32 @!p0 s3, s7;
	s7 =	simm.s32 @!p0 $0x108  }
0x21: {  	s3 =	sadd.s32 s3, s9;
	s6 =	sadd.s32 @!p0 $0x88, s6;
	s7 =	simm.s32 @p2 $0x1082  }
0x22: {  	[simem:s7], [sflag:s8] =	dma.local @!p0 [hbm:s6], $0xF7A  }
0x23: {  	s9 =	sor.u32 $0xD0000000, s2;
	s6 =	simm.s32 $0x108;
	_ =	swait.ge @!p0 [sflag:s8], $0x0  }
0x24: {  	s3 =	sadd.s32 $0x88, s3;
	s6 =	simm.s32 @!p1 $0x1082;
	[sflag:s4] =	ssyncset.s32 $0xFFFFF086  }
0x25: {  	[simem:s6], [sflag:s4] =	dma.local [hbm:s3], $0xF7A  }
0x26: {  	[smem:$0x3F86] =	sst s1;
	(tag) =	ssettag s2;
	_ =	strace s9  }
0x27: {  	s1 =	sld [smem:$0x3F96]  }
0x28: {  	s2 =	sld [smem:$0x3F97]  }
0x29: {  	s4 =	sld [smem:$0x3F99]  }
0x2a: {  	p0 =	seq.s32 s5, $0x0;
	s5 =	sld [smem:$0x3F9A]  }
0x2b: {  	s6 =	sld [smem:$0x3F9B]  }
0x2c: {  	s7 =	sld [smem:$0x3F9C]  }
0x2d: {  	s3 =	simm.s32 $0x108;
	s8 =	sld [smem:$0x3F9D]  }
0x2e: {  	s3 =	simm.s32 @!p0 $0x1082;
	s9 =	sld [smem:$0x3F9E]  }
0x2f: {  	lr =	sadd.s32 s0, s3;
	s0 =	sld [smem:$0x3F95]  }
0x30: {  	s3 =	sld [smem:$0x3F98]  }
0x31: {  	[smem:$0x3FA1] =	sst s10  }
0x32: {  	s10 =	sld [smem:$0x3F9F];
	_ =	sdelay $0x3  }
0x33: {  	p0 =	seq.s32 s10, $0x1;
	s10 =	sld [smem:$0x3FA1];
	_ =	sdelay $0x3  }
0x34: {  	[smem:$0x3FA1] =	sst s10  }
0x35: {  	s10 =	sld [smem:$0x3FA0];
	_ =	sdelay $0x3  }
0x36: {  	p1 =	seq.s32 s10, $0x1;
	s10 =	sld [smem:$0x3FA1];
	_ =	sdelay $0x3  }
0x37: {  	[smem:$0x3FA1] =	sst s10  }
0x38: {  	s10 =	sld [smem:$0x3FA2]  }
0x39: {  	_ = 	snop;
	(pc) =	sbr.ind lr, $3  }
0x3a: {  	_ = 	snop  }
0x3b: {  	_ = 	snop  }
0x3c: {  	p2 =	seq.s32 s10, $0x1;
	s10 =	sld [smem:$0x3FA1]  }
0x3d: {  	_ =	shalt  }
0x3e: {  	_ =	shalt  }
0x3f: {  	_ =	shalt  }
0x40: {  	_ =	shalt  }
0x41: {  	_ =	shalt  }
0x42: {  	_ =	shalt  }
0x43: {  	_ =	shalt  }
0x44: {  	_ =	shalt  }
0x45: {  	_ =	shalt  }
0x46: {  	_ =	shalt  }
0x47: {  	_ =	shalt  }
0x48: {  	_ =	shalt  }
0x49: {  	_ =	shalt  }
0x4a: {  	_ =	shalt  }
0x4b: {  	_ =	shalt  }
0x4c: {  	_ =	shalt  }
0x4d: {  	_ =	shalt  }
0x4e: {  	_ =	shalt  }
0x4f: {  	_ =	shalt  }
0x50: {  	_ =	shalt  }
0x51: {  	_ =	shalt  }
0x52: {  	_ =	shalt  }
0x53: {  	_ =	shalt  }
0x54: {  	_ =	shalt  }
0x55: {  	_ =	shalt  }
0x56: {  	_ =	shalt  }
0x57: {  	_ =	shalt  }
0x58: {  	_ =	shalt  }
0x59: {  	_ =	shalt  }
0x5a: {  	_ =	shalt  }
0x5b: {  	_ =	shalt  }
0x5c: {  	_ =	shalt  }
0x5d: {  	_ =	shalt  }
0x5e: {  	_ =	shalt  }
0x5f: {  	_ =	shalt  }
0x60: {  	_ =	shalt  }
0x61: {  	_ =	shalt  }
0x62: {  	_ =	shalt  }
0x63: {  	_ =	shalt  }
0x64: {  	_ =	shalt  }
0x65: {  	_ =	shalt  }
0x66: {  	_ =	shalt  }
0x67: {  	_ =	shalt  }
0x68: {  	_ =	shalt  }
0x69: {  	_ =	shalt  }
0x6a: {  	_ =	shalt  }
0x6b: {  	_ =	shalt  }
0x6c: {  	_ =	shalt  }
0x6d: {  	_ =	shalt  }
0x6e: {  	_ =	shalt  }
0x6f: {  	_ =	shalt  }
0x70: {  	_ =	shalt  }
0x71: {  	_ =	shalt  }
0x72: {  	_ =	shalt  }
0x73: {  	_ =	shalt  }
0x74: {  	_ =	shalt  }
0x75: {  	_ =	shalt  }
0x76: {  	_ =	shalt  }
0x77: {  	_ =	shalt  }
0x78: {  	_ =	shalt  }
0x79: {  	_ =	shalt  }
0x7a: {  	_ =	shalt  }
0x7b: {  	_ =	shalt  }
0x7c: {  	_ =	shalt  }
0x7d: {  	_ =	shalt  }
0x7e: {  	_ =	shalt  }
0x7f: {  	_ =	shalt  }
0x80: {  	_ =	shalt  }
0x81: {  	_ =	shalt  }
0x82: {  	_ =	shalt  }
0x83: {  	_ =	shalt  }
0x84: {  	_ =	shalt  }
0x85: {  	_ =	shalt  }
0x86: {  	_ =	shalt  }
0x87: {  	_ =	shalt  }
.Lfunc_end0:
.L_simem_size_0:
called_computation.1_lowered:
.L_overlay_start_0:
0x88: {  	s2 =	sld [smem:$0x3FD9]  }
0x89: {  	s3 =	sld [smem:$0x3FFE];
	_ =	sdelay $0x1  }
0x8a: {  	s1 =	srdreg.scid  }
0x8b: {  	s0 =	sand.u32 $0x1, s1  }
0x8c: {  	s16 =	sshll.u32 s0, $0xA;
	s2 =	sadd.s32 s3, s2  }
0x8d: {  	s2 =	sadd.s32 s2, s16  }
0x8e: {  	[smem:$0x3FAD] =	sst s2  }
0x8f: {  	_ = 	snop  }
0x90: {  	(tm) =	ssettm $0x1  }
0x91: {  	s17 =	sld [smem:$0x3FFB];
	_ =	sdelay $0x3  }
0x92: {  	_ =	strace s17  }
0x93: {  	s2 =	sld [smem:$0x3FFC];
	_ =	sdelay $0x3  }
0x94: {  	_ =	strace s2  }
0x95: {  	s2 =	sld [smem:$0x3FFD];
	_ =	sdelay $0x3  }
0x96: {  	_ =	strace s2  }
0x97: {  	_ =	strace $0x8FFFFFFF  }
0x98: {  	s18 =	sld [smem:$0x3FDB];
	_ =	sdelay $0x1  }
0x99: {  	s19 =	simm.s32 $_scs_section_size  }
0x9a: {  	s4 =	simm.s32 $_size__tile_overlayer_lowered;
	s5 =	simm.s32 $_tile_overlayer_lowered  }
0x9b: {  	s22 =	simm.s32 $0x1BFF;
	s21 =	sshll.u32 s5, $0x1;
	s2 =	sadd.s32 s19, s18  }
0x9c: {  	s6 =	simm.s32 $0x0;
	s20 =	sshll.u32 s4, $0x1;
	s4 =	sadd.s32 s21, s2  }
0x9d: {  	[timem:s6], [sflag:s22] =	dma.local [hbm:s4], s20  }
0x9e: {  	_ =	swait.ge [sflag:s22], s20  }
0x9f: {  	s3 =	ssub.s32 $0x0, s20;
	[sflag:s22] =	ssyncset.done $0x0  }
0xa0: {  	[sflag:s22] =	ssyncadd.s32 s3;
	_ =	sdelay $0x1  }
0xa1: {  	s23 =	simm.s32 $0x1B8B  }
0xa2: {  	_ =	swait.ge [sflag:s23], $0x1  }
0xa3: {  	[sflag:s23] =	ssyncset.done $0x0  }
0xa4: {  	s25 =	simm.s32 $0x1B8E;
	s24 =	sld [smem:$0x3FFE];
	[sflag:s23] =	ssyncadd.s32 $0xFFFFFFFF  }
0xa5: {  	s26 =	simm.s32 $execute0_lowered;
	[smem:$0x3FD2] =	sst s25  }
0xa6: {  	s4 =	sshll.u32 s26, $0x1;
	_ =	strace $0x80000049;
	[dreg:$0x1] =	wrdreg $0xFFFFFFFF  }
0xa7: {  	s28 =	simm.s32 $_size_execute0_lowered;
	s2 =	sadd.s32 s2, s4;
	[dreg:$0x0] =	wrdreg $0x0  }
0xa8: {  	s4 =	sshll.u32 s28, $0x1;
	[dreg:$0x2] =	wrdreg s2  }
0xa9: {  	[dreg:$0x3] =	wrdreg s4  }
0xaa: {  	[dreg:$0x4] =	wrdreg $0xC0  }
0xab: {  	_ =	task [dreg:s6], $0x5FFFF  }
0xac: {  	[dreg:$0x1] =	wrdreg $0xFFFFFFFF  }
0xad: {  	[dreg:$0x0] =	wrdreg $0x60  }
0xae: {  	[dreg:$0x2] =	wrdreg s24  }
0xaf: {  	[dreg:$0x3] =	wrdreg $0x0  }
0xb0: {  	[dreg:$0x4] =	wrdreg $0x9  }
0xb1: {  	_ =	task.clear_ibuf [dreg:s6], $0x5FFFF;
	_ =	strace $0x90000049  }
0xb2: {  	s29 =	simm.s32 $0x9;
	_ =	strace $0x8000004B  }
0xb3: {  	_ =	swait.ge [sflag:s29], $0x1  }
0xb4: {  	[sflag:s29] =	ssyncadd.s32 $0xFFFFFFFF  }
0xb5: {  	_ =	strace $0x9000004B  }
0xb6: {  	_ =	sfence  }
0xb7: {  	s30 =	sld [smem:$0x0];
	_ =	sdelay $0x2  }
0xb8: {  	s31 =	sshll.u32 s1, $0xD;
	s1 =	sshrl.u32 s1, $0x2  }
0xb9: {  	s3 =	sand.u32 $0x4000, s31;
	s1 =	sadd.s32 s1, s30  }
0xba: {  	s0 =	sor.u32 s3, s0;
	s1 =	sshll.u32 s1, $0x11  }
0xbb: {  	s0 =	sor.u32 s1, s0  }
0xbc: {  	s0 =	sadd.s32 $0x8F2B, s0  }
0xbd: {  	[sflag:s0] =	ssyncadd.remote.s32 $0x1  }
0xbe: {  	_ =	sfence.sel $0xFFFF  }
0xbf: {  	[dreg:$0x0] =	wrdreg $0xFFFFFFFF;
	(pc) =	sbr.abs _section_cstart, $3  }
0xc0: {  	[dreg:$0x1] =	wrdreg $0xFFFFFFFF  }
0xc1: {  	_ =	task.clear_ibuf [dreg:s6], $0x2FFFF;
	_ =	strace $0x9FFFFFFF  }
0xc2: {  	(tm) =	ssettm $0x7FFFFFFF  }
0xc3: {  	_ =	shalt  }
tec
execute0_lowered:
.L_overlay_start_1:
0x0: {  	(tag) =	ssettag $0x1  }
0x1: {  	s0 =	srdreg.scid  }
0x2: {  	s13 =	stileid.u32;
	s1 =	rddreg [dreg:$0x0]  }
0x3: {  	s2 =	rddreg [dreg:$0x1];
	s6 =	smul.u32 $0x4E200, s13  }
0x4: {  	s28 =	simm.s32 $0x5;
	s29 =	simm.s32 $0x1;
	s18 =	smul.u32 $0x13800, s13  }
0x5: {  	s30 =	simm.s32 $0x16000;
	s31 =	simm.s32 $0x16080;
	s20 =	smul.u32 $0x4E000, s13  }
0x6: {  	s0 =	sand.u32 $0x1, s0;
	s3 =	sshll.u32 s13, $0x1;
	s21 =	smul.u32 $0x4E20, s13  }
0x7: {  	s5 =	sadd.s32 $0x4C00, s1;
	s4 =	sor.u32 s0, s3;
	s15 =	smul.u32 $0x138800, s0  }
0x8: {  	s3 =	simm.s32 $0x0;
	s9 =	ssub.s32 $0x2, s0;
	s0 =	smul.u32 $0x2710, s0  }
0x9: {  	p0 =	sne.s32 s13, $0xF;
	s4 =	smul.u32 $0x2710, s4;
	[smem:$0x7FF] =	sst s3  }
0xa: {  	s10 =	sshrl.u32 s9, $0x1;
	s6 =	sshrl.u32 s6, $0x2;
	s25 =	sshrl.u32 s20, $0x2  }
0xb: {  	_ =	strace $0x8000004A;
	s9 =	ssub.s32 s9, s10;
	s6 =	sadd.s32 s6, s2  }
0xc: {  	s10 =	sadd.s32 s18, s15;
	s0 =	sadd.s32 s0, s21;
	s14 =	sadd.s32 $0x2800, s6  }
0xd: {  	s7 =	sshrl.u32 s4, $0x3;
	s16 =	sadd.s32 $0x5000, s6;
	[dreg:$0x4] =	wrdreg s14  }
0xe: {  	s4 =	sadd.s32 $0x18800, s1;
	s17 =	sadd.s32 $0x7800, s6;
	[dreg:$0x5] =	wrdreg s16  }
0xf: {  	s11 =	sadd.s32 $0xA000, s6;
	s19 =	sadd.s32 $0xC800, s6;
	[dreg:$0x6] =	wrdreg s17  }
0x10: {  	s12 =	sadd.s32 $0xF000, s6;
	s22 =	sshrl.u32 s10, $0x3;
	[dreg:$0x7] =	wrdreg s11  }
0x11: {  	s23 =	sadd.s32 $0x11800, s6;
	s26 =	sadd.s32 $0xF0, s0;
	[dreg:$0x8] =	wrdreg s19  }
0x12: {  	s10 =	simm.s32 $0x0;
	s8 =	sadd.s32 s7, s1;
	[dreg:$0x9] =	wrdreg s12  }
0x13: {  	s1 =	sadd.s32 $0x3FA00, s1;
	s14 =	sadd.s32 s5, s7;
	[dreg:$0xa] =	wrdreg s23  }
0x14: {  	s7 =	sadd.s32 s25, s2;
	s19 =	smax.u32 s9, $0x1;
	s23 =	simm.s32 $0x13880  }
0x15: {  	s9 =	simm.s32 $0x2;
	s8 =	sadd.s32 $0xEA00, s8;
	s24 =	sadd.s32 $0xA, s14  }
0x16: {  	s17 =	sadd.s32 s1, s22;
	s20 =	sadd.s32 $0x4D8, s14;
	[dreg:$0x3] =	wrdreg s8  }
0x17: {  	s22 =	sadd.s32 $0xA0, s0;
	s0 =	simm.s32 $0x18900;
	[dreg:$0xb] =	wrdreg s24  }
0x18: {  	s8 =	sshrl.u32 s15, $0x3;
	s24 =	sshrl.u32 s7, $0x3;
	s7 =	simm.s32 $0x3  }
0x19: {  	s1 =	sadd.s32 s1, s8;
	s8 =	sshrl.u32 s26, $0x3;
	s26 =	simm.s32 $0x16100  }
0x1a: {  	s18 =	sadd.s32 $0x27000, s1;
	s1 =	sadd.s32 $0x138000, s2;
	s21 =	sadd.s32 s8, s5  }
0x1b: {  	v0 =	vimm.f32 $0.0e+00;
	s8 =	simm.s32 $0x4;
	s25 =	sshrl.u32 @!p0 s1, $0x3;
	s1 =	simm.s32 $0x50  }
.LBB2_1:
0x1c: {  	s11 =	rddreg [dreg:$0x3]  }
0x1d: {  	[tilespmem:s23], [sflag:$0x1] =	stream.linear.gather [hbm4b:s11+s3], $0x2710, $0x38;
	[tilespmem:$0x1B100] =	vst v63  }
0x1e: {  	s12 =	simm.s32 $0x200;
	s11 =	simm.s32 $0x0  }
.LBB2_2:
0x1f: {  	p1 =	sne.s32 s12, $0x9E00;
	[tilespmem:s11+$0x16170] =	vst v0  }
0x20: {  	[tilespmem:s11+$0x16100] =	vst v0  }
0x21: {  	[tilespmem:s11+$0x16110] =	vst v0  }
.Ltmp0:
0x22: {  	[tilespmem:s11+$0x16120] =	vst v0;
	(pc) =	sbr.rel @p1 .LBB2_2-.Ltmp0, $4  }
0x23: {  	[tilespmem:s11+$0x16130] =	vst v0  }
0x24: {  	[tilespmem:s11+$0x16140] =	vst v0  }
0x25: {  	[tilespmem:s11+$0x16150] =	vst v0  }
0x26: {  	[tilespmem:s11+$0x16160] =	vst v0;
	s11 =	sshra.s32 s12, $0x2;
	s12 =	sadd.s32 $0x200, s12  }
0x27: {  	[tilespmem:s11+$0x16170] =	vst v0  }
0x28: {  	[tilespmem:s11+$0x16100] =	vst v0  }
0x29: {  	[tilespmem:s11+$0x16110] =	vst v0  }
0x2a: {  	[tilespmem:s11+$0x16120] =	vst v0  }
0x2b: {  	[tilespmem:s11+$0x16130] =	vst v0  }
0x2c: {  	[tilespmem:s11+$0x16140] =	vst v0  }
0x2d: {  	[tilespmem:s11+$0x16150] =	vst v0  }
0x2e: {  	[tilespmem:s11+$0x16160] =	vst v0  }
0x2f: {  	[spmem:s6] =	stream.linear.scatter [tilespmem:s26], [sflag:$0x5], $0x2800, $0x38;
	[tilespmem:$0x1B100] =	vst v63  }
0x30: {  	_ =	swait.ge [sflag:s28], $0x2800  }
0x31: {  	[sflag:s28] =	ssyncset.done $0x0  }
0x32: {  	s12 =	rddreg [dreg:$0x4];
	[sflag:s28] =	ssyncadd.s32 $0xFFFFD800  }
0x33: {  	[spmem:s12] =	stream.linear.scatter [tilespmem:s26], [sflag:$0x5], $0x2800, $0x38;
	[tilespmem:$0x1B100] =	vst v63  }
0x34: {  	_ =	swait.ge [sflag:s28], $0x2800  }
0x35: {  	[sflag:s28] =	ssyncset.done $0x0  }
0x36: {  	s13 =	rddreg [dreg:$0x5];
	[sflag:s28] =	ssyncadd.s32 $0xFFFFD800  }
0x37: {  	[spmem:s13] =	stream.linear.scatter [tilespmem:s26], [sflag:$0x5], $0x2800, $0x38;
	[tilespmem:$0x1B100] =	vst v63  }
0x38: {  	_ =	swait.ge [sflag:s28], $0x2800  }
0x39: {  	[sflag:s28] =	ssyncset.done $0x0  }
0x3a: {  	s15 =	rddreg [dreg:$0x6];
	[sflag:s28] =	ssyncadd.s32 $0xFFFFD800  }
0x3b: {  	[spmem:s15] =	stream.linear.scatter [tilespmem:s26], [sflag:$0x5], $0x2800, $0x38;
	[tilespmem:$0x1B100] =	vst v63  }
0x3c: {  	_ =	swait.ge [sflag:s28], $0x2800  }
0x3d: {  	[sflag:s28] =	ssyncset.done $0x0  }
0x3e: {  	s16 =	rddreg [dreg:$0x7];
	[sflag:s28] =	ssyncadd.s32 $0xFFFFD800  }
0x3f: {  	[spmem:s16] =	stream.linear.scatter [tilespmem:s26], [sflag:$0x5], $0x2800, $0x38;
	[tilespmem:$0x1B100] =	vst v63  }
0x40: {  	_ =	swait.ge [sflag:s28], $0x2800  }
0x41: {  	[sflag:s28] =	ssyncset.done $0x0  }
0x42: {  	s12 =	rddreg [dreg:$0x8];
	[sflag:s28] =	ssyncadd.s32 $0xFFFFD800  }
0x43: {  	[spmem:s12] =	stream.linear.scatter [tilespmem:s26], [sflag:$0x5], $0x2800, $0x38;
	[tilespmem:$0x1B100] =	vst v63  }
0x44: {  	_ =	swait.ge [sflag:s28], $0x2800  }
0x45: {  	[sflag:s28] =	ssyncset.done $0x0  }
0x46: {  	s13 =	rddreg [dreg:$0x9];
	[sflag:s28] =	ssyncadd.s32 $0xFFFFD800  }
0x47: {  	[spmem:s13] =	stream.linear.scatter [tilespmem:s26], [sflag:$0x5], $0x2800, $0x38;
	[tilespmem:$0x1B100] =	vst v63  }
0x48: {  	_ =	swait.ge [sflag:s28], $0x2800  }
0x49: {  	[sflag:s28] =	ssyncset.done $0x0  }
0x4a: {  	s15 =	rddreg [dreg:$0xa];
	[sflag:s28] =	ssyncadd.s32 $0xFFFFD800  }
0x4b: {  	[spmem:s15] =	stream.linear.scatter [tilespmem:s26], [sflag:$0x5], $0x2080, $0x38;
	[tilespmem:$0x1B100] =	vst v63  }
0x4c: {  	_ =	swait.ge [sflag:s28], $0x2080  }
0x4d: {  	[sflag:s28] =	ssyncset.done $0x0  }
0x4e: {  	[sflag:s28] =	ssyncadd.s32 $0xFFFFDF80  }
0x4f: {  	_ =	swait.ge [sflag:s29], $0x2710  }
0x50: {  	[sflag:s29] =	ssyncset.done $0x0  }
0x51: {  	[sflag:s29] =	ssyncadd.s32 $0xFFFFD8F0  }
0x52: {  	s16 =	simm.s32 $0x0;
	[bflag:$0x0] =	sbarrier.arrive $0xFFFF  }
0x53: {  	[tilespmem:s30], [sflag:$0x1] =	stream.linear.gather [hbm4b:s14+s16], $0x50, $0x38;
	[tilespmem:$0x1B100] =	vst v63  }
0x54: {  	s12 =	rddreg [dreg:$0xb]  }
0x55: {  	[tilespmem:s31], [sflag:$0x2] =	stream.linear.gather [hbm4b:s12+s16], $0x50, $0x38;
	[tilespmem:$0x1B100] =	vst v63  }
0x56: {  	_ = 	snop  }
0x57: {  	[tilespmem:s26], [sflag:$0x3] =	stream.indirect.gather [hbm4b:s4+s1], $0x80, s23, s1, $0xb8;
	[tilespmem:$0x1B100] =	vst v63  }
0x58: {  	s13 =	simm.s32 $0x138D0  }
0x59: {  	[tilespmem:s0], [sflag:$0x4] =	stream.indirect.gather [hbm4b:s4+s1], $0x80, s13, s1, $0xb8;
	[tilespmem:$0x1B100] =	vst v63  }
0x5a: {  	_ =	swait.ge [sflag:s7], $0x2800  }
0x5b: {  	[sflag:s7] =	ssyncset.done $0x0  }
0x5c: {  	[sflag:s7] =	ssyncadd.s32 $0xFFFFD800  }
0x5d: {  	_ =	swait.ge [sflag:s29], $0x50  }
0x5e: {  	[sflag:s29] =	ssyncset.done $0x0  }
0x5f: {  	[sflag:s29] =	ssyncadd.s32 $0xFFFFFFB0  }
0x60: {  	[spmem:s2] =	stream.indirect.scatter.add.f32 [tilespmem:s26], [sflag:$0x5], $0x80, s30, s1, $0xb8;
	[tilespmem:$0x1B100] =	vst v63  }
0x61: {  	_ =	swait.ge [sflag:s28], $0x2800  }
0x62: {  	s15 =	sshrl.u32 s22, $0x3;
	[sflag:s28] =	ssyncset.done $0x0  }
0x63: {  	s11 =	sadd.s32 s5, s15;
	[sflag:s28] =	ssyncadd.s32 $0xFFFFD800  }
0x64: {  	[tilespmem:s30], [sflag:$0x1] =	stream.linear.gather [hbm4b:s11+s3], $0x50, $0x38;
	[tilespmem:$0x1B100] =	vst v63  }
0x65: {  	s16 =	simm.s32 $0x13920  }
0x66: {  	[tilespmem:s26], [sflag:$0x3] =	stream.indirect.gather [hbm4b:s4+s1], $0x80, s16, s1, $0xb8;
	[tilespmem:$0x1B100] =	vst v63  }
0x67: {  	_ =	swait.ge [sflag:s8], $0x2800  }
0x68: {  	[sflag:s8] =	ssyncset.done $0x0  }
0x69: {  	[sflag:s8] =	ssyncadd.s32 $0xFFFFD800  }
0x6a: {  	_ =	swait.ge [sflag:s9], $0x50  }
0x6b: {  	[sflag:s9] =	ssyncset.done $0x0  }
0x6c: {  	[sflag:s9] =	ssyncadd.s32 $0xFFFFFFB0  }
0x6d: {  	[spmem:s2] =	stream.indirect.scatter.add.f32 [tilespmem:s0], [sflag:$0x5], $0x80, s31, s1, $0xb8;
	[tilespmem:$0x1B100] =	vst v63  }
0x6e: {  	_ =	swait.ge [sflag:s28], $0x2800  }
0x6f: {  	s15 =	sadd.s32 $0x0, s21;
	s12 =	simm.s32 $0x139C0;
	[sflag:s28] =	ssyncset.done $0x0  }
0x70: {  	s13 =	sadd.s32 $0xA0, s22;
	s11 =	simm.s32 $0x14;
	[sflag:s28] =	ssyncadd.s32 $0xFFFFD800  }
.LBB2_4:
0x71: {  	[tilespmem:s31], [sflag:$0x2] =	stream.linear.gather [hbm4b:s15+s3], $0x50, $0x38;
	[tilespmem:$0x1B100] =	vst v63  }
0x72: {  	s15 =	smov.u32 s11  }
0x73: {  	s16 =	sadd.s32 $0xFFFFFFB0, s12;
	p1 =	sne.s32 s11, $0x4B0;
	s11 =	sadd.s32 $0x14, s11  }
0x74: {  	[tilespmem:s0], [sflag:$0x4] =	stream.indirect.gather [hbm4b:s4+s1], $0x80, s16, s1, $0xb8;
	[tilespmem:$0x1B100] =	vst v63  }
0x75: {  	_ =	swait.ge [sflag:s7], $0x2800  }
0x76: {  	[sflag:s7] =	ssyncset.done $0x0  }
0x77: {  	[sflag:s7] =	ssyncadd.s32 $0xFFFFD800  }
0x78: {  	_ =	swait.ge [sflag:s29], $0x50  }
0x79: {  	[sflag:s29] =	ssyncset.done $0x0  }
0x7a: {  	[sflag:s29] =	ssyncadd.s32 $0xFFFFFFB0  }
0x7b: {  	[spmem:s2] =	stream.indirect.scatter.add.f32 [tilespmem:s26], [sflag:$0x5], $0x80, s30, s1, $0xb8;
	[tilespmem:$0x1B100] =	vst v63  }
0x7c: {  	_ =	swait.ge [sflag:s28], $0x2800  }
0x7d: {  	s16 =	sshrl.u32 s13, $0x3;
	[sflag:s28] =	ssyncset.done $0x0  }
0x7e: {  	s16 =	sadd.s32 s5, s16;
	[sflag:s28] =	ssyncadd.s32 $0xFFFFD800  }
0x7f: {  	[tilespmem:s30], [sflag:$0x1] =	stream.linear.gather [hbm4b:s16+s3], $0x50, $0x38;
	[tilespmem:$0x1B100] =	vst v63  }
0x80: {  	_ = 	snop  }
0x81: {  	[tilespmem:s26], [sflag:$0x3] =	stream.indirect.gather [hbm4b:s4+s1], $0x80, s12, s1, $0xb8;
	[tilespmem:$0x1B100] =	vst v63  }
0x82: {  	_ =	swait.ge [sflag:s8], $0x2800  }
0x83: {  	[sflag:s8] =	ssyncset.done $0x0  }
0x84: {  	[sflag:s8] =	ssyncadd.s32 $0xFFFFD800  }
0x85: {  	_ =	swait.ge [sflag:s9], $0x50  }
0x86: {  	[sflag:s9] =	ssyncset.done $0x0  }
.Ltmp1:
0x87: {  	[sflag:s9] =	ssyncadd.s32 $0xFFFFFFB0;
	(pc) =	sbr.rel @p1 .LBB2_4-.Ltmp1, $4  }
0x88: {  	[spmem:s2] =	stream.indirect.scatter.add.f32 [tilespmem:s0], [sflag:$0x5], $0x80, s31, s1, $0xb8;
	[tilespmem:$0x1B100] =	vst v63  }
0x89: {  	_ =	swait.ge [sflag:s28], $0x2800  }
0x8a: {  	s12 =	sadd.s32 $0xA0, s12;
	[sflag:s28] =	ssyncset.done $0x0  }
0x8b: {  	s15 =	sadd.s32 s15, s21;
	s13 =	sadd.s32 $0xA0, s13;
	[sflag:s28] =	ssyncadd.s32 $0xFFFFD800  }
0x8c: {  	[tilespmem:s31], [sflag:$0x2] =	stream.linear.gather [hbm4b:s15+s3], $0x50, $0x38;
	[tilespmem:$0x1B100] =	vst v63  }
0x8d: {  	s11 =	simm.s32 $0x15EF0  }
0x8e: {  	[tilespmem:s0], [sflag:$0x4] =	stream.indirect.gather [hbm4b:s4+s1], $0x80, s11, s1, $0xb8;
	[tilespmem:$0x1B100] =	vst v63  }
0x8f: {  	_ =	swait.ge [sflag:s7], $0x2800  }
0x90: {  	[sflag:s7] =	ssyncset.done $0x0  }
0x91: {  	[sflag:s7] =	ssyncadd.s32 $0xFFFFD800  }
0x92: {  	_ =	swait.ge [sflag:s29], $0x50  }
0x93: {  	[sflag:s29] =	ssyncset.done $0x0  }
0x94: {  	[sflag:s29] =	ssyncadd.s32 $0xFFFFFFB0  }
0x95: {  	[spmem:s2] =	stream.indirect.scatter.add.f32 [tilespmem:s26], [sflag:$0x5], $0x80, s30, s1, $0xb8;
	[tilespmem:$0x1B100] =	vst v63  }
0x96: {  	_ =	swait.ge [sflag:s28], $0x2800  }
0x97: {  	[sflag:s28] =	ssyncset.done $0x0  }
0x98: {  	[sflag:s28] =	ssyncadd.s32 $0xFFFFD800  }
0x99: {  	[tilespmem:s30], [sflag:$0x1] =	stream.linear.gather [hbm4b:s20+s3], $0x50, $0x38;
	[tilespmem:$0x1B100] =	vst v63  }
0x9a: {  	s15 =	simm.s32 $0x15F40  }
0x9b: {  	[tilespmem:s26], [sflag:$0x3] =	stream.indirect.gather [hbm4b:s4+s1], $0x80, s15, s1, $0xb8;
	[tilespmem:$0x1B100] =	vst v63  }
0x9c: {  	_ =	swait.ge [sflag:s8], $0x2800  }
0x9d: {  	[sflag:s8] =	ssyncset.done $0x0  }
0x9e: {  	[sflag:s8] =	ssyncadd.s32 $0xFFFFD800  }
0x9f: {  	_ =	swait.ge [sflag:s9], $0x50  }
0xa0: {  	[sflag:s9] =	ssyncset.done $0x0  }
0xa1: {  	[sflag:s9] =	ssyncadd.s32 $0xFFFFFFB0  }
0xa2: {  	[spmem:s2] =	stream.indirect.scatter.add.f32 [tilespmem:s0], [sflag:$0x5], $0x80, s31, s1, $0xb8;
	[tilespmem:$0x1B100] =	vst v63  }
0xa3: {  	_ =	swait.ge [sflag:s28], $0x2800  }
0xa4: {  	[sflag:s28] =	ssyncset.done $0x0  }
0xa5: {  	[sflag:s28] =	ssyncadd.s32 $0xFFFFD800  }
0xa6: {  	_ =	swait.ge [sflag:s7], $0x2800  }
0xa7: {  	[sflag:s7] =	ssyncset.done $0x0  }
0xa8: {  	[sflag:s7] =	ssyncadd.s32 $0xFFFFD800  }
0xa9: {  	_ =	swait.ge [sflag:s29], $0x50  }
0xaa: {  	[sflag:s29] =	ssyncset.done $0x0  }
0xab: {  	[sflag:s29] =	ssyncadd.s32 $0xFFFFFFB0  }
0xac: {  	[spmem:s2] =	stream.indirect.scatter.add.f32 [tilespmem:s26], [sflag:$0x5], $0x80, s30, s1, $0xb8;
	[tilespmem:$0x1B100] =	vst v63  }
0xad: {  	_ =	swait.ge [sflag:s28], $0x2800  }
0xae: {  	s16 =	stileid.u32;
	[sflag:s28] =	ssyncset.done $0x0  }
0xaf: {  	s11 =	sshll.u32 s16, $0x6;
	[sflag:s28] =	ssyncadd.s32 $0xFFFFD800  }
0xb0: {  	s11 =	sor.u32 $0x1C05, s11;
	[bflag:$0x0] =	sbarrier.arrive $0xFFFF  }
0xb1: {  	[hbm:s17], [sflag:s11] =	dma.local [spmem:s24], $0x2700  }
0xb2: {  	_ =	swait.ge [sflag:s28], $0x2700  }
0xb3: {  	s10 =	sadd.s32 $0x1, s10;
	[sflag:s28] =	ssyncset.done $0x0  }
0xb4: {  	p1 =	sne.s32 s10, s19;
	[sflag:s28] =	ssyncadd.s32 $0xFFFFD900  }
0xb5: {  	[hbm:s18], [sflag:s11] =	dma.local @!p0 [spmem:s25], $0x100  }
.Ltmp2:
0xb6: {  	_ = 	snop;
	(pc) =	sbr.rel @p1 .LBB2_1-.Ltmp2, $4  }
0xb7: {  	s11 =	simm.s32 @!p0 $0x5  }
0xb8: {  	_ =	swait.ge @!p0 [sflag:s11], $0x100  }
0xb9: {  	[sflag:s11] =	ssyncset.done @!p0 $0x0  }
0xba: {  	[sflag:s11] =	ssyncadd.s32 @!p0 $0xFFFFFF00  }
0xbb: {  	_ =	sfence.sel $0x180000  }
0xbc: {  	[bflag:$0x0] =	sbarrier.arrive $0xFFFF  }
0xbd: {  	_ =	strace $0x9000004A  }
0xbe: {  	s0 =	stileid.u32;
	[bflag:$0x2] =	sbarrier.arrive $0xFFFF  }
0xbf: {  	p0 =	sne.s32 s0, $0x0;
	s0 =	rddreg [dreg:$0x2]  }
0xc0: {  	s0 =	sadd.s32 @!p0 $0x100000, s0  }
0xc1: {  	[sflag:s0] =	ssyncadd.tile.s32 @!p0 $0x1;
	_ =	shalt  }
.Lfunc_end2:
_tile_overlayer_lowered:
.L_overlay_start_2:
0xc2: {  	(tag) =	ssettag $0x2  }
0xc3: {  	s0 =	rddreg [dreg:$0x0];
	s2 =	stileid.u32  }
0xc4: {  	s1 =	rddreg [dreg:$0x1];
	p0 =	sne.s32 s2, $0x0  }
0xc5: {  	s3 =	rddreg [dreg:$0x2];
	[bflag:$0x3] =	sbarrier.arrive $0xFFFF;
	s2 =	simm.s32 @!p0 $0x1C05  }
0xc6: {  	[timem:s3], [sflag:s2] =	dma.local @!p0 [hbm:s0], s1  }
0xc7: {  	s0 =	simm.s32 @!p0 $0x5  }
0xc8: {  	_ =	swait.ge @!p0 [sflag:s0], s1  }
0xc9: {  	s1 =	ssub.s32 @!p0 $0x0, s1;
	[sflag:s0] =	ssyncset.done @!p0 $0x0  }
0xca: {  	[sflag:s0] =	ssyncadd.s32 @!p0 s1  }
0xcb: {  	[bflag:$0x3] =	sbarrier.arrive $0xFFFF  }
0xcc: {  	_ =	shalt  }

// kernel: kernel.17.cloned.1.call-start
scs
__scs_entry_jumppad:
0x0: {  	(pc) =	sbr.rel $0x88, $3  }
0x1: {  	(tag) =	ssettag $0x0;
	lr =	simm.s32 $0x1  }
0x2: {  	[smem:$0x3F86] =	sst lr;
	_ =	strace $0xD0000000  }
0x3: {  	_ = 	snop  }
0x4: {  	_ = 	snop  }
0x5: {  	_ = 	snop  }
0x6: {  	_ = 	snop  }
0x7: {  	_ = 	snop  }
__scs_overlays_trampoline_lowered:
0x8: {  	[smem:$0x3F95] =	sst s0  }
0x9: {  	[smem:$0x3F96] =	sst s1  }
0xa: {  	[smem:$0x3F97] =	sst s2  }
0xb: {  	[smem:$0x3F98] =	sst s3  }
0xc: {  	[smem:$0x3F99] =	sst s4  }
0xd: {  	[smem:$0x3F9A] =	sst s5  }
0xe: {  	[smem:$0x3F9B] =	sst s6  }
0xf: {  	[smem:$0x3F9C] =	sst s7  }
0x10: {  	[smem:$0x3F9D] =	sst s8  }
0x11: {  	[smem:$0x3F9E] =	sst s9;
	s0 =	simm.s32 @!p0 $0x0  }
0x12: {  	s1 =	sld [smem:$0x3F84];
	s0 =	simm.s32 @p0 $0x1  }
0x13: {  	[smem:$0x3F9F] =	sst s0;
	s0 =	simm.s32 @!p1 $0x0  }
0x14: {  	s2 =	sld [smem:$0x3F83];
	s0 =	simm.s32 @p1 $0x1  }
0x15: {  	[smem:$0x3FA0] =	sst s0;
	s0 =	simm.s32 @!p2 $0x0  }
0x16: {  	s3 =	sld [smem:$0x3FDB];
	s0 =	simm.s32 @p2 $0x1  }
0x17: {  	s4 =	simm.s32 $0x1BF5;
	[smem:$0x3FA2] =	sst s0  }
0x18: {  	s0 =	sld [smem:$0x3F85];
	_ =	swait.ge [sflag:s4], $0x0  }
0x19: {  	s7 =	sld [smem:$0x3F86]  }
0x1a: {  	s8 =	sadd.s32 $0xFFFFE003, lr  }
0x1b: {  	s9 =	sadd.s32 $0xFFFFFEF7, lr;
	s5 =	simm.s32 $0xFFFFFFFF;
	p2 =	slt.u32 s8, $0xFFFFF086  }
0x1c: {  	p1 =	slt.u32 s9, $0xF7A;
	s5 =	simm.s32 @!p2 $0x0  }
0x1d: {  	s5 =	simm.s32 @p1 $0x1;
	p0 =	seq.s32 s7, s2  }
0x1e: {  	s7 =	smul.u32 @!p0 $0xF7A, s2;
	p2 =	seq.s32 @!p0 s5, $0x0  }
0x1f: {  	s9 =	smul.u32 $0xF7A, s1;
	s8 =	simm.s32 @!p0 $0x1BF5;
	p2 =	por !p2, p0  }
0x20: {  	[sflag:s8] =	ssyncset.s32 @!p0 $0xFFFFF086;
	s6 =	sadd.s32 @!p0 s3, s7;
	s7 =	simm.s32 @!p0 $0x108  }
0x21: {  	s3 =	sadd.s32 s3, s9;
	s6 =	sadd.s32 @!p0 $0x88, s6;
	s7 =	simm.s32 @p2 $0x1082  }
0x22: {  	[simem:s7], [sflag:s8] =	dma.local @!p0 [hbm:s6], $0xF7A  }
0x23: {  	s9 =	sor.u32 $0xD0000000, s2;
	s6 =	simm.s32 $0x108;
	_ =	swait.ge @!p0 [sflag:s8], $0x0  }
0x24: {  	s3 =	sadd.s32 $0x88, s3;
	s6 =	simm.s32 @!p1 $0x1082;
	[sflag:s4] =	ssyncset.s32 $0xFFFFF086  }
0x25: {  	[simem:s6], [sflag:s4] =	dma.local [hbm:s3], $0xF7A  }
0x26: {  	[smem:$0x3F86] =	sst s1;
	(tag) =	ssettag s2;
	_ =	strace s9  }
0x27: {  	s1 =	sld [smem:$0x3F96]  }
0x28: {  	s2 =	sld [smem:$0x3F97]  }
0x29: {  	s4 =	sld [smem:$0x3F99]  }
0x2a: {  	p0 =	seq.s32 s5, $0x0;
	s5 =	sld [smem:$0x3F9A]  }
0x2b: {  	s6 =	sld [smem:$0x3F9B]  }
0x2c: {  	s7 =	sld [smem:$0x3F9C]  }
0x2d: {  	s3 =	simm.s32 $0x108;
	s8 =	sld [smem:$0x3F9D]  }
0x2e: {  	s3 =	simm.s32 @!p0 $0x1082;
	s9 =	sld [smem:$0x3F9E]  }
0x2f: {  	lr =	sadd.s32 s0, s3;
	s0 =	sld [smem:$0x3F95]  }
0x30: {  	s3 =	sld [smem:$0x3F98]  }
0x31: {  	[smem:$0x3FA1] =	sst s10  }
0x32: {  	s10 =	sld [smem:$0x3F9F];
	_ =	sdelay $0x3  }
0x33: {  	p0 =	seq.s32 s10, $0x1;
	s10 =	sld [smem:$0x3FA1];
	_ =	sdelay $0x3  }
0x34: {  	[smem:$0x3FA1] =	sst s10  }
0x35: {  	s10 =	sld [smem:$0x3FA0];
	_ =	sdelay $0x3  }
0x36: {  	p1 =	seq.s32 s10, $0x1;
	s10 =	sld [smem:$0x3FA1];
	_ =	sdelay $0x3  }
0x37: {  	[smem:$0x3FA1] =	sst s10  }
0x38: {  	s10 =	sld [smem:$0x3FA2]  }
0x39: {  	_ = 	snop;
	(pc) =	sbr.ind lr, $3  }
0x3a: {  	_ = 	snop  }
0x3b: {  	_ = 	snop  }
0x3c: {  	p2 =	seq.s32 s10, $0x1;
	s10 =	sld [smem:$0x3FA1]  }
0x3d: {  	_ =	shalt  }
0x3e: {  	_ =	shalt  }
0x3f: {  	_ =	shalt  }
0x40: {  	_ =	shalt  }
0x41: {  	_ =	shalt  }
0x42: {  	_ =	shalt  }
0x43: {  	_ =	shalt  }
0x44: {  	_ =	shalt  }
0x45: {  	_ =	shalt  }
0x46: {  	_ =	shalt  }
0x47: {  	_ =	shalt  }
0x48: {  	_ =	shalt  }
0x49: {  	_ =	shalt  }
0x4a: {  	_ =	shalt  }
0x4b: {  	_ =	shalt  }
0x4c: {  	_ =	shalt  }
0x4d: {  	_ =	shalt  }
0x4e: {  	_ =	shalt  }
0x4f: {  	_ =	shalt  }
0x50: {  	_ =	shalt  }
0x51: {  	_ =	shalt  }
0x52: {  	_ =	shalt  }
0x53: {  	_ =	shalt  }
0x54: {  	_ =	shalt  }
0x55: {  	_ =	shalt  }
0x56: {  	_ =	shalt  }
0x57: {  	_ =	shalt  }
0x58: {  	_ =	shalt  }
0x59: {  	_ =	shalt  }
0x5a: {  	_ =	shalt  }
0x5b: {  	_ =	shalt  }
0x5c: {  	_ =	shalt  }
0x5d: {  	_ =	shalt  }
0x5e: {  	_ =	shalt  }
0x5f: {  	_ =	shalt  }
0x60: {  	_ =	shalt  }
0x61: {  	_ =	shalt  }
0x62: {  	_ =	shalt  }
0x63: {  	_ =	shalt  }
0x64: {  	_ =	shalt  }
0x65: {  	_ =	shalt  }
0x66: {  	_ =	shalt  }
0x67: {  	_ =	shalt  }
0x68: {  	_ =	shalt  }
0x69: {  	_ =	shalt  }
0x6a: {  	_ =	shalt  }
0x6b: {  	_ =	shalt  }
0x6c: {  	_ =	shalt  }
0x6d: {  	_ =	shalt  }
0x6e: {  	_ =	shalt  }
0x6f: {  	_ =	shalt  }
0x70: {  	_ =	shalt  }
0x71: {  	_ =	shalt  }
0x72: {  	_ =	shalt  }
0x73: {  	_ =	shalt  }
0x74: {  	_ =	shalt  }
0x75: {  	_ =	shalt  }
0x76: {  	_ =	shalt  }
0x77: {  	_ =	shalt  }
0x78: {  	_ =	shalt  }
0x79: {  	_ =	shalt  }
0x7a: {  	_ =	shalt  }
0x7b: {  	_ =	shalt  }
0x7c: {  	_ =	shalt  }
0x7d: {  	_ =	shalt  }
0x7e: {  	_ =	shalt  }
0x7f: {  	_ =	shalt  }
0x80: {  	_ =	shalt  }
0x81: {  	_ =	shalt  }
0x82: {  	_ =	shalt  }
0x83: {  	_ =	shalt  }
0x84: {  	_ =	shalt  }
0x85: {  	_ =	shalt  }
0x86: {  	_ =	shalt  }
0x87: {  	_ =	shalt  }
.Lfunc_end0:
.L_simem_size_0:
called_computation.2_lowered:
.L_overlay_start_0:
0x88: {  	s2 =	sld [smem:$0x3FD9]  }
0x89: {  	s3 =	sld [smem:$0x3FFE];
	_ =	sdelay $0x1  }
0x8a: {  	s1 =	srdreg.scid  }
0x8b: {  	s0 =	sand.u32 $0x1, s1  }
0x8c: {  	s16 =	sshll.u32 s0, $0xA;
	s2 =	sadd.s32 s3, s2  }
0x8d: {  	s2 =	sadd.s32 s2, s16  }
0x8e: {  	[smem:$0x3FAD] =	sst s2  }
0x8f: {  	_ = 	snop  }
0x90: {  	(tm) =	ssettm $0x1  }
0x91: {  	s17 =	sld [smem:$0x3FFB];
	_ =	sdelay $0x3  }
0x92: {  	_ =	strace s17  }
0x93: {  	s2 =	sld [smem:$0x3FFC];
	_ =	sdelay $0x3  }
0x94: {  	_ =	strace s2  }
0x95: {  	s2 =	sld [smem:$0x3FFD];
	_ =	sdelay $0x3  }
0x96: {  	_ =	strace s2  }
0x97: {  	_ =	strace $0x8FFFFFFF  }
0x98: {  	s18 =	sld [smem:$0x3FDB];
	_ =	sdelay $0x1  }
0x99: {  	s19 =	simm.s32 $_scs_section_size  }
0x9a: {  	s4 =	simm.s32 $_size__tile_overlayer_lowered;
	s5 =	simm.s32 $_tile_overlayer_lowered  }
0x9b: {  	s22 =	simm.s32 $0x1BFF;
	s21 =	sshll.u32 s5, $0x1;
	s2 =	sadd.s32 s19, s18  }
0x9c: {  	s6 =	simm.s32 $0x0;
	s20 =	sshll.u32 s4, $0x1;
	s4 =	sadd.s32 s21, s2  }
0x9d: {  	[timem:s6], [sflag:s22] =	dma.local [hbm:s4], s20  }
0x9e: {  	_ =	swait.ge [sflag:s22], s20  }
0x9f: {  	s3 =	ssub.s32 $0x0, s20;
	[sflag:s22] =	ssyncset.done $0x0  }
0xa0: {  	[sflag:s22] =	ssyncadd.s32 s3;
	_ =	sdelay $0x1  }
0xa1: {  	s23 =	simm.s32 $0x1B8B  }
0xa2: {  	_ =	swait.ge [sflag:s23], $0x1  }
0xa3: {  	[sflag:s23] =	ssyncset.done $0x0  }
0xa4: {  	s25 =	simm.s32 $0x1B8E;
	s24 =	sld [smem:$0x3FFE];
	[sflag:s23] =	ssyncadd.s32 $0xFFFFFFFF  }
0xa5: {  	s26 =	simm.s32 $execute0_lowered;
	[smem:$0x3FD2] =	sst s25  }
0xa6: {  	s4 =	sshll.u32 s26, $0x1;
	_ =	strace $0x8000004C;
	[dreg:$0x1] =	wrdreg $0xFFFFFFFF  }
0xa7: {  	s28 =	simm.s32 $_size_execute0_lowered;
	s2 =	sadd.s32 s2, s4;
	[dreg:$0x0] =	wrdreg $0x0  }
0xa8: {  	s4 =	sshll.u32 s28, $0x1;
	[dreg:$0x2] =	wrdreg s2  }
0xa9: {  	[dreg:$0x3] =	wrdreg s4  }
0xaa: {  	[dreg:$0x4] =	wrdreg $0xC0  }
0xab: {  	_ =	task [dreg:s6], $0x5FFFF  }
0xac: {  	[dreg:$0x1] =	wrdreg $0xFFFFFFFF  }
0xad: {  	[dreg:$0x0] =	wrdreg $0x60  }
0xae: {  	[dreg:$0x2] =	wrdreg s24  }
0xaf: {  	[dreg:$0x3] =	wrdreg $0x0  }
0xb0: {  	[dreg:$0x4] =	wrdreg $0x9  }
0xb1: {  	_ =	task.clear_ibuf [dreg:s6], $0x5FFFF;
	_ =	strace $0x9000004C  }
0xb2: {  	s29 =	simm.s32 $0x9;
	_ =	strace $0x8000004E  }
0xb3: {  	_ =	swait.ge [sflag:s29], $0x1  }
0xb4: {  	[sflag:s29] =	ssyncadd.s32 $0xFFFFFFFF  }
0xb5: {  	_ =	strace $0x9000004E  }
0xb6: {  	_ =	sfence  }
0xb7: {  	s30 =	sld [smem:$0x0];
	_ =	sdelay $0x2  }
0xb8: {  	s31 =	sshll.u32 s1, $0xD;
	s1 =	sshrl.u32 s1, $0x2  }
0xb9: {  	s3 =	sand.u32 $0x4000, s31;
	s1 =	sadd.s32 s1, s30  }
0xba: {  	s0 =	sor.u32 s3, s0;
	s1 =	sshll.u32 s1, $0x11  }
0xbb: {  	s0 =	sor.u32 s1, s0  }
0xbc: {  	s0 =	sadd.s32 $0x8F2B, s0  }
0xbd: {  	[sflag:s0] =	ssyncadd.remote.s32 $0x1  }
0xbe: {  	_ =	sfence.sel $0xFFFF  }
0xbf: {  	[dreg:$0x0] =	wrdreg $0xFFFFFFFF;
	(pc) =	sbr.abs _section_cstart, $3  }
0xc0: {  	[dreg:$0x1] =	wrdreg $0xFFFFFFFF  }
0xc1: {  	_ =	task.clear_ibuf [dreg:s6], $0x2FFFF;
	_ =	strace $0x9FFFFFFF  }
0xc2: {  	(tm) =	ssettm $0x7FFFFFFF  }
0xc3: {  	_ =	shalt  }
tec
execute0_lowered:
.L_overlay_start_1:
0x0: {  	(tag) =	ssettag $0x1  }
0x1: {  	s0 =	srdreg.scid  }
0x2: {  	s13 =	stileid.u32;
	s1 =	rddreg [dreg:$0x0]  }
0x3: {  	s2 =	rddreg [dreg:$0x1];
	s6 =	smul.u32 $0x4E200, s13  }
0x4: {  	s28 =	simm.s32 $0x5;
	s29 =	simm.s32 $0x1;
	s18 =	smul.u32 $0x13800, s13  }
0x5: {  	s30 =	simm.s32 $0x16000;
	s31 =	simm.s32 $0x16080;
	s20 =	smul.u32 $0x4E000, s13  }
0x6: {  	s0 =	sand.u32 $0x1, s0;
	s3 =	sshll.u32 s13, $0x1;
	s21 =	smul.u32 $0x4E20, s13  }
0x7: {  	s5 =	sadd.s32 $0x4C00, s1;
	s4 =	sor.u32 s0, s3;
	s15 =	smul.u32 $0x138800, s0  }
0x8: {  	s3 =	simm.s32 $0x0;
	s9 =	ssub.s32 $0x2, s0;
	s0 =	smul.u32 $0x2710, s0  }
0x9: {  	p0 =	sne.s32 s13, $0xF;
	s4 =	smul.u32 $0x2710, s4;
	[smem:$0x7FF] =	sst s3  }
0xa: {  	s10 =	sshrl.u32 s9, $0x1;
	s6 =	sshrl.u32 s6, $0x2;
	s25 =	sshrl.u32 s20, $0x2  }
0xb: {  	_ =	strace $0x8000004D;
	s9 =	ssub.s32 s9, s10;
	s6 =	sadd.s32 s6, s2  }
0xc: {  	s10 =	sadd.s32 s18, s15;
	s0 =	sadd.s32 s0, s21;
	s14 =	sadd.s32 $0x2800, s6  }
0xd: {  	s7 =	sshrl.u32 s4, $0x3;
	s16 =	sadd.s32 $0x5000, s6;
	[dreg:$0x4] =	wrdreg s14  }
0xe: {  	s4 =	sadd.s32 $0x18800, s1;
	s17 =	sadd.s32 $0x7800, s6;
	[dreg:$0x5] =	wrdreg s16  }
0xf: {  	s11 =	sadd.s32 $0xA000, s6;
	s19 =	sadd.s32 $0xC800, s6;
	[dreg:$0x6] =	wrdreg s17  }
0x10: {  	s12 =	sadd.s32 $0xF000, s6;
	s22 =	sshrl.u32 s10, $0x3;
	[dreg:$0x7] =	wrdreg s11  }
0x11: {  	s23 =	sadd.s32 $0x11800, s6;
	s26 =	sadd.s32 $0xF0, s0;
	[dreg:$0x8] =	wrdreg s19  }
0x12: {  	s10 =	simm.s32 $0x0;
	s8 =	sadd.s32 s7, s1;
	[dreg:$0x9] =	wrdreg s12  }
0x13: {  	s1 =	sadd.s32 $0x3FA00, s1;
	s14 =	sadd.s32 s5, s7;
	[dreg:$0xa] =	wrdreg s23  }
0x14: {  	s7 =	sadd.s32 s25, s2;
	s19 =	smax.u32 s9, $0x1;
	s23 =	simm.s32 $0x13880  }
0x15: {  	s9 =	simm.s32 $0x2;
	s8 =	sadd.s32 $0xEA00, s8;
	s24 =	sadd.s32 $0xA, s14  }
0x16: {  	s17 =	sadd.s32 s1, s22;
	s20 =	sadd.s32 $0x4D8, s14;
	[dreg:$0x3] =	wrdreg s8  }
0x17: {  	s22 =	sadd.s32 $0xA0, s0;
	s0 =	simm.s32 $0x18900;
	[dreg:$0xb] =	wrdreg s24  }
0x18: {  	s8 =	sshrl.u32 s15, $0x3;
	s24 =	sshrl.u32 s7, $0x3;
	s7 =	simm.s32 $0x3  }
0x19: {  	s1 =	sadd.s32 s1, s8;
	s8 =	sshrl.u32 s26, $0x3;
	s26 =	simm.s32 $0x16100  }
0x1a: {  	s18 =	sadd.s32 $0x27000, s1;
	s1 =	sadd.s32 $0x138000, s2;
	s21 =	sadd.s32 s8, s5  }
0x1b: {  	v0 =	vimm.f32 $0.0e+00;
	s8 =	simm.s32 $0x4;
	s25 =	sshrl.u32 @!p0 s1, $0x3;
	s1 =	simm.s32 $0x50  }
.LBB2_1:
0x1c: {  	s11 =	rddreg [dreg:$0x3]  }
0x1d: {  	[tilespmem:s23], [sflag:$0x1] =	stream.linear.gather [hbm4b:s11+s3], $0x2710, $0x38;
	[tilespmem:$0x1B100] =	vst v63  }
0x1e: {  	s12 =	simm.s32 $0x200;
	s11 =	simm.s32 $0x0  }
.LBB2_2:
0x1f: {  	p1 =	sne.s32 s12, $0x9E00;
	[tilespmem:s11+$0x16170] =	vst v0  }
0x20: {  	[tilespmem:s11+$0x16100] =	vst v0  }
0x21: {  	[tilespmem:s11+$0x16110] =	vst v0  }
.Ltmp0:
0x22: {  	[tilespmem:s11+$0x16120] =	vst v0;
	(pc) =	sbr.rel @p1 .LBB2_2-.Ltmp0, $4  }
0x23: {  	[tilespmem:s11+$0x16130] =	vst v0  }
0x24: {  	[tilespmem:s11+$0x16140] =	vst v0  }
0x25: {  	[tilespmem:s11+$0x16150] =	vst v0  }
0x26: {  	[tilespmem:s11+$0x16160] =	vst v0;
	s11 =	sshra.s32 s12, $0x2;
	s12 =	sadd.s32 $0x200, s12  }
0x27: {  	[tilespmem:s11+$0x16170] =	vst v0  }
0x28: {  	[tilespmem:s11+$0x16100] =	vst v0  }
0x29: {  	[tilespmem:s11+$0x16110] =	vst v0  }
0x2a: {  	[tilespmem:s11+$0x16120] =	vst v0  }
0x2b: {  	[tilespmem:s11+$0x16130] =	vst v0  }
0x2c: {  	[tilespmem:s11+$0x16140] =	vst v0  }
0x2d: {  	[tilespmem:s11+$0x16150] =	vst v0  }
0x2e: {  	[tilespmem:s11+$0x16160] =	vst v0  }
0x2f: {  	[spmem:s6] =	stream.linear.scatter [tilespmem:s26], [sflag:$0x5], $0x2800, $0x38;
	[tilespmem:$0x1B100] =	vst v63  }
0x30: {  	_ =	swait.ge [sflag:s28], $0x2800  }
0x31: {  	[sflag:s28] =	ssyncset.done $0x0  }
0x32: {  	s12 =	rddreg [dreg:$0x4];
	[sflag:s28] =	ssyncadd.s32 $0xFFFFD800  }
0x33: {  	[spmem:s12] =	stream.linear.scatter [tilespmem:s26], [sflag:$0x5], $0x2800, $0x38;
	[tilespmem:$0x1B100] =	vst v63  }
0x34: {  	_ =	swait.ge [sflag:s28], $0x2800  }
0x35: {  	[sflag:s28] =	ssyncset.done $0x0  }
0x36: {  	s13 =	rddreg [dreg:$0x5];
	[sflag:s28] =	ssyncadd.s32 $0xFFFFD800  }
0x37: {  	[spmem:s13] =	stream.linear.scatter [tilespmem:s26], [sflag:$0x5], $0x2800, $0x38;
	[tilespmem:$0x1B100] =	vst v63  }
0x38: {  	_ =	swait.ge [sflag:s28], $0x2800  }
0x39: {  	[sflag:s28] =	ssyncset.done $0x0  }
0x3a: {  	s15 =	rddreg [dreg:$0x6];
	[sflag:s28] =	ssyncadd.s32 $0xFFFFD800  }
0x3b: {  	[spmem:s15] =	stream.linear.scatter [tilespmem:s26], [sflag:$0x5], $0x2800, $0x38;
	[tilespmem:$0x1B100] =	vst v63  }
0x3c: {  	_ =	swait.ge [sflag:s28], $0x2800  }
0x3d: {  	[sflag:s28] =	ssyncset.done $0x0  }
0x3e: {  	s16 =	rddreg [dreg:$0x7];
	[sflag:s28] =	ssyncadd.s32 $0xFFFFD800  }
0x3f: {  	[spmem:s16] =	stream.linear.scatter [tilespmem:s26], [sflag:$0x5], $0x2800, $0x38;
	[tilespmem:$0x1B100] =	vst v63  }
0x40: {  	_ =	swait.ge [sflag:s28], $0x2800  }
0x41: {  	[sflag:s28] =	ssyncset.done $0x0  }
0x42: {  	s12 =	rddreg [dreg:$0x8];
	[sflag:s28] =	ssyncadd.s32 $0xFFFFD800  }
0x43: {  	[spmem:s12] =	stream.linear.scatter [tilespmem:s26], [sflag:$0x5], $0x2800, $0x38;
	[tilespmem:$0x1B100] =	vst v63  }
0x44: {  	_ =	swait.ge [sflag:s28], $0x2800  }
0x45: {  	[sflag:s28] =	ssyncset.done $0x0  }
0x46: {  	s13 =	rddreg [dreg:$0x9];
	[sflag:s28] =	ssyncadd.s32 $0xFFFFD800  }
0x47: {  	[spmem:s13] =	stream.linear.scatter [tilespmem:s26], [sflag:$0x5], $0x2800, $0x38;
	[tilespmem:$0x1B100] =	vst v63  }
0x48: {  	_ =	swait.ge [sflag:s28], $0x2800  }
0x49: {  	[sflag:s28] =	ssyncset.done $0x0  }
0x4a: {  	s15 =	rddreg [dreg:$0xa];
	[sflag:s28] =	ssyncadd.s32 $0xFFFFD800  }
0x4b: {  	[spmem:s15] =	stream.linear.scatter [tilespmem:s26], [sflag:$0x5], $0x2080, $0x38;
	[tilespmem:$0x1B100] =	vst v63  }
0x4c: {  	_ =	swait.ge [sflag:s28], $0x2080  }
0x4d: {  	[sflag:s28] =	ssyncset.done $0x0  }
0x4e: {  	[sflag:s28] =	ssyncadd.s32 $0xFFFFDF80  }
0x4f: {  	_ =	swait.ge [sflag:s29], $0x2710  }
0x50: {  	[sflag:s29] =	ssyncset.done $0x0  }
0x51: {  	[sflag:s29] =	ssyncadd.s32 $0xFFFFD8F0  }
0x52: {  	s16 =	simm.s32 $0x0;
	[bflag:$0x0] =	sbarrier.arrive $0xFFFF  }
0x53: {  	[tilespmem:s30], [sflag:$0x1] =	stream.linear.gather [hbm4b:s14+s16], $0x50, $0x38;
	[tilespmem:$0x1B100] =	vst v63  }
0x54: {  	s12 =	rddreg [dreg:$0xb]  }
0x55: {  	[tilespmem:s31], [sflag:$0x2] =	stream.linear.gather [hbm4b:s12+s16], $0x50, $0x38;
	[tilespmem:$0x1B100] =	vst v63  }
0x56: {  	_ = 	snop  }
0x57: {  	[tilespmem:s26], [sflag:$0x3] =	stream.indirect.gather [hbm4b:s4+s1], $0x80, s23, s1, $0xb8;
	[tilespmem:$0x1B100] =	vst v63  }
0x58: {  	s13 =	simm.s32 $0x138D0  }
0x59: {  	[tilespmem:s0], [sflag:$0x4] =	stream.indirect.gather [hbm4b:s4+s1], $0x80, s13, s1, $0xb8;
	[tilespmem:$0x1B100] =	vst v63  }
0x5a: {  	_ =	swait.ge [sflag:s7], $0x2800  }
0x5b: {  	[sflag:s7] =	ssyncset.done $0x0  }
0x5c: {  	[sflag:s7] =	ssyncadd.s32 $0xFFFFD800  }
0x5d: {  	_ =	swait.ge [sflag:s29], $0x50  }
0x5e: {  	[sflag:s29] =	ssyncset.done $0x0  }
0x5f: {  	[sflag:s29] =	ssyncadd.s32 $0xFFFFFFB0  }
0x60: {  	[spmem:s2] =	stream.indirect.scatter.add.f32 [tilespmem:s26], [sflag:$0x5], $0x80, s30, s1, $0xb8;
	[tilespmem:$0x1B100] =	vst v63  }
0x61: {  	_ =	swait.ge [sflag:s28], $0x2800  }
0x62: {  	s15 =	sshrl.u32 s22, $0x3;
	[sflag:s28] =	ssyncset.done $0x0  }
0x63: {  	s11 =	sadd.s32 s5, s15;
	[sflag:s28] =	ssyncadd.s32 $0xFFFFD800  }
0x64: {  	[tilespmem:s30], [sflag:$0x1] =	stream.linear.gather [hbm4b:s11+s3], $0x50, $0x38;
	[tilespmem:$0x1B100] =	vst v63  }
0x65: {  	s16 =	simm.s32 $0x13920  }
0x66: {  	[tilespmem:s26], [sflag:$0x3] =	stream.indirect.gather [hbm4b:s4+s1], $0x80, s16, s1, $0xb8;
	[tilespmem:$0x1B100] =	vst v63  }
0x67: {  	_ =	swait.ge [sflag:s8], $0x2800  }
0x68: {  	[sflag:s8] =	ssyncset.done $0x0  }
0x69: {  	[sflag:s8] =	ssyncadd.s32 $0xFFFFD800  }
0x6a: {  	_ =	swait.ge [sflag:s9], $0x50  }
0x6b: {  	[sflag:s9] =	ssyncset.done $0x0  }
0x6c: {  	[sflag:s9] =	ssyncadd.s32 $0xFFFFFFB0  }
0x6d: {  	[spmem:s2] =	stream.indirect.scatter.add.f32 [tilespmem:s0], [sflag:$0x5], $0x80, s31, s1, $0xb8;
	[tilespmem:$0x1B100] =	vst v63  }
0x6e: {  	_ =	swait.ge [sflag:s28], $0x2800  }
0x6f: {  	s15 =	sadd.s32 $0x0, s21;
	s12 =	simm.s32 $0x139C0;
	[sflag:s28] =	ssyncset.done $0x0  }
0x70: {  	s13 =	sadd.s32 $0xA0, s22;
	s11 =	simm.s32 $0x14;
	[sflag:s28] =	ssyncadd.s32 $0xFFFFD800  }
.LBB2_4:
0x71: {  	[tilespmem:s31], [sflag:$0x2] =	stream.linear.gather [hbm4b:s15+s3], $0x50, $0x38;
	[tilespmem:$0x1B100] =	vst v63  }
0x72: {  	s15 =	smov.u32 s11  }
0x73: {  	s16 =	sadd.s32 $0xFFFFFFB0, s12;
	p1 =	sne.s32 s11, $0x4B0;
	s11 =	sadd.s32 $0x14, s11  }
0x74: {  	[tilespmem:s0], [sflag:$0x4] =	stream.indirect.gather [hbm4b:s4+s1], $0x80, s16, s1, $0xb8;
	[tilespmem:$0x1B100] =	vst v63  }
0x75: {  	_ =	swait.ge [sflag:s7], $0x2800  }
0x76: {  	[sflag:s7] =	ssyncset.done $0x0  }
0x77: {  	[sflag:s7] =	ssyncadd.s32 $0xFFFFD800  }
0x78: {  	_ =	swait.ge [sflag:s29], $0x50  }
0x79: {  	[sflag:s29] =	ssyncset.done $0x0  }
0x7a: {  	[sflag:s29] =	ssyncadd.s32 $0xFFFFFFB0  }
0x7b: {  	[spmem:s2] =	stream.indirect.scatter.add.f32 [tilespmem:s26], [sflag:$0x5], $0x80, s30, s1, $0xb8;
	[tilespmem:$0x1B100] =	vst v63  }
0x7c: {  	_ =	swait.ge [sflag:s28], $0x2800  }
0x7d: {  	s16 =	sshrl.u32 s13, $0x3;
	[sflag:s28] =	ssyncset.done $0x0  }
0x7e: {  	s16 =	sadd.s32 s5, s16;
	[sflag:s28] =	ssyncadd.s32 $0xFFFFD800  }
0x7f: {  	[tilespmem:s30], [sflag:$0x1] =	stream.linear.gather [hbm4b:s16+s3], $0x50, $0x38;
	[tilespmem:$0x1B100] =	vst v63  }
0x80: {  	_ = 	snop  }
0x81: {  	[tilespmem:s26], [sflag:$0x3] =	stream.indirect.gather [hbm4b:s4+s1], $0x80, s12, s1, $0xb8;
	[tilespmem:$0x1B100] =	vst v63  }
0x82: {  	_ =	swait.ge [sflag:s8], $0x2800  }
0x83: {  	[sflag:s8] =	ssyncset.done $0x0  }
0x84: {  	[sflag:s8] =	ssyncadd.s32 $0xFFFFD800  }
0x85: {  	_ =	swait.ge [sflag:s9], $0x50  }
0x86: {  	[sflag:s9] =	ssyncset.done $0x0  }
.Ltmp1:
0x87: {  	[sflag:s9] =	ssyncadd.s32 $0xFFFFFFB0;
	(pc) =	sbr.rel @p1 .LBB2_4-.Ltmp1, $4  }
0x88: {  	[spmem:s2] =	stream.indirect.scatter.add.f32 [tilespmem:s0], [sflag:$0x5], $0x80, s31, s1, $0xb8;
	[tilespmem:$0x1B100] =	vst v63  }
0x89: {  	_ =	swait.ge [sflag:s28], $0x2800  }
0x8a: {  	s12 =	sadd.s32 $0xA0, s12;
	[sflag:s28] =	ssyncset.done $0x0  }
0x8b: {  	s15 =	sadd.s32 s15, s21;
	s13 =	sadd.s32 $0xA0, s13;
	[sflag:s28] =	ssyncadd.s32 $0xFFFFD800  }
0x8c: {  	[tilespmem:s31], [sflag:$0x2] =	stream.linear.gather [hbm4b:s15+s3], $0x50, $0x38;
	[tilespmem:$0x1B100] =	vst v63  }
0x8d: {  	s11 =	simm.s32 $0x15EF0  }
0x8e: {  	[tilespmem:s0], [sflag:$0x4] =	stream.indirect.gather [hbm4b:s4+s1], $0x80, s11, s1, $0xb8;
	[tilespmem:$0x1B100] =	vst v63  }
0x8f: {  	_ =	swait.ge [sflag:s7], $0x2800  }
0x90: {  	[sflag:s7] =	ssyncset.done $0x0  }
0x91: {  	[sflag:s7] =	ssyncadd.s32 $0xFFFFD800  }
0x92: {  	_ =	swait.ge [sflag:s29], $0x50  }
0x93: {  	[sflag:s29] =	ssyncset.done $0x0  }
0x94: {  	[sflag:s29] =	ssyncadd.s32 $0xFFFFFFB0  }
0x95: {  	[spmem:s2] =	stream.indirect.scatter.add.f32 [tilespmem:s26], [sflag:$0x5], $0x80, s30, s1, $0xb8;
	[tilespmem:$0x1B100] =	vst v63  }
0x96: {  	_ =	swait.ge [sflag:s28], $0x2800  }
0x97: {  	[sflag:s28] =	ssyncset.done $0x0  }
0x98: {  	[sflag:s28] =	ssyncadd.s32 $0xFFFFD800  }
0x99: {  	[tilespmem:s30], [sflag:$0x1] =	stream.linear.gather [hbm4b:s20+s3], $0x50, $0x38;
	[tilespmem:$0x1B100] =	vst v63  }
0x9a: {  	s15 =	simm.s32 $0x15F40  }
0x9b: {  	[tilespmem:s26], [sflag:$0x3] =	stream.indirect.gather [hbm4b:s4+s1], $0x80, s15, s1, $0xb8;
	[tilespmem:$0x1B100] =	vst v63  }
0x9c: {  	_ =	swait.ge [sflag:s8], $0x2800  }
0x9d: {  	[sflag:s8] =	ssyncset.done $0x0  }
0x9e: {  	[sflag:s8] =	ssyncadd.s32 $0xFFFFD800  }
0x9f: {  	_ =	swait.ge [sflag:s9], $0x50  }
0xa0: {  	[sflag:s9] =	ssyncset.done $0x0  }
0xa1: {  	[sflag:s9] =	ssyncadd.s32 $0xFFFFFFB0  }
0xa2: {  	[spmem:s2] =	stream.indirect.scatter.add.f32 [tilespmem:s0], [sflag:$0x5], $0x80, s31, s1, $0xb8;
	[tilespmem:$0x1B100] =	vst v63  }
0xa3: {  	_ =	swait.ge [sflag:s28], $0x2800  }
0xa4: {  	[sflag:s28] =	ssyncset.done $0x0  }
0xa5: {  	[sflag:s28] =	ssyncadd.s32 $0xFFFFD800  }
0xa6: {  	_ =	swait.ge [sflag:s7], $0x2800  }
0xa7: {  	[sflag:s7] =	ssyncset.done $0x0  }
0xa8: {  	[sflag:s7] =	ssyncadd.s32 $0xFFFFD800  }
0xa9: {  	_ =	swait.ge [sflag:s29], $0x50  }
0xaa: {  	[sflag:s29] =	ssyncset.done $0x0  }
0xab: {  	[sflag:s29] =	ssyncadd.s32 $0xFFFFFFB0  }
0xac: {  	[spmem:s2] =	stream.indirect.scatter.add.f32 [tilespmem:s26], [sflag:$0x5], $0x80, s30, s1, $0xb8;
	[tilespmem:$0x1B100] =	vst v63  }
0xad: {  	_ =	swait.ge [sflag:s28], $0x2800  }
0xae: {  	s16 =	stileid.u32;
	[sflag:s28] =	ssyncset.done $0x0  }
0xaf: {  	s11 =	sshll.u32 s16, $0x6;
	[sflag:s28] =	ssyncadd.s32 $0xFFFFD800  }
0xb0: {  	s11 =	sor.u32 $0x1C05, s11;
	[bflag:$0x0] =	sbarrier.arrive $0xFFFF  }
0xb1: {  	[hbm:s17], [sflag:s11] =	dma.local [spmem:s24], $0x2700  }
0xb2: {  	_ =	swait.ge [sflag:s28], $0x2700  }
0xb3: {  	s10 =	sadd.s32 $0x1, s10;
	[sflag:s28] =	ssyncset.done $0x0  }
0xb4: {  	p1 =	sne.s32 s10, s19;
	[sflag:s28] =	ssyncadd.s32 $0xFFFFD900  }
0xb5: {  	[hbm:s18], [sflag:s11] =	dma.local @!p0 [spmem:s25], $0x100  }
.Ltmp2:
0xb6: {  	_ = 	snop;
	(pc) =	sbr.rel @p1 .LBB2_1-.Ltmp2, $4  }
0xb7: {  	s11 =	simm.s32 @!p0 $0x5  }
0xb8: {  	_ =	swait.ge @!p0 [sflag:s11], $0x100  }
0xb9: {  	[sflag:s11] =	ssyncset.done @!p0 $0x0  }
0xba: {  	[sflag:s11] =	ssyncadd.s32 @!p0 $0xFFFFFF00  }
0xbb: {  	_ =	sfence.sel $0x180000  }
0xbc: {  	[bflag:$0x0] =	sbarrier.arrive $0xFFFF  }
0xbd: {  	_ =	strace $0x9000004D  }
0xbe: {  	s0 =	stileid.u32;
	[bflag:$0x2] =	sbarrier.arrive $0xFFFF  }
0xbf: {  	p0 =	sne.s32 s0, $0x0;
	s0 =	rddreg [dreg:$0x2]  }
0xc0: {  	s0 =	sadd.s32 @!p0 $0x100000, s0  }
0xc1: {  	[sflag:s0] =	ssyncadd.tile.s32 @!p0 $0x1;
	_ =	shalt  }
.Lfunc_end2:
_tile_overlayer_lowered:
.L_overlay_start_2:
0xc2: {  	(tag) =	ssettag $0x2  }
0xc3: {  	s0 =	rddreg [dreg:$0x0];
	s2 =	stileid.u32  }
0xc4: {  	s1 =	rddreg [dreg:$0x1];
	p0 =	sne.s32 s2, $0x0  }
0xc5: {  	s3 =	rddreg [dreg:$0x2];
	[bflag:$0x3] =	sbarrier.arrive $0xFFFF;
	s2 =	simm.s32 @!p0 $0x1C05  }
0xc6: {  	[timem:s3], [sflag:s2] =	dma.local @!p0 [hbm:s0], s1  }
0xc7: {  	s0 =	simm.s32 @!p0 $0x5  }
0xc8: {  	_ =	swait.ge @!p0 [sflag:s0], s1  }
0xc9: {  	s1 =	ssub.s32 @!p0 $0x0, s1;
	[sflag:s0] =	ssyncset.done @!p0 $0x0  }
0xca: {  	[sflag:s0] =	ssyncadd.s32 @!p0 s1  }
0xcb: {  	[bflag:$0x3] =	sbarrier.arrive $0xFFFF  }
0xcc: {  	_ =	shalt  }

</sc_bundles>
